<compile_context>
chip_gen: v7x
topology: tpu7x:2x2x1
jax: 0.10.2.dev20260603
libtpu: 0.0.44.dev20260713+nightly
codegen_flags: <defaults>
</compile_context>

<pallas_src>
import jax
import jax.numpy as jnp
from jax import lax
from jax.experimental import pallas as pl
from jax.experimental.pallas import tpu as pltpu
from jax.experimental.pallas import tpu_sc as plsc

NC = 2
NS = 16
NW = NC * NS
BSZ = 1024
NBUF = 3



def _make_sc_agg(n, per_tile, e, with_cnt):
  n_full, tail = divmod(per_tile, BSZ)
  total = n_full + (1 if tail else 0)
  epi = (total % NBUF) + NBUF
  n_loop = total - epi
  assert n_loop >= 0 and n_loop % NBUF == 0 and total >= 2
  assert tail % 8 == 0
  rpt = -(-n // NS)
  rpt += -rpt % 8
  last_rows = n - (NS - 1) * rpt
  assert 0 < last_rows <= rpt
  mesh = plsc.VectorSubcoreMesh(core_axis_name="c", subcore_axis_name="s")

  out_type = [jax.ShapeDtypeStruct((NC, n, 16), jnp.float32)]
  scratch = (
      [pltpu.VMEM((per_tile,), jnp.int32)] * 2
      + [pltpu.VMEM((BSZ, 16), jnp.float32)] * NBUF
      + [pltpu.VMEM((rpt, 16), jnp.float32)]
      + [pltpu.VMEM_SHARED((n, 16), jnp.float32)]
      + [pltpu.SemaphoreType.DMA] * (2 * NBUF)
  )
  if with_cnt:
    out_type.append(jax.ShapeDtypeStruct((NC, n, 16), jnp.float32))
    scratch += [
        pltpu.VMEM((BSZ, 16), jnp.float32),
        pltpu.VMEM_SHARED((n, 16), jnp.float32),
        pltpu.SemaphoreType.DMA,
    ]

  def body(table, ei, *rest):
    if with_cnt:
      out_f, out_c = rest[0], rest[1]
      rest = rest[2:]
      ones_v, cnt_s, csem = rest[-3:]
    else:
      out_f = rest[0]
      rest = rest[1:]
      out_c = ones_v = cnt_s = csem = None
    src_v, dst_v = rest[0], rest[1]
    rows = rest[2:2 + NBUF]
    stripe_v = rest[2 + NBUF]
    acc_s = rest[3 + NBUF]
    gsem = rest[4 + NBUF:4 + 2 * NBUF]
    ssem = rest[4 + 2 * NBUF:4 + 3 * NBUF]
    c = lax.axis_index("c")
    s = lax.axis_index("s")
    w = s * NC + c

    assert rpt % 8 == 0
    def zrow(i, _):
      for j in range(8):
        stripe_v[i * 8 + j, :] = jnp.zeros((16,), jnp.float32)
      return _
    lax.fori_loop(0, rpt // 8, zrow, None)

    def zero_acc(acc):
      @pl.when(s < NS - 1)
      def _():
        pltpu.sync_copy(stripe_v, acc.at[pl.ds(s * rpt, rpt)])

      @pl.when(s == NS - 1)
      def _():
        pltpu.sync_copy(stripe_v.at[pl.ds(0, last_rows)],
                        acc.at[pl.ds((NS - 1) * rpt, last_rows)])

    zero_acc(acc_s)
    if with_cnt:
      zero_acc(cnt_s)

      def orow(i, _):
        for j in range(8):
          ones_v[i * 8 + j, :] = jnp.ones((16,), jnp.float32)
        return _
      lax.fori_loop(0, BSZ // 8, orow, None)

    base = w * per_tile
    pltpu.sync_copy(ei.at[pl.ds(base, per_tile)], src_v)
    pltpu.sync_copy(ei.at[pl.ds(e + base, per_tile)], dst_v)
    plsc.subcore_barrier()

    def blk_sz(bi):
      return tail if (tail and bi == total - 1) else BSZ

    def rbuf(b, sz):
      return rows[b] if sz == BSZ else rows[b].at[pl.ds(0, sz)]

    def gath(bi, b, sz=BSZ):
      return pltpu.make_async_copy(
          table.at[src_v.at[pl.ds(bi * BSZ, sz)]], rbuf(b, sz), gsem[b])

    def scat(bi, b, sz=BSZ):
      return pltpu.make_async_copy(
          rbuf(b, sz), acc_s.at[dst_v.at[pl.ds(bi * BSZ, sz)]], ssem[b])

    def cscat(bi, sz=BSZ):
      ones = ones_v if sz == BSZ else ones_v.at[pl.ds(0, sz)]
      return pltpu.make_async_copy(
          ones, cnt_s.at[dst_v.at[pl.ds(bi * BSZ, sz)]], csem)

    gath(0, 0).start()
    gath(1, 1).start()

    def maybe(bi, cond, fn):
      if isinstance(bi, int):
        if cond:
          fn()
      else:
        pl.when(cond)(fn)

    def step(bi, b, nb, sz, ahead_sz):
      maybe(bi, bi >= NBUF - 2, lambda: scat(bi + 2 - NBUF, nb).wait())
      if ahead_sz:
        gath(bi + 2, nb, ahead_sz).start()
      gath(bi, b, sz).wait()
      scat(bi, b, sz).start(add=True)
      if with_cnt:
        cscat(bi, sz).start(add=True)
        maybe(bi, bi >= NBUF, lambda: cscat(bi - NBUF).wait())

    def quad(qi, _):
      for b in range(NBUF):
        bi = qi * NBUF + b
        step(bi, b, (b + 2) % NBUF, BSZ, ahead_sz=BSZ)
      return _
    lax.fori_loop(0, n_loop // NBUF, quad, None)

    for bi in range(n_loop, total):
      b = bi % NBUF
      ahead = blk_sz(bi + 2) if bi + 2 < total else None
      step(bi, b, (b + 2) % NBUF, blk_sz(bi), ahead_sz=ahead)

    for bi in range(total - (NBUF - 2), total):
      scat(bi, bi % NBUF, blk_sz(bi)).wait()
    if with_cnt:
      for bi in range(max(0, total - NBUF), total):
        cscat(bi, blk_sz(bi)).wait()
    plsc.subcore_barrier()

    def writeback(acc, out):
      @pl.when(s < NS - 1)
      def _():
        sl = pl.ds(s * rpt, rpt)
        pltpu.sync_copy(acc.at[sl], out.at[c, sl])

      @pl.when(s == NS - 1)
      def _():
        sl = pl.ds((NS - 1) * rpt, last_rows)
        pltpu.sync_copy(acc.at[sl], out.at[c, sl])

    writeback(acc_s, out_f)
    if with_cnt:
      writeback(cnt_s, out_c)

  return pl.kernel(
      body, out_type, mesh=mesh, scratch_types=scratch,
      compiler_params=pltpu.CompilerParams(use_tc_tiling_on_sc=False))




def _tc1_body(x3_ref, wl_ref, wr_ref, pl_ref, pr_ref):
  wl = wl_ref[...]
  wr = wr_ref[...]
  for j in range(8):
    xj = x3_ref[:, j, :]
    pl_ref[:, j * 16:(j + 1) * 16] = jnp.dot(
        xj, wl, preferred_element_type=jnp.float32)
    pr_ref[:, j * 16:(j + 1) * 16] = jnp.dot(
        xj, wr, preferred_element_type=jnp.float32)


def _tc2_body(accf_ref, accc_ref, xr_ref, b1_ref, wl_ref, wr_ref,
              hp_ref, hr_ref):
  f = accf_ref[0] + accf_ref[1]
  cnt = accc_ref[0] + accc_ref[1]
  mean = f / jnp.maximum(cnt, 1.0)
  h = jnp.maximum(mean + b1_ref[...] + xr_ref[...], 0.0)
  hp_ref[...] = jnp.dot(h, wl_ref[...], preferred_element_type=jnp.float32)
  hr_ref[...] = jnp.dot(h, wr_ref[...], preferred_element_type=jnp.float32)


def _tc3_body(accf_ref, accc_ref, hr_ref, b2_ref, onesbd_ref, out_ref):
  f = accf_ref[0] + accf_ref[1]
  cnt = accc_ref[0] + accc_ref[1]
  z = f / jnp.maximum(cnt, 1.0) + b2_ref[...] + hr_ref[...]
  off = jax.lax.broadcasted_iota(jnp.int32, z.shape, 1) % 16
  m = z
  for sft in (1, 2, 4, 8):
    right = pltpu.roll(m, 128 - sft, 1)
    left = pltpu.roll(m, sft, 1)
    m = jnp.where(off + sft < 16, jnp.maximum(m, right), m)
    m = jnp.where(off >= sft, jnp.maximum(m, left), m)
  zs = z - m
  e = jnp.exp(zs)
  s_all = jnp.dot(e, onesbd_ref[...], preferred_element_type=jnp.float32)
  out_ref[...] = zs - jnp.log(s_all)


def _block_diag8(w):
  return jnp.einsum("jJ,kf->jkJf", jnp.eye(8, dtype=w.dtype), w).reshape(
      8 * w.shape[0], 8 * w.shape[1])



def kernel(x, edge_index, W1l, b1, W1r, W2l, b2, W2r):
  n, f_in = x.shape
  e = edge_index.shape[1]
  h = W1l.shape[1]
  assert h == 16 and W2l.shape[1] == 16 and n % 8 == 0

  per_tile, rem = divmod(e, NW)
  assert rem == 0 and per_tile % 8 == 0

  npk = n // 8
  blk = npk
  grid = 1

  ei = edge_index.astype(jnp.int32).reshape(2 * e)
  x3 = x.reshape(npk, 8, f_in)
  Wd2l = _block_diag8(W2l)
  Wd2r = _block_diag8(W2r)
  b1t = jnp.tile(b1, 8).reshape(1, 8 * h)
  b2t = jnp.tile(b2, 8).reshape(1, 8 * h)

  pk_spec = pl.BlockSpec((blk, 128), lambda i: (i, 0))
  acc_spec = pl.BlockSpec((NC, blk, 128), lambda i: (0, i, 0))
  wd_spec = pl.BlockSpec((128, 128), lambda i: (0, 0))
  b_spec = pl.BlockSpec((1, 128), lambda i: (0, 0))
  x3_spec = pl.BlockSpec((blk, 8, f_in), lambda i: (i, 0, 0))
  w1_spec = pl.BlockSpec((f_in, h), lambda i: (0, 0))
  pk_shape = jax.ShapeDtypeStruct((npk, 128), jnp.float32)

  xp1, xr1 = pl.pallas_call(
      _tc1_body, grid=(grid,), in_specs=[x3_spec, w1_spec, w1_spec],
      out_specs=[pk_spec] * 2, out_shape=[pk_shape] * 2)(x3, W1l, W1r)

  agg1 = _make_sc_agg(n, per_tile, e, with_cnt=True)
  acc1, acc_cnt = agg1(xp1.reshape(n, h), ei)
  acc1 = acc1.reshape(NC, npk, 128)
  acc_cnt = acc_cnt.reshape(NC, npk, 128)

  hp2, hr2 = pl.pallas_call(
      _tc2_body, grid=(grid,),
      in_specs=[acc_spec, acc_spec, pk_spec, b_spec, wd_spec, wd_spec],
      out_specs=[pk_spec] * 2, out_shape=[pk_shape] * 2,
  )(acc1, acc_cnt, xr1, b1t, Wd2l, Wd2r)

  agg2 = _make_sc_agg(n, per_tile, e, with_cnt=False)
  (acc2,) = agg2(hp2.reshape(n, h), ei)
  acc2 = acc2.reshape(NC, npk, 128)

  onesbd = _block_diag8(jnp.ones((h, h), jnp.float32))
  out_pk = pl.pallas_call(
      _tc3_body, grid=(grid,),
      in_specs=[acc_spec, acc_spec, pk_spec, b_spec, wd_spec],
      out_specs=pk_spec, out_shape=pk_shape,
  )(acc2, acc_cnt, hr2, b2t, onesbd)

  return out_pk.reshape(n, h)

# --- scband reference (transcript-rebuilt; emitter-appended) ---
"""Pipeline reference for scband-quick-gcn-6717328851470 (READ-ONLY COPY).

The authoritative reference and input builder live on the scoring server;
editing this copy changes nothing except your own understanding.
"""

import jax, jax.numpy as jnp
import numpy as np

N, E, F_IN, H, C = 10000, 320000, 128, 16, 16

def setup_inputs(seed: int = 0) -> dict:
    key = jax.random.key(seed)
    ks = jax.random.split(key, 8)
    x = jax.random.normal(ks[0], (N, F_IN), dtype=jnp.float32)
    edge_index = jax.random.randint(ks[1], (2, E), 0, N, dtype=jnp.int32)
    W1l = jax.random.normal(ks[2], (F_IN, H), dtype=jnp.float32) / np.sqrt(F_IN)
    b1 = jnp.zeros((H,), dtype=jnp.float32)
    W1r = jax.random.normal(ks[3], (F_IN, H), dtype=jnp.float32) / np.sqrt(F_IN)
    W2l = jax.random.normal(ks[4], (H, C), dtype=jnp.float32) / np.sqrt(H)
    b2 = jnp.zeros((C,), dtype=jnp.float32)
    W2r = jax.random.normal(ks[5], (H, C), dtype=jnp.float32) / np.sqrt(H)
    return {"x": x, "edge_index": edge_index, "W1l": W1l, "b1": b1, "W1r": W1r, "W2l": W2l, "b2": b2, "W2r": W2r}

def _sage_conv(x, src, dst, n, Wl, b, Wr):
    # PyG SAGEConv with mean aggregation: out = lin_l(mean_{j in N(i)} x_j) + lin_r(x_i)
    msgs = jnp.take(x, src, axis=0)
    s = jax.ops.segment_sum(msgs, dst, num_segments=n)
    cnt = jax.ops.segment_sum(jnp.ones((src.shape[0],), dtype=x.dtype), dst, num_segments=n)
    mean = s / jnp.clip(cnt, 1.0)[:, None]
    return mean @ Wl + b + x @ Wr

def reference(x, edge_index, W1l, b1, W1r, W2l, b2, W2r):
    n = x.shape[0]
    src = edge_index[0]
    dst = edge_index[1]
    h = _sage_conv(x, src, dst, n, W1l, b1, W1r)
    h = jax.nn.relu(h)
    # F.dropout with training=self.training; eval mode -> identity
    out = _sage_conv(h, src, dst, n, W2l, b2, W2r)
    return jax.nn.log_softmax(out, axis=1)

if __name__ == "__main__":
    import jax
    _d = setup_inputs()
    print(jax.jit(kernel)(*tuple(_d.values())))

</pallas_src>

<mosaic_0001>
#map = affine_map<(d0, d1) -> (0, 0)>
#map1 = affine_map<(d0, d1) -> (0)>
#map2 = affine_map<(d0, d1) -> (0, 0, 0)>
module attributes {stable_mosaic.version = 14 : i64} {
  func.func @body(%arg0: i32, %arg1: i32, %arg2: memref<10000x16xf32, #tpu.memory_space<hbm>>, %arg3: memref<640000xi32, #tpu.memory_space<hbm>>, %arg4: memref<2x10000x16xf32, #tpu.memory_space<hbm>>, %arg5: memref<10000xi32, #tpu.memory_space<vmem>>, %arg6: memref<10000xi32, #tpu.memory_space<vmem>>, %arg7: memref<1024x16xf32, #tpu.memory_space<vmem>>, %arg8: memref<1024x16xf32, #tpu.memory_space<vmem>>, %arg9: memref<1024x16xf32, #tpu.memory_space<vmem>>, %arg10: memref<632x16xf32, #tpu.memory_space<vmem>>, %arg11: memref<10000x16xf32, #tpu.memory_space<vmem_shared>>, %arg12: memref<!tpu.dma_semaphore, #tpu.memory_space<semaphore_mem>>, %arg13: memref<!tpu.dma_semaphore, #tpu.memory_space<semaphore_mem>>, %arg14: memref<!tpu.dma_semaphore, #tpu.memory_space<semaphore_mem>>, %arg15: memref<!tpu.dma_semaphore, #tpu.memory_space<semaphore_mem>>, %arg16: memref<!tpu.dma_semaphore, #tpu.memory_space<semaphore_mem>>, %arg17: memref<!tpu.dma_semaphore, #tpu.memory_space<semaphore_mem>>) attributes {dimension_semantics = [#tpu.dimension_semantics<core_parallel>, #tpu.dimension_semantics<subcore_parallel>], iteration_bounds = array<i64: 2, 16>, scalar_prefetch = 0 : i64, scratch_operands = 13 : i64, tpu.core_type = #tpu.core_type<sc_vector_subcore>, window_params = [{transform_indices = #map}, {transform_indices = #map1}, {transform_indices = #map2}]} {
    %mul3A = arith.constant 2 : i32
    %mul3A_0 = arith.muli %arg1, %mul3A : i32
    %add3A = arith.addi %mul3A_0, %arg0 : i32
    %scan3A = arith.constant 0 : i32
    %scan3A_1 = arith.constant 79 : i32
    %scan3A_2 = arith.addi %scan3A, %scan3A_1 : i32
    %scan3A_3 = arith.constant 1 : i32
    scf.for %scan3A_126 = %scan3A to %scan3A_2 step %scan3A_3  : i32 {
      %broadcast_in_dim3A = arith.constant 0.000000e+00 : f32
      %broadcast_in_dim3A_127 = vector.broadcast %broadcast_in_dim3A : f32 to vector<16xf32>
      %mul3A_128 = arith.constant 8 : i32
      %mul3A_129 = arith.muli %scan3A_126, %mul3A_128 : i32
      %add3A_130 = arith.constant 0 : i32
      %add3A_131 = arith.addi %mul3A_129, %add3A_130 : i32
      %swap3A = arith.index_cast %add3A_131 : i32 to index
      %swap3A_132 = arith.constant 0 : index
      %swap3A_133 = tpu.vector_load %arg10[%swap3A, %swap3A_132] {strides = array<i32>} : memref<632x16xf32, #tpu.memory_space<vmem>>, vector<1x16xf32>,
      %swap3A_134 = vector.shape_cast %swap3A_133 : vector<1x16xf32> to vector<16xf32>
      %swap3A_135 = vector.shape_cast %broadcast_in_dim3A_127 : vector<16xf32> to vector<1x16xf32>
      tpu.vector_store %arg10[%swap3A, %swap3A_132], %swap3A_135 {strides = array<i32>} : memref<632x16xf32, #tpu.memory_space<vmem>>, vector<1x16xf32>,
      %broadcast_in_dim3A_136 = arith.constant 0.000000e+00 : f32
      %broadcast_in_dim3A_137 = vector.broadcast %broadcast_in_dim3A_136 : f32 to vector<16xf32>
      %mul3A_138 = arith.constant 8 : i32
      %mul3A_139 = arith.muli %scan3A_126, %mul3A_138 : i32
      %add3A_140 = arith.constant 1 : i32
      %add3A_141 = arith.addi %mul3A_139, %add3A_140 : i32
      %swap3A_142 = arith.index_cast %add3A_141 : i32 to index
      %swap3A_143 = arith.constant 0 : index
      %swap3A_144 = tpu.vector_load %arg10[%swap3A_142, %swap3A_143] {strides = array<i32>} : memref<632x16xf32, #tpu.memory_space<vmem>>, vector<1x16xf32>,
      %swap3A_145 = vector.shape_cast %swap3A_144 : vector<1x16xf32> to vector<16xf32>
      %swap3A_146 = vector.shape_cast %broadcast_in_dim3A_137 : vector<16xf32> to vector<1x16xf32>
      tpu.vector_store %arg10[%swap3A_142, %swap3A_143], %swap3A_146 {strides = array<i32>} : memref<632x16xf32, #tpu.memory_space<vmem>>, vector<1x16xf32>,
      %broadcast_in_dim3A_147 = arith.constant 0.000000e+00 : f32
      %broadcast_in_dim3A_148 = vector.broadcast %broadcast_in_dim3A_147 : f32 to vector<16xf32>
      %mul3A_149 = arith.constant 8 : i32
      %mul3A_150 = arith.muli %scan3A_126, %mul3A_149 : i32
      %add3A_151 = arith.constant 2 : i32
      %add3A_152 = arith.addi %mul3A_150, %add3A_151 : i32
      %swap3A_153 = arith.index_cast %add3A_152 : i32 to index
      %swap3A_154 = arith.constant 0 : index
      %swap3A_155 = tpu.vector_load %arg10[%swap3A_153, %swap3A_154] {strides = array<i32>} : memref<632x16xf32, #tpu.memory_space<vmem>>, vector<1x16xf32>,
      %swap3A_156 = vector.shape_cast %swap3A_155 : vector<1x16xf32> to vector<16xf32>
      %swap3A_157 = vector.shape_cast %broadcast_in_dim3A_148 : vector<16xf32> to vector<1x16xf32>
      tpu.vector_store %arg10[%swap3A_153, %swap3A_154], %swap3A_157 {strides = array<i32>} : memref<632x16xf32, #tpu.memory_space<vmem>>, vector<1x16xf32>,
      %broadcast_in_dim3A_158 = arith.constant 0.000000e+00 : f32
      %broadcast_in_dim3A_159 = vector.broadcast %broadcast_in_dim3A_158 : f32 to vector<16xf32>
      %mul3A_160 = arith.constant 8 : i32
      %mul3A_161 = arith.muli %scan3A_126, %mul3A_160 : i32
      %add3A_162 = arith.constant 3 : i32
      %add3A_163 = arith.addi %mul3A_161, %add3A_162 : i32
      %swap3A_164 = arith.index_cast %add3A_163 : i32 to index
      %swap3A_165 = arith.constant 0 : index
      %swap3A_166 = tpu.vector_load %arg10[%swap3A_164, %swap3A_165] {strides = array<i32>} : memref<632x16xf32, #tpu.memory_space<vmem>>, vector<1x16xf32>,
      %swap3A_167 = vector.shape_cast %swap3A_166 : vector<1x16xf32> to vector<16xf32>
      %swap3A_168 = vector.shape_cast %broadcast_in_dim3A_159 : vector<16xf32> to vector<1x16xf32>
      tpu.vector_store %arg10[%swap3A_164, %swap3A_165], %swap3A_168 {strides = array<i32>} : memref<632x16xf32, #tpu.memory_space<vmem>>, vector<1x16xf32>,
      %broadcast_in_dim3A_169 = arith.constant 0.000000e+00 : f32
      %broadcast_in_dim3A_170 = vector.broadcast %broadcast_in_dim3A_169 : f32 to vector<16xf32>
      %mul3A_171 = arith.constant 8 : i32
      %mul3A_172 = arith.muli %scan3A_126, %mul3A_171 : i32
      %add3A_173 = arith.constant 4 : i32
      %add3A_174 = arith.addi %mul3A_172, %add3A_173 : i32
      %swap3A_175 = arith.index_cast %add3A_174 : i32 to index
      %swap3A_176 = arith.constant 0 : index
      %swap3A_177 = tpu.vector_load %arg10[%swap3A_175, %swap3A_176] {strides = array<i32>} : memref<632x16xf32, #tpu.memory_space<vmem>>, vector<1x16xf32>,
      %swap3A_178 = vector.shape_cast %swap3A_177 : vector<1x16xf32> to vector<16xf32>
      %swap3A_179 = vector.shape_cast %broadcast_in_dim3A_170 : vector<16xf32> to vector<1x16xf32>
      tpu.vector_store %arg10[%swap3A_175, %swap3A_176], %swap3A_179 {strides = array<i32>} : memref<632x16xf32, #tpu.memory_space<vmem>>, vector<1x16xf32>,
      %broadcast_in_dim3A_180 = arith.constant 0.000000e+00 : f32
      %broadcast_in_dim3A_181 = vector.broadcast %broadcast_in_dim3A_180 : f32 to vector<16xf32>
      %mul3A_182 = arith.constant 8 : i32
      %mul3A_183 = arith.muli %scan3A_126, %mul3A_182 : i32
      %add3A_184 = arith.constant 5 : i32
      %add3A_185 = arith.addi %mul3A_183, %add3A_184 : i32
      %swap3A_186 = arith.index_cast %add3A_185 : i32 to index
      %swap3A_187 = arith.constant 0 : index
      %swap3A_188 = tpu.vector_load %arg10[%swap3A_186, %swap3A_187] {strides = array<i32>} : memref<632x16xf32, #tpu.memory_space<vmem>>, vector<1x16xf32>,
      %swap3A_189 = vector.shape_cast %swap3A_188 : vector<1x16xf32> to vector<16xf32>
      %swap3A_190 = vector.shape_cast %broadcast_in_dim3A_181 : vector<16xf32> to vector<1x16xf32>
      tpu.vector_store %arg10[%swap3A_186, %swap3A_187], %swap3A_190 {strides = array<i32>} : memref<632x16xf32, #tpu.memory_space<vmem>>, vector<1x16xf32>,
      %broadcast_in_dim3A_191 = arith.constant 0.000000e+00 : f32
      %broadcast_in_dim3A_192 = vector.broadcast %broadcast_in_dim3A_191 : f32 to vector<16xf32>
      %mul3A_193 = arith.constant 8 : i32
      %mul3A_194 = arith.muli %scan3A_126, %mul3A_193 : i32
      %add3A_195 = arith.constant 6 : i32
      %add3A_196 = arith.addi %mul3A_194, %add3A_195 : i32
      %swap3A_197 = arith.index_cast %add3A_196 : i32 to index
      %swap3A_198 = arith.constant 0 : index
      %swap3A_199 = tpu.vector_load %arg10[%swap3A_197, %swap3A_198] {strides = array<i32>} : memref<632x16xf32, #tpu.memory_space<vmem>>, vector<1x16xf32>,
      %swap3A_200 = vector.shape_cast %swap3A_199 : vector<1x16xf32> to vector<16xf32>
      %swap3A_201 = vector.shape_cast %broadcast_in_dim3A_192 : vector<16xf32> to vector<1x16xf32>
      tpu.vector_store %arg10[%swap3A_197, %swap3A_198], %swap3A_201 {strides = array<i32>} : memref<632x16xf32, #tpu.memory_space<vmem>>, vector<1x16xf32>,
      %broadcast_in_dim3A_202 = arith.constant 0.000000e+00 : f32
      %broadcast_in_dim3A_203 = vector.broadcast %broadcast_in_dim3A_202 : f32 to vector<16xf32>
      %mul3A_204 = arith.constant 8 : i32
      %mul3A_205 = arith.muli %scan3A_126, %mul3A_204 : i32
      %add3A_206 = arith.constant 7 : i32
      %add3A_207 = arith.addi %mul3A_205, %add3A_206 : i32
      %swap3A_208 = arith.index_cast %add3A_207 : i32 to index
      %swap3A_209 = arith.constant 0 : index
      %swap3A_210 = tpu.vector_load %arg10[%swap3A_208, %swap3A_209] {strides = array<i32>} : memref<632x16xf32, #tpu.memory_space<vmem>>, vector<1x16xf32>,
      %swap3A_211 = vector.shape_cast %swap3A_210 : vector<1x16xf32> to vector<16xf32>
      %swap3A_212 = vector.shape_cast %broadcast_in_dim3A_203 : vector<16xf32> to vector<1x16xf32>
      tpu.vector_store %arg10[%swap3A_208, %swap3A_209], %swap3A_212 {strides = array<i32>} : memref<632x16xf32, #tpu.memory_space<vmem>>, vector<1x16xf32>,
    }
    %scan3A_4 = arith.constant 79 : i32
    %lt3A = arith.constant 15 : i32
    %lt3A_5 = arith.cmpi slt, %arg1, %lt3A : i32
    %convert_element_type3A = arith.extui %lt3A_5 : i1 to i32
    %cond3A = arith.constant 0 : i32
    %cond3A_6 = arith.cmpi ne, %convert_element_type3A, %cond3A : i32
    scf.if %cond3A_6 {
      %mul3A_126 = arith.constant 632 : i32
      %mul3A_127 = arith.muli %arg1, %mul3A_126 : i32
      "tpu.region"() ({
        %run_scoped3A = tpu.sem_alloc : memref<!tpu.dma_semaphore, #tpu.memory_space<semaphore_mem>>
        %dma_start3A_128 = arith.constant 0 : i32
        %dma_start3A_129 = tpu.memref_slice %arg11[%mul3A_127, %dma_start3A_128] : memref<10000x16xf32, #tpu.memory_space<vmem_shared>> -> memref<632x16xf32, #tpu.memory_space<vmem_shared>>
        %dma_start3A_130 = arith.constant 0 : i32
        %dma_start3A_131 = tpu.memref_slice %arg11[%mul3A_127, %dma_start3A_130] : memref<10000x16xf32, #tpu.memory_space<vmem_shared>> -> memref<632x16xf32, #tpu.memory_space<vmem_shared>>
        tpu.enqueue_dma source(%arg10 : memref<632x16xf32, #tpu.memory_space<vmem>>) target(%dma_start3A_131 : memref<632x16xf32, #tpu.memory_space<vmem_shared>>) target_semaphore(%run_scoped3A : memref<!tpu.dma_semaphore, #tpu.memory_space<semaphore_mem>>)
        %dma_wait3A_132 = arith.constant 0 : i32
        %dma_wait3A_133 = tpu.memref_slice %arg11[%mul3A_127, %dma_wait3A_132] : memref<10000x16xf32, #tpu.memory_space<vmem_shared>> -> memref<632x16xf32, #tpu.memory_space<vmem_shared>>
        %dma_wait3A_134 = arith.constant 0 : i32
        %dma_wait3A_135 = tpu.memref_slice %arg11[%mul3A_127, %dma_wait3A_134] : memref<10000x16xf32, #tpu.memory_space<vmem_shared>> -> memref<632x16xf32, #tpu.memory_space<vmem_shared>>
        tpu.wait_dma2 semaphore(%run_scoped3A : memref<!tpu.dma_semaphore, #tpu.memory_space<semaphore_mem>>) src(%arg10 : memref<632x16xf32, #tpu.memory_space<vmem>>) dst(%dma_wait3A_135 : memref<632x16xf32, #tpu.memory_space<vmem_shared>>)
        tpu.yield
      }) : () -> ()
    } else {
    }
    %eq3A = arith.constant 15 : i32
    %eq3A_7 = arith.cmpi eq, %arg1, %eq3A : i32
    %convert_element_type3A_8 = arith.extui %eq3A_7 : i1 to i32
    %cond3A_9 = arith.constant 0 : i32
    %cond3A_10 = arith.cmpi ne, %convert_element_type3A_8, %cond3A_9 : i32
    scf.if %cond3A_10 {
      "tpu.region"() ({
        %run_scoped3A = tpu.sem_alloc : memref<!tpu.dma_semaphore, #tpu.memory_space<semaphore_mem>>
        %dma_start3A_126 = arith.constant 0 : i32
        %dma_start3A_127 = arith.constant 0 : i32
        %dma_start3A_128 = tpu.memref_slice %arg10[%dma_start3A_126, %dma_start3A_127] : memref<632x16xf32, #tpu.memory_space<vmem>> -> memref<520x16xf32, #tpu.memory_space<vmem>>
        %dma_start3A_129 = arith.constant 9480 : i32
        %dma_start3A_130 = arith.constant 0 : i32
        %dma_start3A_131 = tpu.memref_slice %arg11[%dma_start3A_129, %dma_start3A_130] : memref<10000x16xf32, #tpu.memory_space<vmem_shared>> -> memref<520x16xf32, #tpu.memory_space<vmem_shared>>
        %dma_start3A_132 = arith.constant 9480 : i32
        %dma_start3A_133 = arith.constant 0 : i32
        %dma_start3A_134 = tpu.memref_slice %arg11[%dma_start3A_132, %dma_start3A_133] : memref<10000x16xf32, #tpu.memory_space<vmem_shared>> -> memref<520x16xf32, #tpu.memory_space<vmem_shared>>
        %dma_start3A_135 = arith.constant 0 : i32
        %dma_start3A_136 = arith.constant 0 : i32
        %dma_start3A_137 = tpu.memref_slice %arg10[%dma_start3A_135, %dma_start3A_136] : memref<632x16xf32, #tpu.memory_space<vmem>> -> memref<520x16xf32, #tpu.memory_space<vmem>>
        tpu.enqueue_dma source(%dma_start3A_137 : memref<520x16xf32, #tpu.memory_space<vmem>>) target(%dma_start3A_134 : memref<520x16xf32, #tpu.memory_space<vmem_shared>>) target_semaphore(%run_scoped3A : memref<!tpu.dma_semaphore, #tpu.memory_space<semaphore_mem>>)
        %dma_wait3A_138 = arith.constant 0 : i32
        %dma_wait3A_139 = arith.constant 0 : i32
        %dma_wait3A_140 = tpu.memref_slice %arg10[%dma_wait3A_138, %dma_wait3A_139] : memref<632x16xf32, #tpu.memory_space<vmem>> -> memref<520x16xf32, #tpu.memory_space<vmem>>
        %dma_wait3A_141 = arith.constant 9480 : i32
        %dma_wait3A_142 = arith.constant 0 : i32
        %dma_wait3A_143 = tpu.memref_slice %arg11[%dma_wait3A_141, %dma_wait3A_142] : memref<10000x16xf32, #tpu.memory_space<vmem_shared>> -> memref<520x16xf32, #tpu.memory_space<vmem_shared>>
        %dma_wait3A_144 = arith.constant 9480 : i32
        %dma_wait3A_145 = arith.constant 0 : i32
        %dma_wait3A_146 = tpu.memref_slice %arg11[%dma_wait3A_144, %dma_wait3A_145] : memref<10000x16xf32, #tpu.memory_space<vmem_shared>> -> memref<520x16xf32, #tpu.memory_space<vmem_shared>>
        %dma_wait3A_147 = arith.constant 0 : i32
        %dma_wait3A_148 = arith.constant 0 : i32
        %dma_wait3A_149 = tpu.memref_slice %arg10[%dma_wait3A_147, %dma_wait3A_148] : memref<632x16xf32, #tpu.memory_space<vmem>> -> memref<520x16xf32, #tpu.memory_space<vmem>>
        tpu.wait_dma2 semaphore(%run_scoped3A : memref<!tpu.dma_semaphore, #tpu.memory_space<semaphore_mem>>) src(%dma_wait3A_149 : memref<520x16xf32, #tpu.memory_space<vmem>>) dst(%dma_wait3A_146 : memref<520x16xf32, #tpu.memory_space<vmem_shared>>)
        tpu.yield
      }) : () -> ()
    } else {
    }
    %mul3A_11 = arith.constant 10000 : i32
    %mul3A_12 = arith.muli %add3A, %mul3A_11 : i32
    "tpu.region"() ({
      %run_scoped3A = tpu.sem_alloc : memref<!tpu.dma_semaphore, #tpu.memory_space<semaphore_mem>>
      %dma_start3A_126 = tpu.memref_slice %arg3[%mul3A_12] : memref<640000xi32, #tpu.memory_space<hbm>> -> memref<10000xi32, #tpu.memory_space<hbm>>
      %dma_start3A_127 = tpu.memref_slice %arg3[%mul3A_12] : memref<640000xi32, #tpu.memory_space<hbm>> -> memref<10000xi32, #tpu.memory_space<hbm>>
      tpu.enqueue_dma source(%dma_start3A_127 : memref<10000xi32, #tpu.memory_space<hbm>>) target(%arg5 : memref<10000xi32, #tpu.memory_space<vmem>>) target_semaphore(%run_scoped3A : memref<!tpu.dma_semaphore, #tpu.memory_space<semaphore_mem>>)
      %dma_wait3A_128 = tpu.memref_slice %arg3[%mul3A_12] : memref<640000xi32, #tpu.memory_space<hbm>> -> memref<10000xi32, #tpu.memory_space<hbm>>
      %dma_wait3A_129 = tpu.memref_slice %arg3[%mul3A_12] : memref<640000xi32, #tpu.memory_space<hbm>> -> memref<10000xi32, #tpu.memory_space<hbm>>
      tpu.wait_dma2 semaphore(%run_scoped3A : memref<!tpu.dma_semaphore, #tpu.memory_space<semaphore_mem>>) src(%dma_wait3A_129 : memref<10000xi32, #tpu.memory_space<hbm>>) dst(%arg5 : memref<10000xi32, #tpu.memory_space<vmem>>)
      tpu.yield
    }) : () -> ()
    %add3A_13 = arith.constant 320000 : i32
    %add3A_14 = arith.addi %add3A_13, %mul3A_12 : i32
    "tpu.region"() ({
      %run_scoped3A = tpu.sem_alloc : memref<!tpu.dma_semaphore, #tpu.memory_space<semaphore_mem>>
      %dma_start3A_126 = tpu.memref_slice %arg3[%add3A_14] : memref<640000xi32, #tpu.memory_space<hbm>> -> memref<10000xi32, #tpu.memory_space<hbm>>
      %dma_start3A_127 = tpu.memref_slice %arg3[%add3A_14] : memref<640000xi32, #tpu.memory_space<hbm>> -> memref<10000xi32, #tpu.memory_space<hbm>>
      tpu.enqueue_dma source(%dma_start3A_127 : memref<10000xi32, #tpu.memory_space<hbm>>) target(%arg6 : memref<10000xi32, #tpu.memory_space<vmem>>) target_semaphore(%run_scoped3A : memref<!tpu.dma_semaphore, #tpu.memory_space<semaphore_mem>>)
      %dma_wait3A_128 = tpu.memref_slice %arg3[%add3A_14] : memref<640000xi32, #tpu.memory_space<hbm>> -> memref<10000xi32, #tpu.memory_space<hbm>>
      %dma_wait3A_129 = tpu.memref_slice %arg3[%add3A_14] : memref<640000xi32, #tpu.memory_space<hbm>> -> memref<10000xi32, #tpu.memory_space<hbm>>
      tpu.wait_dma2 semaphore(%run_scoped3A : memref<!tpu.dma_semaphore, #tpu.memory_space<semaphore_mem>>) src(%dma_wait3A_129 : memref<10000xi32, #tpu.memory_space<hbm>>) dst(%arg6 : memref<10000xi32, #tpu.memory_space<vmem>>)
      tpu.yield
    }) : () -> ()
    %barrier3A = arith.constant 0 : index
    tpu.barrier barrier_id(%barrier3A)
    %dma_start3A = arith.constant 0 : i32
    %dma_start3A_15 = tpu.memref_slice %arg5[%dma_start3A] : memref<10000xi32, #tpu.memory_space<vmem>> -> memref<1024xi32, #tpu.memory_space<vmem>>
    %dma_start3A_16 = arith.constant 0 : i32
    %dma_start3A_17 = arith.constant 0 : i32
    %dma_start3A_18 = tpu.memref_slice %arg2[%dma_start3A_16, %dma_start3A_17] : memref<10000x16xf32, #tpu.memory_space<hbm>> -> memref<10000x16xf32, #tpu.memory_space<hbm>>
    tpu.enqueue_indirect_dma source(%dma_start3A_18 : memref<10000x16xf32, #tpu.memory_space<hbm>>) target(%arg7 : memref<1024x16xf32, #tpu.memory_space<vmem>>) offsets(%dma_start3A_15 : memref<1024xi32, #tpu.memory_space<vmem>>) semaphore(%arg12 : memref<!tpu.dma_semaphore, #tpu.memory_space<semaphore_mem>>)
    %dma_start3A_19 = arith.constant 1024 : i32
    %dma_start3A_20 = tpu.memref_slice %arg5[%dma_start3A_19] : memref<10000xi32, #tpu.memory_space<vmem>> -> memref<1024xi32, #tpu.memory_space<vmem>>
    %dma_start3A_21 = arith.constant 0 : i32
    %dma_start3A_22 = arith.constant 0 : i32
    %dma_start3A_23 = tpu.memref_slice %arg2[%dma_start3A_21, %dma_start3A_22] : memref<10000x16xf32, #tpu.memory_space<hbm>> -> memref<10000x16xf32, #tpu.memory_space<hbm>>
    tpu.enqueue_indirect_dma source(%dma_start3A_23 : memref<10000x16xf32, #tpu.memory_space<hbm>>) target(%arg8 : memref<1024x16xf32, #tpu.memory_space<vmem>>) offsets(%dma_start3A_20 : memref<1024xi32, #tpu.memory_space<vmem>>) semaphore(%arg13 : memref<!tpu.dma_semaphore, #tpu.memory_space<semaphore_mem>>)
    %scan3A_24 = arith.constant 0 : i32
    %scan3A_25 = arith.constant 2 : i32
    %scan3A_26 = arith.addi %scan3A_24, %scan3A_25 : i32
    %scan3A_27 = arith.constant 1 : i32
    scf.for %scan3A_126 = %scan3A_24 to %scan3A_26 step %scan3A_27  : i32 {
      %mul3A_127 = arith.constant 3 : i32
      %mul3A_128 = arith.muli %scan3A_126, %mul3A_127 : i32
      %add3A_129 = arith.constant 0 : i32
      %add3A_130 = arith.addi %mul3A_128, %add3A_129 : i32
      %ge3A = arith.constant 1 : i32
      %ge3A_131 = arith.cmpi sge, %add3A_130, %ge3A : i32
      %convert_element_type3A_132 = arith.extui %ge3A_131 : i1 to i32
      %cond3A_133 = arith.constant 0 : i32
      %cond3A_134 = arith.cmpi ne, %convert_element_type3A_132, %cond3A_133 : i32
      scf.if %cond3A_134 {
        %add3A_213 = arith.constant 2 : i32
        %add3A_214 = arith.addi %add3A_130, %add3A_213 : i32
        %sub3A = arith.constant 3 : i32
        %sub3A_215 = arith.subi %add3A_214, %sub3A : i32
        %mul3A_216 = arith.constant 1024 : i32
        %mul3A_217 = arith.muli %sub3A_215, %mul3A_216 : i32
        %dma_wait3A_218 = tpu.memref_slice %arg6[%mul3A_217] : memref<10000xi32, #tpu.memory_space<vmem>> -> memref<1024xi32, #tpu.memory_space<vmem>>
        %dma_wait3A_219 = arith.constant 0 : i32
        %dma_wait3A_220 = arith.constant 0 : i32
        %dma_wait3A_221 = tpu.memref_slice %arg11[%dma_wait3A_219, %dma_wait3A_220] : memref<10000x16xf32, #tpu.memory_space<vmem_shared>> -> memref<10000x16xf32, #tpu.memory_space<vmem_shared>>
        tpu.wait_indirect_dma semaphore(%arg17 : memref<!tpu.dma_semaphore, #tpu.memory_space<semaphore_mem>>) src(%arg9 : memref<1024x16xf32, #tpu.memory_space<vmem>>) dst(%dma_wait3A_221 : memref<10000x16xf32, #tpu.memory_space<vmem_shared>>)
      } else {
      }
      %add3A_135 = arith.constant 2 : i32
      %add3A_136 = arith.addi %add3A_130, %add3A_135 : i32
      %mul3A_137 = arith.constant 1024 : i32
      %mul3A_138 = arith.muli %add3A_136, %mul3A_137 : i32
      %dma_start3A_139 = tpu.memref_slice %arg5[%mul3A_138] : memref<10000xi32, #tpu.memory_space<vmem>> -> memref<1024xi32, #tpu.memory_space<vmem>>
      %dma_start3A_140 = arith.constant 0 : i32
      %dma_start3A_141 = arith.constant 0 : i32
      %dma_start3A_142 = tpu.memref_slice %arg2[%dma_start3A_140, %dma_start3A_141] : memref<10000x16xf32, #tpu.memory_space<hbm>> -> memref<10000x16xf32, #tpu.memory_space<hbm>>
      tpu.enqueue_indirect_dma source(%dma_start3A_142 : memref<10000x16xf32, #tpu.memory_space<hbm>>) target(%arg9 : memref<1024x16xf32, #tpu.memory_space<vmem>>) offsets(%dma_start3A_139 : memref<1024xi32, #tpu.memory_space<vmem>>) semaphore(%arg14 : memref<!tpu.dma_semaphore, #tpu.memory_space<semaphore_mem>>)
      %mul3A_143 = arith.constant 1024 : i32
      %mul3A_144 = arith.muli %add3A_130, %mul3A_143 : i32
      %dma_wait3A_145 = tpu.memref_slice %arg5[%mul3A_144] : memref<10000xi32, #tpu.memory_space<vmem>> -> memref<1024xi32, #tpu.memory_space<vmem>>
      %dma_wait3A_146 = arith.constant 0 : i32
      %dma_wait3A_147 = arith.constant 0 : i32
      %dma_wait3A_148 = tpu.memref_slice %arg2[%dma_wait3A_146, %dma_wait3A_147] : memref<10000x16xf32, #tpu.memory_space<hbm>> -> memref<10000x16xf32, #tpu.memory_space<hbm>>
      tpu.wait_indirect_dma semaphore(%arg12 : memref<!tpu.dma_semaphore, #tpu.memory_space<semaphore_mem>>) src(%dma_wait3A_148 : memref<10000x16xf32, #tpu.memory_space<hbm>>) dst(%arg7 : memref<1024x16xf32, #tpu.memory_space<vmem>>)
      %mul3A_149 = arith.constant 1024 : i32
      %mul3A_150 = arith.muli %add3A_130, %mul3A_149 : i32
      %dma_start3A_151 = tpu.memref_slice %arg6[%mul3A_150] : memref<10000xi32, #tpu.memory_space<vmem>> -> memref<1024xi32, #tpu.memory_space<vmem>>
      %dma_start3A_152 = arith.constant 0 : i32
      %dma_start3A_153 = arith.constant 0 : i32
      %dma_start3A_154 = tpu.memref_slice %arg11[%dma_start3A_152, %dma_start3A_153] : memref<10000x16xf32, #tpu.memory_space<vmem_shared>> -> memref<10000x16xf32, #tpu.memory_space<vmem_shared>>
      tpu.enqueue_indirect_dma source(%arg7 : memref<1024x16xf32, #tpu.memory_space<vmem>>) target(%dma_start3A_154 : memref<10000x16xf32, #tpu.memory_space<vmem_shared>>) offsets(%dma_start3A_151 : memref<1024xi32, #tpu.memory_space<vmem>>) semaphore(%arg15 : memref<!tpu.dma_semaphore, #tpu.memory_space<semaphore_mem>>) {add = true}
      %mul3A_155 = arith.constant 3 : i32
      %mul3A_156 = arith.muli %scan3A_126, %mul3A_155 : i32
      %add3A_157 = arith.constant 1 : i32
      %add3A_158 = arith.addi %mul3A_156, %add3A_157 : i32
      %ge3A_159 = arith.constant 1 : i32
      %ge3A_160 = arith.cmpi sge, %add3A_158, %ge3A_159 : i32
      %convert_element_type3A_161 = arith.extui %ge3A_160 : i1 to i32
      %cond3A_162 = arith.constant 0 : i32
      %cond3A_163 = arith.cmpi ne, %convert_element_type3A_161, %cond3A_162 : i32
      scf.if %cond3A_163 {
        %add3A_213 = arith.constant 2 : i32
        %add3A_214 = arith.addi %add3A_158, %add3A_213 : i32
        %sub3A = arith.constant 3 : i32
        %sub3A_215 = arith.subi %add3A_214, %sub3A : i32
        %mul3A_216 = arith.constant 1024 : i32
        %mul3A_217 = arith.muli %sub3A_215, %mul3A_216 : i32
        %dma_wait3A_218 = tpu.memref_slice %arg6[%mul3A_217] : memref<10000xi32, #tpu.memory_space<vmem>> -> memref<1024xi32, #tpu.memory_space<vmem>>
        %dma_wait3A_219 = arith.constant 0 : i32
        %dma_wait3A_220 = arith.constant 0 : i32
        %dma_wait3A_221 = tpu.memref_slice %arg11[%dma_wait3A_219, %dma_wait3A_220] : memref<10000x16xf32, #tpu.memory_space<vmem_shared>> -> memref<10000x16xf32, #tpu.memory_space<vmem_shared>>
        tpu.wait_indirect_dma semaphore(%arg15 : memref<!tpu.dma_semaphore, #tpu.memory_space<semaphore_mem>>) src(%arg7 : memref<1024x16xf32, #tpu.memory_space<vmem>>) dst(%dma_wait3A_221 : memref<10000x16xf32, #tpu.memory_space<vmem_shared>>)
      } else {
      }
      %add3A_164 = arith.constant 2 : i32
      %add3A_165 = arith.addi %add3A_158, %add3A_164 : i32
      %mul3A_166 = arith.constant 1024 : i32
      %mul3A_167 = arith.muli %add3A_165, %mul3A_166 : i32
      %dma_start3A_168 = tpu.memref_slice %arg5[%mul3A_167] : memref<10000xi32, #tpu.memory_space<vmem>> -> memref<1024xi32, #tpu.memory_space<vmem>>
      %dma_start3A_169 = arith.constant 0 : i32
      %dma_start3A_170 = arith.constant 0 : i32
      %dma_start3A_171 = tpu.memref_slice %arg2[%dma_start3A_169, %dma_start3A_170] : memref<10000x16xf32, #tpu.memory_space<hbm>> -> memref<10000x16xf32, #tpu.memory_space<hbm>>
      tpu.enqueue_indirect_dma source(%dma_start3A_171 : memref<10000x16xf32, #tpu.memory_space<hbm>>) target(%arg7 : memref<1024x16xf32, #tpu.memory_space<vmem>>) offsets(%dma_start3A_168 : memref<1024xi32, #tpu.memory_space<vmem>>) semaphore(%arg12 : memref<!tpu.dma_semaphore, #tpu.memory_space<semaphore_mem>>)
      %mul3A_172 = arith.constant 1024 : i32
      %mul3A_173 = arith.muli %add3A_158, %mul3A_172 : i32
      %dma_wait3A_174 = tpu.memref_slice %arg5[%mul3A_173] : memref<10000xi32, #tpu.memory_space<vmem>> -> memref<1024xi32, #tpu.memory_space<vmem>>
      %dma_wait3A_175 = arith.constant 0 : i32
      %dma_wait3A_176 = arith.constant 0 : i32
      %dma_wait3A_177 = tpu.memref_slice %arg2[%dma_wait3A_175, %dma_wait3A_176] : memref<10000x16xf32, #tpu.memory_space<hbm>> -> memref<10000x16xf32, #tpu.memory_space<hbm>>
      tpu.wait_indirect_dma semaphore(%arg13 : memref<!tpu.dma_semaphore, #tpu.memory_space<semaphore_mem>>) src(%dma_wait3A_177 : memref<10000x16xf32, #tpu.memory_space<hbm>>) dst(%arg8 : memref<1024x16xf32, #tpu.memory_space<vmem>>)
      %mul3A_178 = arith.constant 1024 : i32
      %mul3A_179 = arith.muli %add3A_158, %mul3A_178 : i32
      %dma_start3A_180 = tpu.memref_slice %arg6[%mul3A_179] : memref<10000xi32, #tpu.memory_space<vmem>> -> memref<1024xi32, #tpu.memory_space<vmem>>
      %dma_start3A_181 = arith.constant 0 : i32
      %dma_start3A_182 = arith.constant 0 : i32
      %dma_start3A_183 = tpu.memref_slice %arg11[%dma_start3A_181, %dma_start3A_182] : memref<10000x16xf32, #tpu.memory_space<vmem_shared>> -> memref<10000x16xf32, #tpu.memory_space<vmem_shared>>
      tpu.enqueue_indirect_dma source(%arg8 : memref<1024x16xf32, #tpu.memory_space<vmem>>) target(%dma_start3A_183 : memref<10000x16xf32, #tpu.memory_space<vmem_shared>>) offsets(%dma_start3A_180 : memref<1024xi32, #tpu.memory_space<vmem>>) semaphore(%arg16 : memref<!tpu.dma_semaphore, #tpu.memory_space<semaphore_mem>>) {add = true}
      %mul3A_184 = arith.constant 3 : i32
      %mul3A_185 = arith.muli %scan3A_126, %mul3A_184 : i32
      %add3A_186 = arith.constant 2 : i32
      %add3A_187 = arith.addi %mul3A_185, %add3A_186 : i32
      %ge3A_188 = arith.constant 1 : i32
      %ge3A_189 = arith.cmpi sge, %add3A_187, %ge3A_188 : i32
      %convert_element_type3A_190 = arith.extui %ge3A_189 : i1 to i32
      %cond3A_191 = arith.constant 0 : i32
      %cond3A_192 = arith.cmpi ne, %convert_element_type3A_190, %cond3A_191 : i32
      scf.if %cond3A_192 {
        %add3A_213 = arith.constant 2 : i32
        %add3A_214 = arith.addi %add3A_187, %add3A_213 : i32
        %sub3A = arith.constant 3 : i32
        %sub3A_215 = arith.subi %add3A_214, %sub3A : i32
        %mul3A_216 = arith.constant 1024 : i32
        %mul3A_217 = arith.muli %sub3A_215, %mul3A_216 : i32
        %dma_wait3A_218 = tpu.memref_slice %arg6[%mul3A_217] : memref<10000xi32, #tpu.memory_space<vmem>> -> memref<1024xi32, #tpu.memory_space<vmem>>
        %dma_wait3A_219 = arith.constant 0 : i32
        %dma_wait3A_220 = arith.constant 0 : i32
        %dma_wait3A_221 = tpu.memref_slice %arg11[%dma_wait3A_219, %dma_wait3A_220] : memref<10000x16xf32, #tpu.memory_space<vmem_shared>> -> memref<10000x16xf32, #tpu.memory_space<vmem_shared>>
        tpu.wait_indirect_dma semaphore(%arg16 : memref<!tpu.dma_semaphore, #tpu.memory_space<semaphore_mem>>) src(%arg8 : memref<1024x16xf32, #tpu.memory_space<vmem>>) dst(%dma_wait3A_221 : memref<10000x16xf32, #tpu.memory_space<vmem_shared>>)
      } else {
      }
      %add3A_193 = arith.constant 2 : i32
      %add3A_194 = arith.addi %add3A_187, %add3A_193 : i32
      %mul3A_195 = arith.constant 1024 : i32
      %mul3A_196 = arith.muli %add3A_194, %mul3A_195 : i32
      %dma_start3A_197 = tpu.memref_slice %arg5[%mul3A_196] : memref<10000xi32, #tpu.memory_space<vmem>> -> memref<1024xi32, #tpu.memory_space<vmem>>
      %dma_start3A_198 = arith.constant 0 : i32
      %dma_start3A_199 = arith.constant 0 : i32
      %dma_start3A_200 = tpu.memref_slice %arg2[%dma_start3A_198, %dma_start3A_199] : memref<10000x16xf32, #tpu.memory_space<hbm>> -> memref<10000x16xf32, #tpu.memory_space<hbm>>
      tpu.enqueue_indirect_dma source(%dma_start3A_200 : memref<10000x16xf32, #tpu.memory_space<hbm>>) target(%arg8 : memref<1024x16xf32, #tpu.memory_space<vmem>>) offsets(%dma_start3A_197 : memref<1024xi32, #tpu.memory_space<vmem>>) semaphore(%arg13 : memref<!tpu.dma_semaphore, #tpu.memory_space<semaphore_mem>>)
      %mul3A_201 = arith.constant 1024 : i32
      %mul3A_202 = arith.muli %add3A_187, %mul3A_201 : i32
      %dma_wait3A_203 = tpu.memref_slice %arg5[%mul3A_202] : memref<10000xi32, #tpu.memory_space<vmem>> -> memref<1024xi32, #tpu.memory_space<vmem>>
      %dma_wait3A_204 = arith.constant 0 : i32
      %dma_wait3A_205 = arith.constant 0 : i32
      %dma_wait3A_206 = tpu.memref_slice %arg2[%dma_wait3A_204, %dma_wait3A_205] : memref<10000x16xf32, #tpu.memory_space<hbm>> -> memref<10000x16xf32, #tpu.memory_space<hbm>>
      tpu.wait_indirect_dma semaphore(%arg14 : memref<!tpu.dma_semaphore, #tpu.memory_space<semaphore_mem>>) src(%dma_wait3A_206 : memref<10000x16xf32, #tpu.memory_space<hbm>>) dst(%arg9 : memref<1024x16xf32, #tpu.memory_space<vmem>>)
      %mul3A_207 = arith.constant 1024 : i32
      %mul3A_208 = arith.muli %add3A_187, %mul3A_207 : i32
      %dma_start3A_209 = tpu.memref_slice %arg6[%mul3A_208] : memref<10000xi32, #tpu.memory_space<vmem>> -> memref<1024xi32, #tpu.memory_space<vmem>>
      %dma_start3A_210 = arith.constant 0 : i32
      %dma_start3A_211 = arith.constant 0 : i32
      %dma_start3A_212 = tpu.memref_slice %arg11[%dma_start3A_210, %dma_start3A_211] : memref<10000x16xf32, #tpu.memory_space<vmem_shared>> -> memref<10000x16xf32, #tpu.memory_space<vmem_shared>>
      tpu.enqueue_indirect_dma source(%arg9 : memref<1024x16xf32, #tpu.memory_space<vmem>>) target(%dma_start3A_212 : memref<10000x16xf32, #tpu.memory_space<vmem_shared>>) offsets(%dma_start3A_209 : memref<1024xi32, #tpu.memory_space<vmem>>) semaphore(%arg17 : memref<!tpu.dma_semaphore, #tpu.memory_space<semaphore_mem>>) {add = true}
    }
    %scan3A_28 = arith.constant 2 : i32
    %dma_wait3A = arith.constant 5120 : i32
    %dma_wait3A_29 = tpu.memref_slice %arg6[%dma_wait3A] : memref<10000xi32, #tpu.memory_space<vmem>> -> memref<1024xi32, #tpu.memory_space<vmem>>
    %dma_wait3A_30 = arith.constant 0 : i32
    %dma_wait3A_31 = arith.constant 0 : i32
    %dma_wait3A_32 = tpu.memref_slice %arg11[%dma_wait3A_30, %dma_wait3A_31] : memref<10000x16xf32, #tpu.memory_space<vmem_shared>> -> memref<10000x16xf32, #tpu.memory_space<vmem_shared>>
    tpu.wait_indirect_dma semaphore(%arg17 : memref<!tpu.dma_semaphore, #tpu.memory_space<semaphore_mem>>) src(%arg9 : memref<1024x16xf32, #tpu.memory_space<vmem>>) dst(%dma_wait3A_32 : memref<10000x16xf32, #tpu.memory_space<vmem_shared>>)
    %dma_start3A_33 = arith.constant 8192 : i32
    %dma_start3A_34 = tpu.memref_slice %arg5[%dma_start3A_33] : memref<10000xi32, #tpu.memory_space<vmem>> -> memref<1024xi32, #tpu.memory_space<vmem>>
    %dma_start3A_35 = arith.constant 0 : i32
    %dma_start3A_36 = arith.constant 0 : i32
    %dma_start3A_37 = tpu.memref_slice %arg2[%dma_start3A_35, %dma_start3A_36] : memref<10000x16xf32, #tpu.memory_space<hbm>> -> memref<10000x16xf32, #tpu.memory_space<hbm>>
    tpu.enqueue_indirect_dma source(%dma_start3A_37 : memref<10000x16xf32, #tpu.memory_space<hbm>>) target(%arg9 : memref<1024x16xf32, #tpu.memory_space<vmem>>) offsets(%dma_start3A_34 : memref<1024xi32, #tpu.memory_space<vmem>>) semaphore(%arg14 : memref<!tpu.dma_semaphore, #tpu.memory_space<semaphore_mem>>)
    %dma_wait3A_38 = arith.constant 6144 : i32
    %dma_wait3A_39 = tpu.memref_slice %arg5[%dma_wait3A_38] : memref<10000xi32, #tpu.memory_space<vmem>> -> memref<1024xi32, #tpu.memory_space<vmem>>
    %dma_wait3A_40 = arith.constant 0 : i32
    %dma_wait3A_41 = arith.constant 0 : i32
    %dma_wait3A_42 = tpu.memref_slice %arg2[%dma_wait3A_40, %dma_wait3A_41] : memref<10000x16xf32, #tpu.memory_space<hbm>> -> memref<10000x16xf32, #tpu.memory_space<hbm>>
    tpu.wait_indirect_dma semaphore(%arg12 : memref<!tpu.dma_semaphore, #tpu.memory_space<semaphore_mem>>) src(%dma_wait3A_42 : memref<10000x16xf32, #tpu.memory_space<hbm>>) dst(%arg7 : memref<1024x16xf32, #tpu.memory_space<vmem>>)
    %dma_start3A_43 = arith.constant 6144 : i32
    %dma_start3A_44 = tpu.memref_slice %arg6[%dma_start3A_43] : memref<10000xi32, #tpu.memory_space<vmem>> -> memref<1024xi32, #tpu.memory_space<vmem>>
    %dma_start3A_45 = arith.constant 0 : i32
    %dma_start3A_46 = arith.constant 0 : i32
    %dma_start3A_47 = tpu.memref_slice %arg11[%dma_start3A_45, %dma_start3A_46] : memref<10000x16xf32, #tpu.memory_space<vmem_shared>> -> memref<10000x16xf32, #tpu.memory_space<vmem_shared>>
    tpu.enqueue_indirect_dma source(%arg7 : memref<1024x16xf32, #tpu.memory_space<vmem>>) target(%dma_start3A_47 : memref<10000x16xf32, #tpu.memory_space<vmem_shared>>) offsets(%dma_start3A_44 : memref<1024xi32, #tpu.memory_space<vmem>>) semaphore(%arg15 : memref<!tpu.dma_semaphore, #tpu.memory_space<semaphore_mem>>) {add = true}
    %dma_wait3A_48 = arith.constant 6144 : i32
    %dma_wait3A_49 = tpu.memref_slice %arg6[%dma_wait3A_48] : memref<10000xi32, #tpu.memory_space<vmem>> -> memref<1024xi32, #tpu.memory_space<vmem>>
    %dma_wait3A_50 = arith.constant 0 : i32
    %dma_wait3A_51 = arith.constant 0 : i32
    %dma_wait3A_52 = tpu.memref_slice %arg11[%dma_wait3A_50, %dma_wait3A_51] : memref<10000x16xf32, #tpu.memory_space<vmem_shared>> -> memref<10000x16xf32, #tpu.memory_space<vmem_shared>>
    tpu.wait_indirect_dma semaphore(%arg15 : memref<!tpu.dma_semaphore, #tpu.memory_space<semaphore_mem>>) src(%arg7 : memref<1024x16xf32, #tpu.memory_space<vmem>>) dst(%dma_wait3A_52 : memref<10000x16xf32, #tpu.memory_space<vmem_shared>>)
    %dma_start3A_53 = arith.constant 0 : i32
    %dma_start3A_54 = arith.constant 0 : i32
    %dma_start3A_55 = tpu.memref_slice %arg7[%dma_start3A_53, %dma_start3A_54] : memref<1024x16xf32, #tpu.memory_space<vmem>> -> memref<784x16xf32, #tpu.memory_space<vmem>>
    %dma_start3A_56 = arith.constant 9216 : i32
    %dma_start3A_57 = tpu.memref_slice %arg5[%dma_start3A_56] : memref<10000xi32, #tpu.memory_space<vmem>> -> memref<784xi32, #tpu.memory_space<vmem>>
    %dma_start3A_58 = arith.constant 0 : i32
    %dma_start3A_59 = arith.constant 0 : i32
    %dma_start3A_60 = tpu.memref_slice %arg2[%dma_start3A_58, %dma_start3A_59] : memref<10000x16xf32, #tpu.memory_space<hbm>> -> memref<10000x16xf32, #tpu.memory_space<hbm>>
    tpu.enqueue_indirect_dma source(%dma_start3A_60 : memref<10000x16xf32, #tpu.memory_space<hbm>>) target(%dma_start3A_55 : memref<784x16xf32, #tpu.memory_space<vmem>>) offsets(%dma_start3A_57 : memref<784xi32, #tpu.memory_space<vmem>>) semaphore(%arg12 : memref<!tpu.dma_semaphore, #tpu.memory_space<semaphore_mem>>)
    %dma_wait3A_61 = arith.constant 7168 : i32
    %dma_wait3A_62 = tpu.memref_slice %arg5[%dma_wait3A_61] : memref<10000xi32, #tpu.memory_space<vmem>> -> memref<1024xi32, #tpu.memory_space<vmem>>
    %dma_wait3A_63 = arith.constant 0 : i32
    %dma_wait3A_64 = arith.constant 0 : i32
    %dma_wait3A_65 = tpu.memref_slice %arg2[%dma_wait3A_63, %dma_wait3A_64] : memref<10000x16xf32, #tpu.memory_space<hbm>> -> memref<10000x16xf32, #tpu.memory_space<hbm>>
    tpu.wait_indirect_dma semaphore(%arg13 : memref<!tpu.dma_semaphore, #tpu.memory_space<semaphore_mem>>) src(%dma_wait3A_65 : memref<10000x16xf32, #tpu.memory_space<hbm>>) dst(%arg8 : memref<1024x16xf32, #tpu.memory_space<vmem>>)
    %dma_start3A_66 = arith.constant 7168 : i32
    %dma_start3A_67 = tpu.memref_slice %arg6[%dma_start3A_66] : memref<10000xi32, #tpu.memory_space<vmem>> -> memref<1024xi32, #tpu.memory_space<vmem>>
    %dma_start3A_68 = arith.constant 0 : i32
    %dma_start3A_69 = arith.constant 0 : i32
    %dma_start3A_70 = tpu.memref_slice %arg11[%dma_start3A_68, %dma_start3A_69] : memref<10000x16xf32, #tpu.memory_space<vmem_shared>> -> memref<10000x16xf32, #tpu.memory_space<vmem_shared>>
    tpu.enqueue_indirect_dma source(%arg8 : memref<1024x16xf32, #tpu.memory_space<vmem>>) target(%dma_start3A_70 : memref<10000x16xf32, #tpu.memory_space<vmem_shared>>) offsets(%dma_start3A_67 : memref<1024xi32, #tpu.memory_space<vmem>>) semaphore(%arg16 : memref<!tpu.dma_semaphore, #tpu.memory_space<semaphore_mem>>) {add = true}
    %dma_wait3A_71 = arith.constant 7168 : i32
    %dma_wait3A_72 = tpu.memref_slice %arg6[%dma_wait3A_71] : memref<10000xi32, #tpu.memory_space<vmem>> -> memref<1024xi32, #tpu.memory_space<vmem>>
    %dma_wait3A_73 = arith.constant 0 : i32
    %dma_wait3A_74 = arith.constant 0 : i32
    %dma_wait3A_75 = tpu.memref_slice %arg11[%dma_wait3A_73, %dma_wait3A_74] : memref<10000x16xf32, #tpu.memory_space<vmem_shared>> -> memref<10000x16xf32, #tpu.memory_space<vmem_shared>>
    tpu.wait_indirect_dma semaphore(%arg16 : memref<!tpu.dma_semaphore, #tpu.memory_space<semaphore_mem>>) src(%arg8 : memref<1024x16xf32, #tpu.memory_space<vmem>>) dst(%dma_wait3A_75 : memref<10000x16xf32, #tpu.memory_space<vmem_shared>>)
    %dma_wait3A_76 = arith.constant 8192 : i32
    %dma_wait3A_77 = tpu.memref_slice %arg5[%dma_wait3A_76] : memref<10000xi32, #tpu.memory_space<vmem>> -> memref<1024xi32, #tpu.memory_space<vmem>>
    %dma_wait3A_78 = arith.constant 0 : i32
    %dma_wait3A_79 = arith.constant 0 : i32
    %dma_wait3A_80 = tpu.memref_slice %arg2[%dma_wait3A_78, %dma_wait3A_79] : memref<10000x16xf32, #tpu.memory_space<hbm>> -> memref<10000x16xf32, #tpu.memory_space<hbm>>
    tpu.wait_indirect_dma semaphore(%arg14 : memref<!tpu.dma_semaphore, #tpu.memory_space<semaphore_mem>>) src(%dma_wait3A_80 : memref<10000x16xf32, #tpu.memory_space<hbm>>) dst(%arg9 : memref<1024x16xf32, #tpu.memory_space<vmem>>)
    %dma_start3A_81 = arith.constant 8192 : i32
    %dma_start3A_82 = tpu.memref_slice %arg6[%dma_start3A_81] : memref<10000xi32, #tpu.memory_space<vmem>> -> memref<1024xi32, #tpu.memory_space<vmem>>
    %dma_start3A_83 = arith.constant 0 : i32
    %dma_start3A_84 = arith.constant 0 : i32
    %dma_start3A_85 = tpu.memref_slice %arg11[%dma_start3A_83, %dma_start3A_84] : memref<10000x16xf32, #tpu.memory_space<vmem_shared>> -> memref<10000x16xf32, #tpu.memory_space<vmem_shared>>
    tpu.enqueue_indirect_dma source(%arg9 : memref<1024x16xf32, #tpu.memory_space<vmem>>) target(%dma_start3A_85 : memref<10000x16xf32, #tpu.memory_space<vmem_shared>>) offsets(%dma_start3A_82 : memref<1024xi32, #tpu.memory_space<vmem>>) semaphore(%arg17 : memref<!tpu.dma_semaphore, #tpu.memory_space<semaphore_mem>>) {add = true}
    %dma_wait3A_86 = arith.constant 8192 : i32
    %dma_wait3A_87 = tpu.memref_slice %arg6[%dma_wait3A_86] : memref<10000xi32, #tpu.memory_space<vmem>> -> memref<1024xi32, #tpu.memory_space<vmem>>
    %dma_wait3A_88 = arith.constant 0 : i32
    %dma_wait3A_89 = arith.constant 0 : i32
    %dma_wait3A_90 = tpu.memref_slice %arg11[%dma_wait3A_88, %dma_wait3A_89] : memref<10000x16xf32, #tpu.memory_space<vmem_shared>> -> memref<10000x16xf32, #tpu.memory_space<vmem_shared>>
    tpu.wait_indirect_dma semaphore(%arg17 : memref<!tpu.dma_semaphore, #tpu.memory_space<semaphore_mem>>) src(%arg9 : memref<1024x16xf32, #tpu.memory_space<vmem>>) dst(%dma_wait3A_90 : memref<10000x16xf32, #tpu.memory_space<vmem_shared>>)
    %dma_wait3A_91 = arith.constant 0 : i32
    %dma_wait3A_92 = arith.constant 0 : i32
    %dma_wait3A_93 = tpu.memref_slice %arg7[%dma_wait3A_91, %dma_wait3A_92] : memref<1024x16xf32, #tpu.memory_space<vmem>> -> memref<784x16xf32, #tpu.memory_space<vmem>>
    %dma_wait3A_94 = arith.constant 9216 : i32
    %dma_wait3A_95 = tpu.memref_slice %arg5[%dma_wait3A_94] : memref<10000xi32, #tpu.memory_space<vmem>> -> memref<784xi32, #tpu.memory_space<vmem>>
    %dma_wait3A_96 = arith.constant 0 : i32
    %dma_wait3A_97 = arith.constant 0 : i32
    %dma_wait3A_98 = tpu.memref_slice %arg2[%dma_wait3A_96, %dma_wait3A_97] : memref<10000x16xf32, #tpu.memory_space<hbm>> -> memref<10000x16xf32, #tpu.memory_space<hbm>>
    tpu.wait_indirect_dma semaphore(%arg12 : memref<!tpu.dma_semaphore, #tpu.memory_space<semaphore_mem>>) src(%dma_wait3A_98 : memref<10000x16xf32, #tpu.memory_space<hbm>>) dst(%dma_wait3A_93 : memref<784x16xf32, #tpu.memory_space<vmem>>)
    %dma_start3A_99 = arith.constant 0 : i32
    %dma_start3A_100 = arith.constant 0 : i32
    %dma_start3A_101 = tpu.memref_slice %arg7[%dma_start3A_99, %dma_start3A_100] : memref<1024x16xf32, #tpu.memory_space<vmem>> -> memref<784x16xf32, #tpu.memory_space<vmem>>
    %dma_start3A_102 = arith.constant 9216 : i32
    %dma_start3A_103 = tpu.memref_slice %arg6[%dma_start3A_102] : memref<10000xi32, #tpu.memory_space<vmem>> -> memref<784xi32, #tpu.memory_space<vmem>>
    %dma_start3A_104 = arith.constant 0 : i32
    %dma_start3A_105 = arith.constant 0 : i32
    %dma_start3A_106 = tpu.memref_slice %arg11[%dma_start3A_104, %dma_start3A_105] : memref<10000x16xf32, #tpu.memory_space<vmem_shared>> -> memref<10000x16xf32, #tpu.memory_space<vmem_shared>>
    tpu.enqueue_indirect_dma source(%dma_start3A_101 : memref<784x16xf32, #tpu.memory_space<vmem>>) target(%dma_start3A_106 : memref<10000x16xf32, #tpu.memory_space<vmem_shared>>) offsets(%dma_start3A_103 : memref<784xi32, #tpu.memory_space<vmem>>) semaphore(%arg15 : memref<!tpu.dma_semaphore, #tpu.memory_space<semaphore_mem>>) {add = true}
    %dma_wait3A_107 = arith.constant 0 : i32
    %dma_wait3A_108 = arith.constant 0 : i32
    %dma_wait3A_109 = tpu.memref_slice %arg7[%dma_wait3A_107, %dma_wait3A_108] : memref<1024x16xf32, #tpu.memory_space<vmem>> -> memref<784x16xf32, #tpu.memory_space<vmem>>
    %dma_wait3A_110 = arith.constant 9216 : i32
    %dma_wait3A_111 = tpu.memref_slice %arg6[%dma_wait3A_110] : memref<10000xi32, #tpu.memory_space<vmem>> -> memref<784xi32, #tpu.memory_space<vmem>>
    %dma_wait3A_112 = arith.constant 0 : i32
    %dma_wait3A_113 = arith.constant 0 : i32
    %dma_wait3A_114 = tpu.memref_slice %arg11[%dma_wait3A_112, %dma_wait3A_113] : memref<10000x16xf32, #tpu.memory_space<vmem_shared>> -> memref<10000x16xf32, #tpu.memory_space<vmem_shared>>
    tpu.wait_indirect_dma semaphore(%arg15 : memref<!tpu.dma_semaphore, #tpu.memory_space<semaphore_mem>>) src(%dma_wait3A_109 : memref<784x16xf32, #tpu.memory_space<vmem>>) dst(%dma_wait3A_114 : memref<10000x16xf32, #tpu.memory_space<vmem_shared>>)
    %barrier3A_115 = arith.constant 0 : index
    tpu.barrier barrier_id(%barrier3A_115)
    %lt3A_116 = arith.constant 15 : i32
    %lt3A_117 = arith.cmpi slt, %arg1, %lt3A_116 : i32
    %convert_element_type3A_118 = arith.extui %lt3A_117 : i1 to i32
    %cond3A_119 = arith.constant 0 : i32
    %cond3A_120 = arith.cmpi ne, %convert_element_type3A_118, %cond3A_119 : i32
    scf.if %cond3A_120 {
      %mul3A_126 = arith.constant 632 : i32
      %mul3A_127 = arith.muli %arg1, %mul3A_126 : i32
      "tpu.region"() ({
        %run_scoped3A = tpu.sem_alloc : memref<!tpu.dma_semaphore, #tpu.memory_space<semaphore_mem>>
        %dma_start3A_128 = arith.constant 0 : i32
        %dma_start3A_129 = tpu.memref_slice %arg4[%arg0, %mul3A_127, %dma_start3A_128] : memref<2x10000x16xf32, #tpu.memory_space<hbm>> -> memref<1x632x16xf32, #tpu.memory_space<hbm>>
        %dma_start3A_130 = tpu.memref_squeeze %dma_start3A_129 : memref<1x632x16xf32, #tpu.memory_space<hbm>> -> memref<632x16xf32, #tpu.memory_space<hbm>>
        %dma_start3A_131 = arith.constant 0 : i32
        %dma_start3A_132 = tpu.memref_slice %arg11[%mul3A_127, %dma_start3A_131] : memref<10000x16xf32, #tpu.memory_space<vmem_shared>> -> memref<632x16xf32, #tpu.memory_space<vmem_shared>>
        tpu.enqueue_dma source(%dma_start3A_132 : memref<632x16xf32, #tpu.memory_space<vmem_shared>>) target(%dma_start3A_130 : memref<632x16xf32, #tpu.memory_space<hbm>>) target_semaphore(%run_scoped3A : memref<!tpu.dma_semaphore, #tpu.memory_space<semaphore_mem>>)
        %dma_wait3A_133 = arith.constant 0 : i32
        %dma_wait3A_134 = tpu.memref_slice %arg4[%arg0, %mul3A_127, %dma_wait3A_133] : memref<2x10000x16xf32, #tpu.memory_space<hbm>> -> memref<1x632x16xf32, #tpu.memory_space<hbm>>
        %dma_wait3A_135 = tpu.memref_squeeze %dma_wait3A_134 : memref<1x632x16xf32, #tpu.memory_space<hbm>> -> memref<632x16xf32, #tpu.memory_space<hbm>>
        %dma_wait3A_136 = arith.constant 0 : i32
        %dma_wait3A_137 = tpu.memref_slice %arg11[%mul3A_127, %dma_wait3A_136] : memref<10000x16xf32, #tpu.memory_space<vmem_shared>> -> memref<632x16xf32, #tpu.memory_space<vmem_shared>>
        tpu.wait_dma2 semaphore(%run_scoped3A : memref<!tpu.dma_semaphore, #tpu.memory_space<semaphore_mem>>) src(%dma_wait3A_137 : memref<632x16xf32, #tpu.memory_space<vmem_shared>>) dst(%dma_wait3A_135 : memref<632x16xf32, #tpu.memory_space<hbm>>)
        tpu.yield
      }) : () -> ()
    } else {
    }
    %eq3A_121 = arith.constant 15 : i32
    %eq3A_122 = arith.cmpi eq, %arg1, %eq3A_121 : i32
    %convert_element_type3A_123 = arith.extui %eq3A_122 : i1 to i32
    %cond3A_124 = arith.constant 0 : i32
    %cond3A_125 = arith.cmpi ne, %convert_element_type3A_123, %cond3A_124 : i32
    scf.if %cond3A_125 {
      "tpu.region"() ({
        %run_scoped3A = tpu.sem_alloc : memref<!tpu.dma_semaphore, #tpu.memory_space<semaphore_mem>>
        %dma_start3A_126 = arith.constant 9480 : i32
        %dma_start3A_127 = arith.constant 0 : i32
        %dma_start3A_128 = tpu.memref_slice %arg4[%arg0, %dma_start3A_126, %dma_start3A_127] : memref<2x10000x16xf32, #tpu.memory_space<hbm>> -> memref<1x520x16xf32, #tpu.memory_space<hbm>>
        %dma_start3A_129 = tpu.memref_squeeze %dma_start3A_128 : memref<1x520x16xf32, #tpu.memory_space<hbm>> -> memref<520x16xf32, #tpu.memory_space<hbm>>
        %dma_start3A_130 = arith.constant 9480 : i32
        %dma_start3A_131 = arith.constant 0 : i32
        %dma_start3A_132 = tpu.memref_slice %arg11[%dma_start3A_130, %dma_start3A_131] : memref<10000x16xf32, #tpu.memory_space<vmem_shared>> -> memref<520x16xf32, #tpu.memory_space<vmem_shared>>
        tpu.enqueue_dma source(%dma_start3A_132 : memref<520x16xf32, #tpu.memory_space<vmem_shared>>) target(%dma_start3A_129 : memref<520x16xf32, #tpu.memory_space<hbm>>) target_semaphore(%run_scoped3A : memref<!tpu.dma_semaphore, #tpu.memory_space<semaphore_mem>>)
        %dma_wait3A_133 = arith.constant 9480 : i32
        %dma_wait3A_134 = arith.constant 0 : i32
        %dma_wait3A_135 = tpu.memref_slice %arg4[%arg0, %dma_wait3A_133, %dma_wait3A_134] : memref<2x10000x16xf32, #tpu.memory_space<hbm>> -> memref<1x520x16xf32, #tpu.memory_space<hbm>>
        %dma_wait3A_136 = tpu.memref_squeeze %dma_wait3A_135 : memref<1x520x16xf32, #tpu.memory_space<hbm>> -> memref<520x16xf32, #tpu.memory_space<hbm>>
        %dma_wait3A_137 = arith.constant 9480 : i32
        %dma_wait3A_138 = arith.constant 0 : i32
        %dma_wait3A_139 = tpu.memref_slice %arg11[%dma_wait3A_137, %dma_wait3A_138] : memref<10000x16xf32, #tpu.memory_space<vmem_shared>> -> memref<520x16xf32, #tpu.memory_space<vmem_shared>>
        tpu.wait_dma2 semaphore(%run_scoped3A : memref<!tpu.dma_semaphore, #tpu.memory_space<semaphore_mem>>) src(%dma_wait3A_139 : memref<520x16xf32, #tpu.memory_space<vmem_shared>>) dst(%dma_wait3A_136 : memref<520x16xf32, #tpu.memory_space<hbm>>)
        tpu.yield
      }) : () -> ()
    } else {
    }
    return
  }
}

#map = affine_map<(d0, d1) -> (0, 0)>
#map1 = affine_map<(d0, d1) -> (0)>
#map2 = affine_map<(d0, d1) -> (0, 0, 0)>
module attributes {stable_mosaic.version = 14 : i64} {
  func.func @body(%arg0: i32, %arg1: i32, %arg2: memref<10000x16xf32, #tpu.memory_space<hbm>>, %arg3: memref<640000xi32, #tpu.memory_space<hbm>>, %arg4: memref<2x10000x16xf32, #tpu.memory_space<hbm>>, %arg5: memref<2x10000x16xf32, #tpu.memory_space<hbm>>, %arg6: memref<10000xi32, #tpu.memory_space<vmem>>, %arg7: memref<10000xi32, #tpu.memory_space<vmem>>, %arg8: memref<1024x16xf32, #tpu.memory_space<vmem>>, %arg9: memref<1024x16xf32, #tpu.memory_space<vmem>>, %arg10: memref<1024x16xf32, #tpu.memory_space<vmem>>, %arg11: memref<632x16xf32, #tpu.memory_space<vmem>>, %arg12: memref<10000x16xf32, #tpu.memory_space<vmem_shared>>, %arg13: memref<!tpu.dma_semaphore, #tpu.memory_space<semaphore_mem>>, %arg14: memref<!tpu.dma_semaphore, #tpu.memory_space<semaphore_mem>>, %arg15: memref<!tpu.dma_semaphore, #tpu.memory_space<semaphore_mem>>, %arg16: memref<!tpu.dma_semaphore, #tpu.memory_space<semaphore_mem>>, %arg17: memref<!tpu.dma_semaphore, #tpu.memory_space<semaphore_mem>>, %arg18: memref<!tpu.dma_semaphore, #tpu.memory_space<semaphore_mem>>, %arg19: memref<1024x16xf32, #tpu.memory_space<vmem>>, %arg20: memref<10000x16xf32, #tpu.memory_space<vmem_shared>>, %arg21: memref<!tpu.dma_semaphore, #tpu.memory_space<semaphore_mem>>) attributes {dimension_semantics = [#tpu.dimension_semantics<core_parallel>, #tpu.dimension_semantics<subcore_parallel>], iteration_bounds = array<i64: 2, 16>, scalar_prefetch = 0 : i64, scratch_operands = 16 : i64, tpu.core_type = #tpu.core_type<sc_vector_subcore>, window_params = [{transform_indices = #map}, {transform_indices = #map1}, {transform_indices = #map2}, {transform_indices = #map2}]} {
    %mul3A = arith.constant 2 : i32
    %mul3A_0 = arith.muli %arg1, %mul3A : i32
    %add3A = arith.addi %mul3A_0, %arg0 : i32
    %scan3A = arith.constant 0 : i32
    %scan3A_1 = arith.constant 79 : i32
    %scan3A_2 = arith.addi %scan3A, %scan3A_1 : i32
    %scan3A_3 = arith.constant 1 : i32
    scf.for %scan3A_212 = %scan3A to %scan3A_2 step %scan3A_3  : i32 {
      %broadcast_in_dim3A = arith.constant 0.000000e+00 : f32
      %broadcast_in_dim3A_213 = vector.broadcast %broadcast_in_dim3A : f32 to vector<16xf32>
      %mul3A_214 = arith.constant 8 : i32
      %mul3A_215 = arith.muli %scan3A_212, %mul3A_214 : i32
      %add3A_216 = arith.constant 0 : i32
      %add3A_217 = arith.addi %mul3A_215, %add3A_216 : i32
      %swap3A = arith.index_cast %add3A_217 : i32 to index
      %swap3A_218 = arith.constant 0 : index
      %swap3A_219 = tpu.vector_load %arg11[%swap3A, %swap3A_218] {strides = array<i32>} : memref<632x16xf32, #tpu.memory_space<vmem>>, vector<1x16xf32>,
      %swap3A_220 = vector.shape_cast %swap3A_219 : vector<1x16xf32> to vector<16xf32>
      %swap3A_221 = vector.shape_cast %broadcast_in_dim3A_213 : vector<16xf32> to vector<1x16xf32>
      tpu.vector_store %arg11[%swap3A, %swap3A_218], %swap3A_221 {strides = array<i32>} : memref<632x16xf32, #tpu.memory_space<vmem>>, vector<1x16xf32>,
      %broadcast_in_dim3A_222 = arith.constant 0.000000e+00 : f32
      %broadcast_in_dim3A_223 = vector.broadcast %broadcast_in_dim3A_222 : f32 to vector<16xf32>
      %mul3A_224 = arith.constant 8 : i32
      %mul3A_225 = arith.muli %scan3A_212, %mul3A_224 : i32
      %add3A_226 = arith.constant 1 : i32
      %add3A_227 = arith.addi %mul3A_225, %add3A_226 : i32
      %swap3A_228 = arith.index_cast %add3A_227 : i32 to index
      %swap3A_229 = arith.constant 0 : index
      %swap3A_230 = tpu.vector_load %arg11[%swap3A_228, %swap3A_229] {strides = array<i32>} : memref<632x16xf32, #tpu.memory_space<vmem>>, vector<1x16xf32>,
      %swap3A_231 = vector.shape_cast %swap3A_230 : vector<1x16xf32> to vector<16xf32>
      %swap3A_232 = vector.shape_cast %broadcast_in_dim3A_223 : vector<16xf32> to vector<1x16xf32>
      tpu.vector_store %arg11[%swap3A_228, %swap3A_229], %swap3A_232 {strides = array<i32>} : memref<632x16xf32, #tpu.memory_space<vmem>>, vector<1x16xf32>,
      %broadcast_in_dim3A_233 = arith.constant 0.000000e+00 : f32
      %broadcast_in_dim3A_234 = vector.broadcast %broadcast_in_dim3A_233 : f32 to vector<16xf32>
      %mul3A_235 = arith.constant 8 : i32
      %mul3A_236 = arith.muli %scan3A_212, %mul3A_235 : i32
      %add3A_237 = arith.constant 2 : i32
      %add3A_238 = arith.addi %mul3A_236, %add3A_237 : i32
      %swap3A_239 = arith.index_cast %add3A_238 : i32 to index
      %swap3A_240 = arith.constant 0 : index
      %swap3A_241 = tpu.vector_load %arg11[%swap3A_239, %swap3A_240] {strides = array<i32>} : memref<632x16xf32, #tpu.memory_space<vmem>>, vector<1x16xf32>,
      %swap3A_242 = vector.shape_cast %swap3A_241 : vector<1x16xf32> to vector<16xf32>
      %swap3A_243 = vector.shape_cast %broadcast_in_dim3A_234 : vector<16xf32> to vector<1x16xf32>
      tpu.vector_store %arg11[%swap3A_239, %swap3A_240], %swap3A_243 {strides = array<i32>} : memref<632x16xf32, #tpu.memory_space<vmem>>, vector<1x16xf32>,
      %broadcast_in_dim3A_244 = arith.constant 0.000000e+00 : f32
      %broadcast_in_dim3A_245 = vector.broadcast %broadcast_in_dim3A_244 : f32 to vector<16xf32>
      %mul3A_246 = arith.constant 8 : i32
      %mul3A_247 = arith.muli %scan3A_212, %mul3A_246 : i32
      %add3A_248 = arith.constant 3 : i32
      %add3A_249 = arith.addi %mul3A_247, %add3A_248 : i32
      %swap3A_250 = arith.index_cast %add3A_249 : i32 to index
      %swap3A_251 = arith.constant 0 : index
      %swap3A_252 = tpu.vector_load %arg11[%swap3A_250, %swap3A_251] {strides = array<i32>} : memref<632x16xf32, #tpu.memory_space<vmem>>, vector<1x16xf32>,
      %swap3A_253 = vector.shape_cast %swap3A_252 : vector<1x16xf32> to vector<16xf32>
      %swap3A_254 = vector.shape_cast %broadcast_in_dim3A_245 : vector<16xf32> to vector<1x16xf32>
      tpu.vector_store %arg11[%swap3A_250, %swap3A_251], %swap3A_254 {strides = array<i32>} : memref<632x16xf32, #tpu.memory_space<vmem>>, vector<1x16xf32>,
      %broadcast_in_dim3A_255 = arith.constant 0.000000e+00 : f32
      %broadcast_in_dim3A_256 = vector.broadcast %broadcast_in_dim3A_255 : f32 to vector<16xf32>
      %mul3A_257 = arith.constant 8 : i32
      %mul3A_258 = arith.muli %scan3A_212, %mul3A_257 : i32
      %add3A_259 = arith.constant 4 : i32
      %add3A_260 = arith.addi %mul3A_258, %add3A_259 : i32
      %swap3A_261 = arith.index_cast %add3A_260 : i32 to index
      %swap3A_262 = arith.constant 0 : index
      %swap3A_263 = tpu.vector_load %arg11[%swap3A_261, %swap3A_262] {strides = array<i32>} : memref<632x16xf32, #tpu.memory_space<vmem>>, vector<1x16xf32>,
      %swap3A_264 = vector.shape_cast %swap3A_263 : vector<1x16xf32> to vector<16xf32>
      %swap3A_265 = vector.shape_cast %broadcast_in_dim3A_256 : vector<16xf32> to vector<1x16xf32>
      tpu.vector_store %arg11[%swap3A_261, %swap3A_262], %swap3A_265 {strides = array<i32>} : memref<632x16xf32, #tpu.memory_space<vmem>>, vector<1x16xf32>,
      %broadcast_in_dim3A_266 = arith.constant 0.000000e+00 : f32
      %broadcast_in_dim3A_267 = vector.broadcast %broadcast_in_dim3A_266 : f32 to vector<16xf32>
      %mul3A_268 = arith.constant 8 : i32
      %mul3A_269 = arith.muli %scan3A_212, %mul3A_268 : i32
      %add3A_270 = arith.constant 5 : i32
      %add3A_271 = arith.addi %mul3A_269, %add3A_270 : i32
      %swap3A_272 = arith.index_cast %add3A_271 : i32 to index
      %swap3A_273 = arith.constant 0 : index
      %swap3A_274 = tpu.vector_load %arg11[%swap3A_272, %swap3A_273] {strides = array<i32>} : memref<632x16xf32, #tpu.memory_space<vmem>>, vector<1x16xf32>,
      %swap3A_275 = vector.shape_cast %swap3A_274 : vector<1x16xf32> to vector<16xf32>
      %swap3A_276 = vector.shape_cast %broadcast_in_dim3A_267 : vector<16xf32> to vector<1x16xf32>
      tpu.vector_store %arg11[%swap3A_272, %swap3A_273], %swap3A_276 {strides = array<i32>} : memref<632x16xf32, #tpu.memory_space<vmem>>, vector<1x16xf32>,
      %broadcast_in_dim3A_277 = arith.constant 0.000000e+00 : f32
      %broadcast_in_dim3A_278 = vector.broadcast %broadcast_in_dim3A_277 : f32 to vector<16xf32>
      %mul3A_279 = arith.constant 8 : i32
      %mul3A_280 = arith.muli %scan3A_212, %mul3A_279 : i32
      %add3A_281 = arith.constant 6 : i32
      %add3A_282 = arith.addi %mul3A_280, %add3A_281 : i32
      %swap3A_283 = arith.index_cast %add3A_282 : i32 to index
      %swap3A_284 = arith.constant 0 : index
      %swap3A_285 = tpu.vector_load %arg11[%swap3A_283, %swap3A_284] {strides = array<i32>} : memref<632x16xf32, #tpu.memory_space<vmem>>, vector<1x16xf32>,
      %swap3A_286 = vector.shape_cast %swap3A_285 : vector<1x16xf32> to vector<16xf32>
      %swap3A_287 = vector.shape_cast %broadcast_in_dim3A_278 : vector<16xf32> to vector<1x16xf32>
      tpu.vector_store %arg11[%swap3A_283, %swap3A_284], %swap3A_287 {strides = array<i32>} : memref<632x16xf32, #tpu.memory_space<vmem>>, vector<1x16xf32>,
      %broadcast_in_dim3A_288 = arith.constant 0.000000e+00 : f32
      %broadcast_in_dim3A_289 = vector.broadcast %broadcast_in_dim3A_288 : f32 to vector<16xf32>
      %mul3A_290 = arith.constant 8 : i32
      %mul3A_291 = arith.muli %scan3A_212, %mul3A_290 : i32
      %add3A_292 = arith.constant 7 : i32
      %add3A_293 = arith.addi %mul3A_291, %add3A_292 : i32
      %swap3A_294 = arith.index_cast %add3A_293 : i32 to index
      %swap3A_295 = arith.constant 0 : index
      %swap3A_296 = tpu.vector_load %arg11[%swap3A_294, %swap3A_295] {strides = array<i32>} : memref<632x16xf32, #tpu.memory_space<vmem>>, vector<1x16xf32>,
      %swap3A_297 = vector.shape_cast %swap3A_296 : vector<1x16xf32> to vector<16xf32>
      %swap3A_298 = vector.shape_cast %broadcast_in_dim3A_289 : vector<16xf32> to vector<1x16xf32>
      tpu.vector_store %arg11[%swap3A_294, %swap3A_295], %swap3A_298 {strides = array<i32>} : memref<632x16xf32, #tpu.memory_space<vmem>>, vector<1x16xf32>,
    }
    %scan3A_4 = arith.constant 79 : i32
    %lt3A = arith.constant 15 : i32
    %lt3A_5 = arith.cmpi slt, %arg1, %lt3A : i32
    %convert_element_type3A = arith.extui %lt3A_5 : i1 to i32
    %cond3A = arith.constant 0 : i32
    %cond3A_6 = arith.cmpi ne, %convert_element_type3A, %cond3A : i32
    scf.if %cond3A_6 {
      %mul3A_212 = arith.constant 632 : i32
      %mul3A_213 = arith.muli %arg1, %mul3A_212 : i32
      "tpu.region"() ({
        %run_scoped3A = tpu.sem_alloc : memref<!tpu.dma_semaphore, #tpu.memory_space<semaphore_mem>>
        %dma_start3A_214 = arith.constant 0 : i32
        %dma_start3A_215 = tpu.memref_slice %arg12[%mul3A_213, %dma_start3A_214] : memref<10000x16xf32, #tpu.memory_space<vmem_shared>> -> memref<632x16xf32, #tpu.memory_space<vmem_shared>>
        %dma_start3A_216 = arith.constant 0 : i32
        %dma_start3A_217 = tpu.memref_slice %arg12[%mul3A_213, %dma_start3A_216] : memref<10000x16xf32, #tpu.memory_space<vmem_shared>> -> memref<632x16xf32, #tpu.memory_space<vmem_shared>>
        tpu.enqueue_dma source(%arg11 : memref<632x16xf32, #tpu.memory_space<vmem>>) target(%dma_start3A_217 : memref<632x16xf32, #tpu.memory_space<vmem_shared>>) target_semaphore(%run_scoped3A : memref<!tpu.dma_semaphore, #tpu.memory_space<semaphore_mem>>)
        %dma_wait3A_218 = arith.constant 0 : i32
        %dma_wait3A_219 = tpu.memref_slice %arg12[%mul3A_213, %dma_wait3A_218] : memref<10000x16xf32, #tpu.memory_space<vmem_shared>> -> memref<632x16xf32, #tpu.memory_space<vmem_shared>>
        %dma_wait3A_220 = arith.constant 0 : i32
        %dma_wait3A_221 = tpu.memref_slice %arg12[%mul3A_213, %dma_wait3A_220] : memref<10000x16xf32, #tpu.memory_space<vmem_shared>> -> memref<632x16xf32, #tpu.memory_space<vmem_shared>>
        tpu.wait_dma2 semaphore(%run_scoped3A : memref<!tpu.dma_semaphore, #tpu.memory_space<semaphore_mem>>) src(%arg11 : memref<632x16xf32, #tpu.memory_space<vmem>>) dst(%dma_wait3A_221 : memref<632x16xf32, #tpu.memory_space<vmem_shared>>)
        tpu.yield
      }) : () -> ()
    } else {
    }
    %eq3A = arith.constant 15 : i32
    %eq3A_7 = arith.cmpi eq, %arg1, %eq3A : i32
    %convert_element_type3A_8 = arith.extui %eq3A_7 : i1 to i32
    %cond3A_9 = arith.constant 0 : i32
    %cond3A_10 = arith.cmpi ne, %convert_element_type3A_8, %cond3A_9 : i32
    scf.if %cond3A_10 {
      "tpu.region"() ({
        %run_scoped3A = tpu.sem_alloc : memref<!tpu.dma_semaphore, #tpu.memory_space<semaphore_mem>>
        %dma_start3A_212 = arith.constant 0 : i32
        %dma_start3A_213 = arith.constant 0 : i32
        %dma_start3A_214 = tpu.memref_slice %arg11[%dma_start3A_212, %dma_start3A_213] : memref<632x16xf32, #tpu.memory_space<vmem>> -> memref<520x16xf32, #tpu.memory_space<vmem>>
        %dma_start3A_215 = arith.constant 9480 : i32
        %dma_start3A_216 = arith.constant 0 : i32
        %dma_start3A_217 = tpu.memref_slice %arg12[%dma_start3A_215, %dma_start3A_216] : memref<10000x16xf32, #tpu.memory_space<vmem_shared>> -> memref<520x16xf32, #tpu.memory_space<vmem_shared>>
        %dma_start3A_218 = arith.constant 9480 : i32
        %dma_start3A_219 = arith.constant 0 : i32
        %dma_start3A_220 = tpu.memref_slice %arg12[%dma_start3A_218, %dma_start3A_219] : memref<10000x16xf32, #tpu.memory_space<vmem_shared>> -> memref<520x16xf32, #tpu.memory_space<vmem_shared>>
        %dma_start3A_221 = arith.constant 0 : i32
        %dma_start3A_222 = arith.constant 0 : i32
        %dma_start3A_223 = tpu.memref_slice %arg11[%dma_start3A_221, %dma_start3A_222] : memref<632x16xf32, #tpu.memory_space<vmem>> -> memref<520x16xf32, #tpu.memory_space<vmem>>
        tpu.enqueue_dma source(%dma_start3A_223 : memref<520x16xf32, #tpu.memory_space<vmem>>) target(%dma_start3A_220 : memref<520x16xf32, #tpu.memory_space<vmem_shared>>) target_semaphore(%run_scoped3A : memref<!tpu.dma_semaphore, #tpu.memory_space<semaphore_mem>>)
        %dma_wait3A_224 = arith.constant 0 : i32
        %dma_wait3A_225 = arith.constant 0 : i32
        %dma_wait3A_226 = tpu.memref_slice %arg11[%dma_wait3A_224, %dma_wait3A_225] : memref<632x16xf32, #tpu.memory_space<vmem>> -> memref<520x16xf32, #tpu.memory_space<vmem>>
        %dma_wait3A_227 = arith.constant 9480 : i32
        %dma_wait3A_228 = arith.constant 0 : i32
        %dma_wait3A_229 = tpu.memref_slice %arg12[%dma_wait3A_227, %dma_wait3A_228] : memref<10000x16xf32, #tpu.memory_space<vmem_shared>> -> memref<520x16xf32, #tpu.memory_space<vmem_shared>>
        %dma_wait3A_230 = arith.constant 9480 : i32
        %dma_wait3A_231 = arith.constant 0 : i32
        %dma_wait3A_232 = tpu.memref_slice %arg12[%dma_wait3A_230, %dma_wait3A_231] : memref<10000x16xf32, #tpu.memory_space<vmem_shared>> -> memref<520x16xf32, #tpu.memory_space<vmem_shared>>
        %dma_wait3A_233 = arith.constant 0 : i32
        %dma_wait3A_234 = arith.constant 0 : i32
        %dma_wait3A_235 = tpu.memref_slice %arg11[%dma_wait3A_233, %dma_wait3A_234] : memref<632x16xf32, #tpu.memory_space<vmem>> -> memref<520x16xf32, #tpu.memory_space<vmem>>
        tpu.wait_dma2 semaphore(%run_scoped3A : memref<!tpu.dma_semaphore, #tpu.memory_space<semaphore_mem>>) src(%dma_wait3A_235 : memref<520x16xf32, #tpu.memory_space<vmem>>) dst(%dma_wait3A_232 : memref<520x16xf32, #tpu.memory_space<vmem_shared>>)
        tpu.yield
      }) : () -> ()
    } else {
    }
    %lt3A_11 = arith.constant 15 : i32
    %lt3A_12 = arith.cmpi slt, %arg1, %lt3A_11 : i32
    %convert_element_type3A_13 = arith.extui %lt3A_12 : i1 to i32
    %cond3A_14 = arith.constant 0 : i32
    %cond3A_15 = arith.cmpi ne, %convert_element_type3A_13, %cond3A_14 : i32
    scf.if %cond3A_15 {
      %mul3A_212 = arith.constant 632 : i32
      %mul3A_213 = arith.muli %arg1, %mul3A_212 : i32
      "tpu.region"() ({
        %run_scoped3A = tpu.sem_alloc : memref<!tpu.dma_semaphore, #tpu.memory_space<semaphore_mem>>
        %dma_start3A_214 = arith.constant 0 : i32
        %dma_start3A_215 = tpu.memref_slice %arg20[%mul3A_213, %dma_start3A_214] : memref<10000x16xf32, #tpu.memory_space<vmem_shared>> -> memref<632x16xf32, #tpu.memory_space<vmem_shared>>
        %dma_start3A_216 = arith.constant 0 : i32
        %dma_start3A_217 = tpu.memref_slice %arg20[%mul3A_213, %dma_start3A_216] : memref<10000x16xf32, #tpu.memory_space<vmem_shared>> -> memref<632x16xf32, #tpu.memory_space<vmem_shared>>
        tpu.enqueue_dma source(%arg11 : memref<632x16xf32, #tpu.memory_space<vmem>>) target(%dma_start3A_217 : memref<632x16xf32, #tpu.memory_space<vmem_shared>>) target_semaphore(%run_scoped3A : memref<!tpu.dma_semaphore, #tpu.memory_space<semaphore_mem>>)
        %dma_wait3A_218 = arith.constant 0 : i32
        %dma_wait3A_219 = tpu.memref_slice %arg20[%mul3A_213, %dma_wait3A_218] : memref<10000x16xf32, #tpu.memory_space<vmem_shared>> -> memref<632x16xf32, #tpu.memory_space<vmem_shared>>
        %dma_wait3A_220 = arith.constant 0 : i32
        %dma_wait3A_221 = tpu.memref_slice %arg20[%mul3A_213, %dma_wait3A_220] : memref<10000x16xf32, #tpu.memory_space<vmem_shared>> -> memref<632x16xf32, #tpu.memory_space<vmem_shared>>
        tpu.wait_dma2 semaphore(%run_scoped3A : memref<!tpu.dma_semaphore, #tpu.memory_space<semaphore_mem>>) src(%arg11 : memref<632x16xf32, #tpu.memory_space<vmem>>) dst(%dma_wait3A_221 : memref<632x16xf32, #tpu.memory_space<vmem_shared>>)
        tpu.yield
      }) : () -> ()
    } else {
    }
    %eq3A_16 = arith.constant 15 : i32
    %eq3A_17 = arith.cmpi eq, %arg1, %eq3A_16 : i32
    %convert_element_type3A_18 = arith.extui %eq3A_17 : i1 to i32
    %cond3A_19 = arith.constant 0 : i32
    %cond3A_20 = arith.cmpi ne, %convert_element_type3A_18, %cond3A_19 : i32
    scf.if %cond3A_20 {
      "tpu.region"() ({
        %run_scoped3A = tpu.sem_alloc : memref<!tpu.dma_semaphore, #tpu.memory_space<semaphore_mem>>
        %dma_start3A_212 = arith.constant 0 : i32
        %dma_start3A_213 = arith.constant 0 : i32
        %dma_start3A_214 = tpu.memref_slice %arg11[%dma_start3A_212, %dma_start3A_213] : memref<632x16xf32, #tpu.memory_space<vmem>> -> memref<520x16xf32, #tpu.memory_space<vmem>>
        %dma_start3A_215 = arith.constant 9480 : i32
        %dma_start3A_216 = arith.constant 0 : i32
        %dma_start3A_217 = tpu.memref_slice %arg20[%dma_start3A_215, %dma_start3A_216] : memref<10000x16xf32, #tpu.memory_space<vmem_shared>> -> memref<520x16xf32, #tpu.memory_space<vmem_shared>>
        %dma_start3A_218 = arith.constant 9480 : i32
        %dma_start3A_219 = arith.constant 0 : i32
        %dma_start3A_220 = tpu.memref_slice %arg20[%dma_start3A_218, %dma_start3A_219] : memref<10000x16xf32, #tpu.memory_space<vmem_shared>> -> memref<520x16xf32, #tpu.memory_space<vmem_shared>>
        %dma_start3A_221 = arith.constant 0 : i32
        %dma_start3A_222 = arith.constant 0 : i32
        %dma_start3A_223 = tpu.memref_slice %arg11[%dma_start3A_221, %dma_start3A_222] : memref<632x16xf32, #tpu.memory_space<vmem>> -> memref<520x16xf32, #tpu.memory_space<vmem>>
        tpu.enqueue_dma source(%dma_start3A_223 : memref<520x16xf32, #tpu.memory_space<vmem>>) target(%dma_start3A_220 : memref<520x16xf32, #tpu.memory_space<vmem_shared>>) target_semaphore(%run_scoped3A : memref<!tpu.dma_semaphore, #tpu.memory_space<semaphore_mem>>)
        %dma_wait3A_224 = arith.constant 0 : i32
        %dma_wait3A_225 = arith.constant 0 : i32
        %dma_wait3A_226 = tpu.memref_slice %arg11[%dma_wait3A_224, %dma_wait3A_225] : memref<632x16xf32, #tpu.memory_space<vmem>> -> memref<520x16xf32, #tpu.memory_space<vmem>>
        %dma_wait3A_227 = arith.constant 9480 : i32
        %dma_wait3A_228 = arith.constant 0 : i32
        %dma_wait3A_229 = tpu.memref_slice %arg20[%dma_wait3A_227, %dma_wait3A_228] : memref<10000x16xf32, #tpu.memory_space<vmem_shared>> -> memref<520x16xf32, #tpu.memory_space<vmem_shared>>
        %dma_wait3A_230 = arith.constant 9480 : i32
        %dma_wait3A_231 = arith.constant 0 : i32
        %dma_wait3A_232 = tpu.memref_slice %arg20[%dma_wait3A_230, %dma_wait3A_231] : memref<10000x16xf32, #tpu.memory_space<vmem_shared>> -> memref<520x16xf32, #tpu.memory_space<vmem_shared>>
        %dma_wait3A_233 = arith.constant 0 : i32
        %dma_wait3A_234 = arith.constant 0 : i32
        %dma_wait3A_235 = tpu.memref_slice %arg11[%dma_wait3A_233, %dma_wait3A_234] : memref<632x16xf32, #tpu.memory_space<vmem>> -> memref<520x16xf32, #tpu.memory_space<vmem>>
        tpu.wait_dma2 semaphore(%run_scoped3A : memref<!tpu.dma_semaphore, #tpu.memory_space<semaphore_mem>>) src(%dma_wait3A_235 : memref<520x16xf32, #tpu.memory_space<vmem>>) dst(%dma_wait3A_232 : memref<520x16xf32, #tpu.memory_space<vmem_shared>>)
        tpu.yield
      }) : () -> ()
    } else {
    }
    %scan3A_21 = arith.constant 0 : i32
    %scan3A_22 = arith.constant 128 : i32
    %scan3A_23 = arith.addi %scan3A_21, %scan3A_22 : i32
    %scan3A_24 = arith.constant 1 : i32
    scf.for %scan3A_212 = %scan3A_21 to %scan3A_23 step %scan3A_24  : i32 {
      %broadcast_in_dim3A = arith.constant 1.000000e+00 : f32
      %broadcast_in_dim3A_213 = vector.broadcast %broadcast_in_dim3A : f32 to vector<16xf32>
      %mul3A_214 = arith.constant 8 : i32
      %mul3A_215 = arith.muli %scan3A_212, %mul3A_214 : i32
      %add3A_216 = arith.constant 0 : i32
      %add3A_217 = arith.addi %mul3A_215, %add3A_216 : i32
      %swap3A = arith.index_cast %add3A_217 : i32 to index
      %swap3A_218 = arith.constant 0 : index
      %swap3A_219 = tpu.vector_load %arg19[%swap3A, %swap3A_218] {strides = array<i32>} : memref<1024x16xf32, #tpu.memory_space<vmem>>, vector<1x16xf32>,
      %swap3A_220 = vector.shape_cast %swap3A_219 : vector<1x16xf32> to vector<16xf32>
      %swap3A_221 = vector.shape_cast %broadcast_in_dim3A_213 : vector<16xf32> to vector<1x16xf32>
      tpu.vector_store %arg19[%swap3A, %swap3A_218], %swap3A_221 {strides = array<i32>} : memref<1024x16xf32, #tpu.memory_space<vmem>>, vector<1x16xf32>,
      %broadcast_in_dim3A_222 = arith.constant 1.000000e+00 : f32
      %broadcast_in_dim3A_223 = vector.broadcast %broadcast_in_dim3A_222 : f32 to vector<16xf32>
      %mul3A_224 = arith.constant 8 : i32
      %mul3A_225 = arith.muli %scan3A_212, %mul3A_224 : i32
      %add3A_226 = arith.constant 1 : i32
      %add3A_227 = arith.addi %mul3A_225, %add3A_226 : i32
      %swap3A_228 = arith.index_cast %add3A_227 : i32 to index
      %swap3A_229 = arith.constant 0 : index
      %swap3A_230 = tpu.vector_load %arg19[%swap3A_228, %swap3A_229] {strides = array<i32>} : memref<1024x16xf32, #tpu.memory_space<vmem>>, vector<1x16xf32>,
      %swap3A_231 = vector.shape_cast %swap3A_230 : vector<1x16xf32> to vector<16xf32>
      %swap3A_232 = vector.shape_cast %broadcast_in_dim3A_223 : vector<16xf32> to vector<1x16xf32>
      tpu.vector_store %arg19[%swap3A_228, %swap3A_229], %swap3A_232 {strides = array<i32>} : memref<1024x16xf32, #tpu.memory_space<vmem>>, vector<1x16xf32>,
      %broadcast_in_dim3A_233 = arith.constant 1.000000e+00 : f32
      %broadcast_in_dim3A_234 = vector.broadcast %broadcast_in_dim3A_233 : f32 to vector<16xf32>
      %mul3A_235 = arith.constant 8 : i32
      %mul3A_236 = arith.muli %scan3A_212, %mul3A_235 : i32
      %add3A_237 = arith.constant 2 : i32
      %add3A_238 = arith.addi %mul3A_236, %add3A_237 : i32
      %swap3A_239 = arith.index_cast %add3A_238 : i32 to index
      %swap3A_240 = arith.constant 0 : index
      %swap3A_241 = tpu.vector_load %arg19[%swap3A_239, %swap3A_240] {strides = array<i32>} : memref<1024x16xf32, #tpu.memory_space<vmem>>, vector<1x16xf32>,
      %swap3A_242 = vector.shape_cast %swap3A_241 : vector<1x16xf32> to vector<16xf32>
      %swap3A_243 = vector.shape_cast %broadcast_in_dim3A_234 : vector<16xf32> to vector<1x16xf32>
      tpu.vector_store %arg19[%swap3A_239, %swap3A_240], %swap3A_243 {strides = array<i32>} : memref<1024x16xf32, #tpu.memory_space<vmem>>, vector<1x16xf32>,
      %broadcast_in_dim3A_244 = arith.constant 1.000000e+00 : f32
      %broadcast_in_dim3A_245 = vector.broadcast %broadcast_in_dim3A_244 : f32 to vector<16xf32>
      %mul3A_246 = arith.constant 8 : i32
      %mul3A_247 = arith.muli %scan3A_212, %mul3A_246 : i32
      %add3A_248 = arith.constant 3 : i32
      %add3A_249 = arith.addi %mul3A_247, %add3A_248 : i32
      %swap3A_250 = arith.index_cast %add3A_249 : i32 to index
      %swap3A_251 = arith.constant 0 : index
      %swap3A_252 = tpu.vector_load %arg19[%swap3A_250, %swap3A_251] {strides = array<i32>} : memref<1024x16xf32, #tpu.memory_space<vmem>>, vector<1x16xf32>,
      %swap3A_253 = vector.shape_cast %swap3A_252 : vector<1x16xf32> to vector<16xf32>
      %swap3A_254 = vector.shape_cast %broadcast_in_dim3A_245 : vector<16xf32> to vector<1x16xf32>
      tpu.vector_store %arg19[%swap3A_250, %swap3A_251], %swap3A_254 {strides = array<i32>} : memref<1024x16xf32, #tpu.memory_space<vmem>>, vector<1x16xf32>,
      %broadcast_in_dim3A_255 = arith.constant 1.000000e+00 : f32
      %broadcast_in_dim3A_256 = vector.broadcast %broadcast_in_dim3A_255 : f32 to vector<16xf32>
      %mul3A_257 = arith.constant 8 : i32
      %mul3A_258 = arith.muli %scan3A_212, %mul3A_257 : i32
      %add3A_259 = arith.constant 4 : i32
      %add3A_260 = arith.addi %mul3A_258, %add3A_259 : i32
      %swap3A_261 = arith.index_cast %add3A_260 : i32 to index
      %swap3A_262 = arith.constant 0 : index
      %swap3A_263 = tpu.vector_load %arg19[%swap3A_261, %swap3A_262] {strides = array<i32>} : memref<1024x16xf32, #tpu.memory_space<vmem>>, vector<1x16xf32>,
      %swap3A_264 = vector.shape_cast %swap3A_263 : vector<1x16xf32> to vector<16xf32>
      %swap3A_265 = vector.shape_cast %broadcast_in_dim3A_256 : vector<16xf32> to vector<1x16xf32>
      tpu.vector_store %arg19[%swap3A_261, %swap3A_262], %swap3A_265 {strides = array<i32>} : memref<1024x16xf32, #tpu.memory_space<vmem>>, vector<1x16xf32>,
      %broadcast_in_dim3A_266 = arith.constant 1.000000e+00 : f32
      %broadcast_in_dim3A_267 = vector.broadcast %broadcast_in_dim3A_266 : f32 to vector<16xf32>
      %mul3A_268 = arith.constant 8 : i32
      %mul3A_269 = arith.muli %scan3A_212, %mul3A_268 : i32
      %add3A_270 = arith.constant 5 : i32
      %add3A_271 = arith.addi %mul3A_269, %add3A_270 : i32
      %swap3A_272 = arith.index_cast %add3A_271 : i32 to index
      %swap3A_273 = arith.constant 0 : index
      %swap3A_274 = tpu.vector_load %arg19[%swap3A_272, %swap3A_273] {strides = array<i32>} : memref<1024x16xf32, #tpu.memory_space<vmem>>, vector<1x16xf32>,
      %swap3A_275 = vector.shape_cast %swap3A_274 : vector<1x16xf32> to vector<16xf32>
      %swap3A_276 = vector.shape_cast %broadcast_in_dim3A_267 : vector<16xf32> to vector<1x16xf32>
      tpu.vector_store %arg19[%swap3A_272, %swap3A_273], %swap3A_276 {strides = array<i32>} : memref<1024x16xf32, #tpu.memory_space<vmem>>, vector<1x16xf32>,
      %broadcast_in_dim3A_277 = arith.constant 1.000000e+00 : f32
      %broadcast_in_dim3A_278 = vector.broadcast %broadcast_in_dim3A_277 : f32 to vector<16xf32>
      %mul3A_279 = arith.constant 8 : i32
      %mul3A_280 = arith.muli %scan3A_212, %mul3A_279 : i32
      %add3A_281 = arith.constant 6 : i32
      %add3A_282 = arith.addi %mul3A_280, %add3A_281 : i32
      %swap3A_283 = arith.index_cast %add3A_282 : i32 to index
      %swap3A_284 = arith.constant 0 : index
      %swap3A_285 = tpu.vector_load %arg19[%swap3A_283, %swap3A_284] {strides = array<i32>} : memref<1024x16xf32, #tpu.memory_space<vmem>>, vector<1x16xf32>,
      %swap3A_286 = vector.shape_cast %swap3A_285 : vector<1x16xf32> to vector<16xf32>
      %swap3A_287 = vector.shape_cast %broadcast_in_dim3A_278 : vector<16xf32> to vector<1x16xf32>
      tpu.vector_store %arg19[%swap3A_283, %swap3A_284], %swap3A_287 {strides = array<i32>} : memref<1024x16xf32, #tpu.memory_space<vmem>>, vector<1x16xf32>,
      %broadcast_in_dim3A_288 = arith.constant 1.000000e+00 : f32
      %broadcast_in_dim3A_289 = vector.broadcast %broadcast_in_dim3A_288 : f32 to vector<16xf32>
      %mul3A_290 = arith.constant 8 : i32
      %mul3A_291 = arith.muli %scan3A_212, %mul3A_290 : i32
      %add3A_292 = arith.constant 7 : i32
      %add3A_293 = arith.addi %mul3A_291, %add3A_292 : i32
      %swap3A_294 = arith.index_cast %add3A_293 : i32 to index
      %swap3A_295 = arith.constant 0 : index
      %swap3A_296 = tpu.vector_load %arg19[%swap3A_294, %swap3A_295] {strides = array<i32>} : memref<1024x16xf32, #tpu.memory_space<vmem>>, vector<1x16xf32>,
      %swap3A_297 = vector.shape_cast %swap3A_296 : vector<1x16xf32> to vector<16xf32>
      %swap3A_298 = vector.shape_cast %broadcast_in_dim3A_289 : vector<16xf32> to vector<1x16xf32>
      tpu.vector_store %arg19[%swap3A_294, %swap3A_295], %swap3A_298 {strides = array<i32>} : memref<1024x16xf32, #tpu.memory_space<vmem>>, vector<1x16xf32>,
    }
    %scan3A_25 = arith.constant 128 : i32
    %mul3A_26 = arith.constant 10000 : i32
    %mul3A_27 = arith.muli %add3A, %mul3A_26 : i32
    "tpu.region"() ({
      %run_scoped3A = tpu.sem_alloc : memref<!tpu.dma_semaphore, #tpu.memory_space<semaphore_mem>>
      %dma_start3A_212 = tpu.memref_slice %arg3[%mul3A_27] : memref<640000xi32, #tpu.memory_space<hbm>> -> memref<10000xi32, #tpu.memory_space<hbm>>
      %dma_start3A_213 = tpu.memref_slice %arg3[%mul3A_27] : memref<640000xi32, #tpu.memory_space<hbm>> -> memref<10000xi32, #tpu.memory_space<hbm>>
      tpu.enqueue_dma source(%dma_start3A_213 : memref<10000xi32, #tpu.memory_space<hbm>>) target(%arg6 : memref<10000xi32, #tpu.memory_space<vmem>>) target_semaphore(%run_scoped3A : memref<!tpu.dma_semaphore, #tpu.memory_space<semaphore_mem>>)
      %dma_wait3A_214 = tpu.memref_slice %arg3[%mul3A_27] : memref<640000xi32, #tpu.memory_space<hbm>> -> memref<10000xi32, #tpu.memory_space<hbm>>
      %dma_wait3A_215 = tpu.memref_slice %arg3[%mul3A_27] : memref<640000xi32, #tpu.memory_space<hbm>> -> memref<10000xi32, #tpu.memory_space<hbm>>
      tpu.wait_dma2 semaphore(%run_scoped3A : memref<!tpu.dma_semaphore, #tpu.memory_space<semaphore_mem>>) src(%dma_wait3A_215 : memref<10000xi32, #tpu.memory_space<hbm>>) dst(%arg6 : memref<10000xi32, #tpu.memory_space<vmem>>)
      tpu.yield
    }) : () -> ()
    %add3A_28 = arith.constant 320000 : i32
    %add3A_29 = arith.addi %add3A_28, %mul3A_27 : i32
    "tpu.region"() ({
      %run_scoped3A = tpu.sem_alloc : memref<!tpu.dma_semaphore, #tpu.memory_space<semaphore_mem>>
      %dma_start3A_212 = tpu.memref_slice %arg3[%add3A_29] : memref<640000xi32, #tpu.memory_space<hbm>> -> memref<10000xi32, #tpu.memory_space<hbm>>
      %dma_start3A_213 = tpu.memref_slice %arg3[%add3A_29] : memref<640000xi32, #tpu.memory_space<hbm>> -> memref<10000xi32, #tpu.memory_space<hbm>>
      tpu.enqueue_dma source(%dma_start3A_213 : memref<10000xi32, #tpu.memory_space<hbm>>) target(%arg7 : memref<10000xi32, #tpu.memory_space<vmem>>) target_semaphore(%run_scoped3A : memref<!tpu.dma_semaphore, #tpu.memory_space<semaphore_mem>>)
      %dma_wait3A_214 = tpu.memref_slice %arg3[%add3A_29] : memref<640000xi32, #tpu.memory_space<hbm>> -> memref<10000xi32, #tpu.memory_space<hbm>>
      %dma_wait3A_215 = tpu.memref_slice %arg3[%add3A_29] : memref<640000xi32, #tpu.memory_space<hbm>> -> memref<10000xi32, #tpu.memory_space<hbm>>
      tpu.wait_dma2 semaphore(%run_scoped3A : memref<!tpu.dma_semaphore, #tpu.memory_space<semaphore_mem>>) src(%dma_wait3A_215 : memref<10000xi32, #tpu.memory_space<hbm>>) dst(%arg7 : memref<10000xi32, #tpu.memory_space<vmem>>)
      tpu.yield
    }) : () -> ()
    %barrier3A = arith.constant 0 : index
    tpu.barrier barrier_id(%barrier3A)
    %dma_start3A = arith.constant 0 : i32
    %dma_start3A_30 = tpu.memref_slice %arg6[%dma_start3A] : memref<10000xi32, #tpu.memory_space<vmem>> -> memref<1024xi32, #tpu.memory_space<vmem>>
    %dma_start3A_31 = arith.constant 0 : i32
    %dma_start3A_32 = arith.constant 0 : i32
    %dma_start3A_33 = tpu.memref_slice %arg2[%dma_start3A_31, %dma_start3A_32] : memref<10000x16xf32, #tpu.memory_space<hbm>> -> memref<10000x16xf32, #tpu.memory_space<hbm>>
    tpu.enqueue_indirect_dma source(%dma_start3A_33 : memref<10000x16xf32, #tpu.memory_space<hbm>>) target(%arg8 : memref<1024x16xf32, #tpu.memory_space<vmem>>) offsets(%dma_start3A_30 : memref<1024xi32, #tpu.memory_space<vmem>>) semaphore(%arg13 : memref<!tpu.dma_semaphore, #tpu.memory_space<semaphore_mem>>)
    %dma_start3A_34 = arith.constant 1024 : i32
    %dma_start3A_35 = tpu.memref_slice %arg6[%dma_start3A_34] : memref<10000xi32, #tpu.memory_space<vmem>> -> memref<1024xi32, #tpu.memory_space<vmem>>
    %dma_start3A_36 = arith.constant 0 : i32
    %dma_start3A_37 = arith.constant 0 : i32
    %dma_start3A_38 = tpu.memref_slice %arg2[%dma_start3A_36, %dma_start3A_37] : memref<10000x16xf32, #tpu.memory_space<hbm>> -> memref<10000x16xf32, #tpu.memory_space<hbm>>
    tpu.enqueue_indirect_dma source(%dma_start3A_38 : memref<10000x16xf32, #tpu.memory_space<hbm>>) target(%arg9 : memref<1024x16xf32, #tpu.memory_space<vmem>>) offsets(%dma_start3A_35 : memref<1024xi32, #tpu.memory_space<vmem>>) semaphore(%arg14 : memref<!tpu.dma_semaphore, #tpu.memory_space<semaphore_mem>>)
    %scan3A_39 = arith.constant 0 : i32
    %scan3A_40 = arith.constant 2 : i32
    %scan3A_41 = arith.addi %scan3A_39, %scan3A_40 : i32
    %scan3A_42 = arith.constant 1 : i32
    scf.for %scan3A_212 = %scan3A_39 to %scan3A_41 step %scan3A_42  : i32 {
      %mul3A_213 = arith.constant 3 : i32
      %mul3A_214 = arith.muli %scan3A_212, %mul3A_213 : i32
      %add3A_215 = arith.constant 0 : i32
      %add3A_216 = arith.addi %mul3A_214, %add3A_215 : i32
      %ge3A = arith.constant 1 : i32
      %ge3A_217 = arith.cmpi sge, %add3A_216, %ge3A : i32
      %convert_element_type3A_218 = arith.extui %ge3A_217 : i1 to i32
      %cond3A_219 = arith.constant 0 : i32
      %cond3A_220 = arith.cmpi ne, %convert_element_type3A_218, %cond3A_219 : i32
      scf.if %cond3A_220 {
        %add3A_332 = arith.constant 2 : i32
        %add3A_333 = arith.addi %add3A_216, %add3A_332 : i32
        %sub3A = arith.constant 3 : i32
        %sub3A_334 = arith.subi %add3A_333, %sub3A : i32
        %mul3A_335 = arith.constant 1024 : i32
        %mul3A_336 = arith.muli %sub3A_334, %mul3A_335 : i32
        %dma_wait3A_337 = tpu.memref_slice %arg7[%mul3A_336] : memref<10000xi32, #tpu.memory_space<vmem>> -> memref<1024xi32, #tpu.memory_space<vmem>>
        %dma_wait3A_338 = arith.constant 0 : i32
        %dma_wait3A_339 = arith.constant 0 : i32
        %dma_wait3A_340 = tpu.memref_slice %arg12[%dma_wait3A_338, %dma_wait3A_339] : memref<10000x16xf32, #tpu.memory_space<vmem_shared>> -> memref<10000x16xf32, #tpu.memory_space<vmem_shared>>
        tpu.wait_indirect_dma semaphore(%arg18 : memref<!tpu.dma_semaphore, #tpu.memory_space<semaphore_mem>>) src(%arg10 : memref<1024x16xf32, #tpu.memory_space<vmem>>) dst(%dma_wait3A_340 : memref<10000x16xf32, #tpu.memory_space<vmem_shared>>)
      } else {
      }
      %add3A_221 = arith.constant 2 : i32
      %add3A_222 = arith.addi %add3A_216, %add3A_221 : i32
      %mul3A_223 = arith.constant 1024 : i32
      %mul3A_224 = arith.muli %add3A_222, %mul3A_223 : i32
      %dma_start3A_225 = tpu.memref_slice %arg6[%mul3A_224] : memref<10000xi32, #tpu.memory_space<vmem>> -> memref<1024xi32, #tpu.memory_space<vmem>>
      %dma_start3A_226 = arith.constant 0 : i32
      %dma_start3A_227 = arith.constant 0 : i32
      %dma_start3A_228 = tpu.memref_slice %arg2[%dma_start3A_226, %dma_start3A_227] : memref<10000x16xf32, #tpu.memory_space<hbm>> -> memref<10000x16xf32, #tpu.memory_space<hbm>>
      tpu.enqueue_indirect_dma source(%dma_start3A_228 : memref<10000x16xf32, #tpu.memory_space<hbm>>) target(%arg10 : memref<1024x16xf32, #tpu.memory_space<vmem>>) offsets(%dma_start3A_225 : memref<1024xi32, #tpu.memory_space<vmem>>) semaphore(%arg15 : memref<!tpu.dma_semaphore, #tpu.memory_space<semaphore_mem>>)
      %mul3A_229 = arith.constant 1024 : i32
      %mul3A_230 = arith.muli %add3A_216, %mul3A_229 : i32
      %dma_wait3A_231 = tpu.memref_slice %arg6[%mul3A_230] : memref<10000xi32, #tpu.memory_space<vmem>> -> memref<1024xi32, #tpu.memory_space<vmem>>
      %dma_wait3A_232 = arith.constant 0 : i32
      %dma_wait3A_233 = arith.constant 0 : i32
      %dma_wait3A_234 = tpu.memref_slice %arg2[%dma_wait3A_232, %dma_wait3A_233] : memref<10000x16xf32, #tpu.memory_space<hbm>> -> memref<10000x16xf32, #tpu.memory_space<hbm>>
      tpu.wait_indirect_dma semaphore(%arg13 : memref<!tpu.dma_semaphore, #tpu.memory_space<semaphore_mem>>) src(%dma_wait3A_234 : memref<10000x16xf32, #tpu.memory_space<hbm>>) dst(%arg8 : memref<1024x16xf32, #tpu.memory_space<vmem>>)
      %mul3A_235 = arith.constant 1024 : i32
      %mul3A_236 = arith.muli %add3A_216, %mul3A_235 : i32
      %dma_start3A_237 = tpu.memref_slice %arg7[%mul3A_236] : memref<10000xi32, #tpu.memory_space<vmem>> -> memref<1024xi32, #tpu.memory_space<vmem>>
      %dma_start3A_238 = arith.constant 0 : i32
      %dma_start3A_239 = arith.constant 0 : i32
      %dma_start3A_240 = tpu.memref_slice %arg12[%dma_start3A_238, %dma_start3A_239] : memref<10000x16xf32, #tpu.memory_space<vmem_shared>> -> memref<10000x16xf32, #tpu.memory_space<vmem_shared>>
      tpu.enqueue_indirect_dma source(%arg8 : memref<1024x16xf32, #tpu.memory_space<vmem>>) target(%dma_start3A_240 : memref<10000x16xf32, #tpu.memory_space<vmem_shared>>) offsets(%dma_start3A_237 : memref<1024xi32, #tpu.memory_space<vmem>>) semaphore(%arg16 : memref<!tpu.dma_semaphore, #tpu.memory_space<semaphore_mem>>) {add = true}
      %mul3A_241 = arith.constant 1024 : i32
      %mul3A_242 = arith.muli %add3A_216, %mul3A_241 : i32
      %dma_start3A_243 = tpu.memref_slice %arg7[%mul3A_242] : memref<10000xi32, #tpu.memory_space<vmem>> -> memref<1024xi32, #tpu.memory_space<vmem>>
      %dma_start3A_244 = arith.constant 0 : i32
      %dma_start3A_245 = arith.constant 0 : i32
      %dma_start3A_246 = tpu.memref_slice %arg20[%dma_start3A_244, %dma_start3A_245] : memref<10000x16xf32, #tpu.memory_space<vmem_shared>> -> memref<10000x16xf32, #tpu.memory_space<vmem_shared>>
      tpu.enqueue_indirect_dma source(%arg19 : memref<1024x16xf32, #tpu.memory_space<vmem>>) target(%dma_start3A_246 : memref<10000x16xf32, #tpu.memory_space<vmem_shared>>) offsets(%dma_start3A_243 : memref<1024xi32, #tpu.memory_space<vmem>>) semaphore(%arg21 : memref<!tpu.dma_semaphore, #tpu.memory_space<semaphore_mem>>) {add = true}
      %ge3A_247 = arith.constant 3 : i32
      %ge3A_248 = arith.cmpi sge, %add3A_216, %ge3A_247 : i32
      %convert_element_type3A_249 = arith.extui %ge3A_248 : i1 to i32
      %cond3A_250 = arith.constant 0 : i32
      %cond3A_251 = arith.cmpi ne, %convert_element_type3A_249, %cond3A_250 : i32
      scf.if %cond3A_251 {
        %sub3A = arith.constant 3 : i32
        %sub3A_332 = arith.subi %add3A_216, %sub3A : i32
        %mul3A_333 = arith.constant 1024 : i32
        %mul3A_334 = arith.muli %sub3A_332, %mul3A_333 : i32
        %dma_wait3A_335 = tpu.memref_slice %arg7[%mul3A_334] : memref<10000xi32, #tpu.memory_space<vmem>> -> memref<1024xi32, #tpu.memory_space<vmem>>
        %dma_wait3A_336 = arith.constant 0 : i32
        %dma_wait3A_337 = arith.constant 0 : i32
        %dma_wait3A_338 = tpu.memref_slice %arg20[%dma_wait3A_336, %dma_wait3A_337] : memref<10000x16xf32, #tpu.memory_space<vmem_shared>> -> memref<10000x16xf32, #tpu.memory_space<vmem_shared>>
        tpu.wait_indirect_dma semaphore(%arg21 : memref<!tpu.dma_semaphore, #tpu.memory_space<semaphore_mem>>) src(%arg19 : memref<1024x16xf32, #tpu.memory_space<vmem>>) dst(%dma_wait3A_338 : memref<10000x16xf32, #tpu.memory_space<vmem_shared>>)
      } else {
      }
      %mul3A_252 = arith.constant 3 : i32
      %mul3A_253 = arith.muli %scan3A_212, %mul3A_252 : i32
      %add3A_254 = arith.constant 1 : i32
      %add3A_255 = arith.addi %mul3A_253, %add3A_254 : i32
      %ge3A_256 = arith.constant 1 : i32
      %ge3A_257 = arith.cmpi sge, %add3A_255, %ge3A_256 : i32
      %convert_element_type3A_258 = arith.extui %ge3A_257 : i1 to i32
      %cond3A_259 = arith.constant 0 : i32
      %cond3A_260 = arith.cmpi ne, %convert_element_type3A_258, %cond3A_259 : i32
      scf.if %cond3A_260 {
        %add3A_332 = arith.constant 2 : i32
        %add3A_333 = arith.addi %add3A_255, %add3A_332 : i32
        %sub3A = arith.constant 3 : i32
        %sub3A_334 = arith.subi %add3A_333, %sub3A : i32
        %mul3A_335 = arith.constant 1024 : i32
        %mul3A_336 = arith.muli %sub3A_334, %mul3A_335 : i32
        %dma_wait3A_337 = tpu.memref_slice %arg7[%mul3A_336] : memref<10000xi32, #tpu.memory_space<vmem>> -> memref<1024xi32, #tpu.memory_space<vmem>>
        %dma_wait3A_338 = arith.constant 0 : i32
        %dma_wait3A_339 = arith.constant 0 : i32
        %dma_wait3A_340 = tpu.memref_slice %arg12[%dma_wait3A_338, %dma_wait3A_339] : memref<10000x16xf32, #tpu.memory_space<vmem_shared>> -> memref<10000x16xf32, #tpu.memory_space<vmem_shared>>
        tpu.wait_indirect_dma semaphore(%arg16 : memref<!tpu.dma_semaphore, #tpu.memory_space<semaphore_mem>>) src(%arg8 : memref<1024x16xf32, #tpu.memory_space<vmem>>) dst(%dma_wait3A_340 : memref<10000x16xf32, #tpu.memory_space<vmem_shared>>)
      } else {
      }
      %add3A_261 = arith.constant 2 : i32
      %add3A_262 = arith.addi %add3A_255, %add3A_261 : i32
      %mul3A_263 = arith.constant 1024 : i32
      %mul3A_264 = arith.muli %add3A_262, %mul3A_263 : i32
      %dma_start3A_265 = tpu.memref_slice %arg6[%mul3A_264] : memref<10000xi32, #tpu.memory_space<vmem>> -> memref<1024xi32, #tpu.memory_space<vmem>>
      %dma_start3A_266 = arith.constant 0 : i32
      %dma_start3A_267 = arith.constant 0 : i32
      %dma_start3A_268 = tpu.memref_slice %arg2[%dma_start3A_266, %dma_start3A_267] : memref<10000x16xf32, #tpu.memory_space<hbm>> -> memref<10000x16xf32, #tpu.memory_space<hbm>>
      tpu.enqueue_indirect_dma source(%dma_start3A_268 : memref<10000x16xf32, #tpu.memory_space<hbm>>) target(%arg8 : memref<1024x16xf32, #tpu.memory_space<vmem>>) offsets(%dma_start3A_265 : memref<1024xi32, #tpu.memory_space<vmem>>) semaphore(%arg13 : memref<!tpu.dma_semaphore, #tpu.memory_space<semaphore_mem>>)
      %mul3A_269 = arith.constant 1024 : i32
      %mul3A_270 = arith.muli %add3A_255, %mul3A_269 : i32
      %dma_wait3A_271 = tpu.memref_slice %arg6[%mul3A_270] : memref<10000xi32, #tpu.memory_space<vmem>> -> memref<1024xi32, #tpu.memory_space<vmem>>
      %dma_wait3A_272 = arith.constant 0 : i32
      %dma_wait3A_273 = arith.constant 0 : i32
      %dma_wait3A_274 = tpu.memref_slice %arg2[%dma_wait3A_272, %dma_wait3A_273] : memref<10000x16xf32, #tpu.memory_space<hbm>> -> memref<10000x16xf32, #tpu.memory_space<hbm>>
      tpu.wait_indirect_dma semaphore(%arg14 : memref<!tpu.dma_semaphore, #tpu.memory_space<semaphore_mem>>) src(%dma_wait3A_274 : memref<10000x16xf32, #tpu.memory_space<hbm>>) dst(%arg9 : memref<1024x16xf32, #tpu.memory_space<vmem>>)
      %mul3A_275 = arith.constant 1024 : i32
      %mul3A_276 = arith.muli %add3A_255, %mul3A_275 : i32
      %dma_start3A_277 = tpu.memref_slice %arg7[%mul3A_276] : memref<10000xi32, #tpu.memory_space<vmem>> -> memref<1024xi32, #tpu.memory_space<vmem>>
      %dma_start3A_278 = arith.constant 0 : i32
      %dma_start3A_279 = arith.constant 0 : i32
      %dma_start3A_280 = tpu.memref_slice %arg12[%dma_start3A_278, %dma_start3A_279] : memref<10000x16xf32, #tpu.memory_space<vmem_shared>> -> memref<10000x16xf32, #tpu.memory_space<vmem_shared>>
      tpu.enqueue_indirect_dma source(%arg9 : memref<1024x16xf32, #tpu.memory_space<vmem>>) target(%dma_start3A_280 : memref<10000x16xf32, #tpu.memory_space<vmem_shared>>) offsets(%dma_start3A_277 : memref<1024xi32, #tpu.memory_space<vmem>>) semaphore(%arg17 : memref<!tpu.dma_semaphore, #tpu.memory_space<semaphore_mem>>) {add = true}
      %mul3A_281 = arith.constant 1024 : i32
      %mul3A_282 = arith.muli %add3A_255, %mul3A_281 : i32
      %dma_start3A_283 = tpu.memref_slice %arg7[%mul3A_282] : memref<10000xi32, #tpu.memory_space<vmem>> -> memref<1024xi32, #tpu.memory_space<vmem>>
      %dma_start3A_284 = arith.constant 0 : i32
      %dma_start3A_285 = arith.constant 0 : i32
      %dma_start3A_286 = tpu.memref_slice %arg20[%dma_start3A_284, %dma_start3A_285] : memref<10000x16xf32, #tpu.memory_space<vmem_shared>> -> memref<10000x16xf32, #tpu.memory_space<vmem_shared>>
      tpu.enqueue_indirect_dma source(%arg19 : memref<1024x16xf32, #tpu.memory_space<vmem>>) target(%dma_start3A_286 : memref<10000x16xf32, #tpu.memory_space<vmem_shared>>) offsets(%dma_start3A_283 : memref<1024xi32, #tpu.memory_space<vmem>>) semaphore(%arg21 : memref<!tpu.dma_semaphore, #tpu.memory_space<semaphore_mem>>) {add = true}
      %ge3A_287 = arith.constant 3 : i32
      %ge3A_288 = arith.cmpi sge, %add3A_255, %ge3A_287 : i32
      %convert_element_type3A_289 = arith.extui %ge3A_288 : i1 to i32
      %cond3A_290 = arith.constant 0 : i32
      %cond3A_291 = arith.cmpi ne, %convert_element_type3A_289, %cond3A_290 : i32
      scf.if %cond3A_291 {
        %sub3A = arith.constant 3 : i32
        %sub3A_332 = arith.subi %add3A_255, %sub3A : i32
        %mul3A_333 = arith.constant 1024 : i32
        %mul3A_334 = arith.muli %sub3A_332, %mul3A_333 : i32
        %dma_wait3A_335 = tpu.memref_slice %arg7[%mul3A_334] : memref<10000xi32, #tpu.memory_space<vmem>> -> memref<1024xi32, #tpu.memory_space<vmem>>
        %dma_wait3A_336 = arith.constant 0 : i32
        %dma_wait3A_337 = arith.constant 0 : i32
        %dma_wait3A_338 = tpu.memref_slice %arg20[%dma_wait3A_336, %dma_wait3A_337] : memref<10000x16xf32, #tpu.memory_space<vmem_shared>> -> memref<10000x16xf32, #tpu.memory_space<vmem_shared>>
        tpu.wait_indirect_dma semaphore(%arg21 : memref<!tpu.dma_semaphore, #tpu.memory_space<semaphore_mem>>) src(%arg19 : memref<1024x16xf32, #tpu.memory_space<vmem>>) dst(%dma_wait3A_338 : memref<10000x16xf32, #tpu.memory_space<vmem_shared>>)
      } else {
      }
      %mul3A_292 = arith.constant 3 : i32
      %mul3A_293 = arith.muli %scan3A_212, %mul3A_292 : i32
      %add3A_294 = arith.constant 2 : i32
      %add3A_295 = arith.addi %mul3A_293, %add3A_294 : i32
      %ge3A_296 = arith.constant 1 : i32
      %ge3A_297 = arith.cmpi sge, %add3A_295, %ge3A_296 : i32
      %convert_element_type3A_298 = arith.extui %ge3A_297 : i1 to i32
      %cond3A_299 = arith.constant 0 : i32
      %cond3A_300 = arith.cmpi ne, %convert_element_type3A_298, %cond3A_299 : i32
      scf.if %cond3A_300 {
        %add3A_332 = arith.constant 2 : i32
        %add3A_333 = arith.addi %add3A_295, %add3A_332 : i32
        %sub3A = arith.constant 3 : i32
        %sub3A_334 = arith.subi %add3A_333, %sub3A : i32
        %mul3A_335 = arith.constant 1024 : i32
        %mul3A_336 = arith.muli %sub3A_334, %mul3A_335 : i32
        %dma_wait3A_337 = tpu.memref_slice %arg7[%mul3A_336] : memref<10000xi32, #tpu.memory_space<vmem>> -> memref<1024xi32, #tpu.memory_space<vmem>>
        %dma_wait3A_338 = arith.constant 0 : i32
        %dma_wait3A_339 = arith.constant 0 : i32
        %dma_wait3A_340 = tpu.memref_slice %arg12[%dma_wait3A_338, %dma_wait3A_339] : memref<10000x16xf32, #tpu.memory_space<vmem_shared>> -> memref<10000x16xf32, #tpu.memory_space<vmem_shared>>
        tpu.wait_indirect_dma semaphore(%arg17 : memref<!tpu.dma_semaphore, #tpu.memory_space<semaphore_mem>>) src(%arg9 : memref<1024x16xf32, #tpu.memory_space<vmem>>) dst(%dma_wait3A_340 : memref<10000x16xf32, #tpu.memory_space<vmem_shared>>)
      } else {
      }
      %add3A_301 = arith.constant 2 : i32
      %add3A_302 = arith.addi %add3A_295, %add3A_301 : i32
      %mul3A_303 = arith.constant 1024 : i32
      %mul3A_304 = arith.muli %add3A_302, %mul3A_303 : i32
      %dma_start3A_305 = tpu.memref_slice %arg6[%mul3A_304] : memref<10000xi32, #tpu.memory_space<vmem>> -> memref<1024xi32, #tpu.memory_space<vmem>>
      %dma_start3A_306 = arith.constant 0 : i32
      %dma_start3A_307 = arith.constant 0 : i32
      %dma_start3A_308 = tpu.memref_slice %arg2[%dma_start3A_306, %dma_start3A_307] : memref<10000x16xf32, #tpu.memory_space<hbm>> -> memref<10000x16xf32, #tpu.memory_space<hbm>>
      tpu.enqueue_indirect_dma source(%dma_start3A_308 : memref<10000x16xf32, #tpu.memory_space<hbm>>) target(%arg9 : memref<1024x16xf32, #tpu.memory_space<vmem>>) offsets(%dma_start3A_305 : memref<1024xi32, #tpu.memory_space<vmem>>) semaphore(%arg14 : memref<!tpu.dma_semaphore, #tpu.memory_space<semaphore_mem>>)
      %mul3A_309 = arith.constant 1024 : i32
      %mul3A_310 = arith.muli %add3A_295, %mul3A_309 : i32
      %dma_wait3A_311 = tpu.memref_slice %arg6[%mul3A_310] : memref<10000xi32, #tpu.memory_space<vmem>> -> memref<1024xi32, #tpu.memory_space<vmem>>
      %dma_wait3A_312 = arith.constant 0 : i32
      %dma_wait3A_313 = arith.constant 0 : i32
      %dma_wait3A_314 = tpu.memref_slice %arg2[%dma_wait3A_312, %dma_wait3A_313] : memref<10000x16xf32, #tpu.memory_space<hbm>> -> memref<10000x16xf32, #tpu.memory_space<hbm>>
      tpu.wait_indirect_dma semaphore(%arg15 : memref<!tpu.dma_semaphore, #tpu.memory_space<semaphore_mem>>) src(%dma_wait3A_314 : memref<10000x16xf32, #tpu.memory_space<hbm>>) dst(%arg10 : memref<1024x16xf32, #tpu.memory_space<vmem>>)
      %mul3A_315 = arith.constant 1024 : i32
      %mul3A_316 = arith.muli %add3A_295, %mul3A_315 : i32
      %dma_start3A_317 = tpu.memref_slice %arg7[%mul3A_316] : memref<10000xi32, #tpu.memory_space<vmem>> -> memref<1024xi32, #tpu.memory_space<vmem>>
      %dma_start3A_318 = arith.constant 0 : i32
      %dma_start3A_319 = arith.constant 0 : i32
      %dma_start3A_320 = tpu.memref_slice %arg12[%dma_start3A_318, %dma_start3A_319] : memref<10000x16xf32, #tpu.memory_space<vmem_shared>> -> memref<10000x16xf32, #tpu.memory_space<vmem_shared>>
      tpu.enqueue_indirect_dma source(%arg10 : memref<1024x16xf32, #tpu.memory_space<vmem>>) target(%dma_start3A_320 : memref<10000x16xf32, #tpu.memory_space<vmem_shared>>) offsets(%dma_start3A_317 : memref<1024xi32, #tpu.memory_space<vmem>>) semaphore(%arg18 : memref<!tpu.dma_semaphore, #tpu.memory_space<semaphore_mem>>) {add = true}
      %mul3A_321 = arith.constant 1024 : i32
      %mul3A_322 = arith.muli %add3A_295, %mul3A_321 : i32
      %dma_start3A_323 = tpu.memref_slice %arg7[%mul3A_322] : memref<10000xi32, #tpu.memory_space<vmem>> -> memref<1024xi32, #tpu.memory_space<vmem>>
      %dma_start3A_324 = arith.constant 0 : i32
      %dma_start3A_325 = arith.constant 0 : i32
      %dma_start3A_326 = tpu.memref_slice %arg20[%dma_start3A_324, %dma_start3A_325] : memref<10000x16xf32, #tpu.memory_space<vmem_shared>> -> memref<10000x16xf32, #tpu.memory_space<vmem_shared>>
      tpu.enqueue_indirect_dma source(%arg19 : memref<1024x16xf32, #tpu.memory_space<vmem>>) target(%dma_start3A_326 : memref<10000x16xf32, #tpu.memory_space<vmem_shared>>) offsets(%dma_start3A_323 : memref<1024xi32, #tpu.memory_space<vmem>>) semaphore(%arg21 : memref<!tpu.dma_semaphore, #tpu.memory_space<semaphore_mem>>) {add = true}
      %ge3A_327 = arith.constant 3 : i32
      %ge3A_328 = arith.cmpi sge, %add3A_295, %ge3A_327 : i32
      %convert_element_type3A_329 = arith.extui %ge3A_328 : i1 to i32
      %cond3A_330 = arith.constant 0 : i32
      %cond3A_331 = arith.cmpi ne, %convert_element_type3A_329, %cond3A_330 : i32
      scf.if %cond3A_331 {
        %sub3A = arith.constant 3 : i32
        %sub3A_332 = arith.subi %add3A_295, %sub3A : i32
        %mul3A_333 = arith.constant 1024 : i32
        %mul3A_334 = arith.muli %sub3A_332, %mul3A_333 : i32
        %dma_wait3A_335 = tpu.memref_slice %arg7[%mul3A_334] : memref<10000xi32, #tpu.memory_space<vmem>> -> memref<1024xi32, #tpu.memory_space<vmem>>
        %dma_wait3A_336 = arith.constant 0 : i32
        %dma_wait3A_337 = arith.constant 0 : i32
        %dma_wait3A_338 = tpu.memref_slice %arg20[%dma_wait3A_336, %dma_wait3A_337] : memref<10000x16xf32, #tpu.memory_space<vmem_shared>> -> memref<10000x16xf32, #tpu.memory_space<vmem_shared>>
        tpu.wait_indirect_dma semaphore(%arg21 : memref<!tpu.dma_semaphore, #tpu.memory_space<semaphore_mem>>) src(%arg19 : memref<1024x16xf32, #tpu.memory_space<vmem>>) dst(%dma_wait3A_338 : memref<10000x16xf32, #tpu.memory_space<vmem_shared>>)
      } else {
      }
    }
    %scan3A_43 = arith.constant 2 : i32
    %dma_wait3A = arith.constant 5120 : i32
    %dma_wait3A_44 = tpu.memref_slice %arg7[%dma_wait3A] : memref<10000xi32, #tpu.memory_space<vmem>> -> memref<1024xi32, #tpu.memory_space<vmem>>
    %dma_wait3A_45 = arith.constant 0 : i32
    %dma_wait3A_46 = arith.constant 0 : i32
    %dma_wait3A_47 = tpu.memref_slice %arg12[%dma_wait3A_45, %dma_wait3A_46] : memref<10000x16xf32, #tpu.memory_space<vmem_shared>> -> memref<10000x16xf32, #tpu.memory_space<vmem_shared>>
    tpu.wait_indirect_dma semaphore(%arg18 : memref<!tpu.dma_semaphore, #tpu.memory_space<semaphore_mem>>) src(%arg10 : memref<1024x16xf32, #tpu.memory_space<vmem>>) dst(%dma_wait3A_47 : memref<10000x16xf32, #tpu.memory_space<vmem_shared>>)
    %dma_start3A_48 = arith.constant 8192 : i32
    %dma_start3A_49 = tpu.memref_slice %arg6[%dma_start3A_48] : memref<10000xi32, #tpu.memory_space<vmem>> -> memref<1024xi32, #tpu.memory_space<vmem>>
    %dma_start3A_50 = arith.constant 0 : i32
    %dma_start3A_51 = arith.constant 0 : i32
    %dma_start3A_52 = tpu.memref_slice %arg2[%dma_start3A_50, %dma_start3A_51] : memref<10000x16xf32, #tpu.memory_space<hbm>> -> memref<10000x16xf32, #tpu.memory_space<hbm>>
    tpu.enqueue_indirect_dma source(%dma_start3A_52 : memref<10000x16xf32, #tpu.memory_space<hbm>>) target(%arg10 : memref<1024x16xf32, #tpu.memory_space<vmem>>) offsets(%dma_start3A_49 : memref<1024xi32, #tpu.memory_space<vmem>>) semaphore(%arg15 : memref<!tpu.dma_semaphore, #tpu.memory_space<semaphore_mem>>)
    %dma_wait3A_53 = arith.constant 6144 : i32
    %dma_wait3A_54 = tpu.memref_slice %arg6[%dma_wait3A_53] : memref<10000xi32, #tpu.memory_space<vmem>> -> memref<1024xi32, #tpu.memory_space<vmem>>
    %dma_wait3A_55 = arith.constant 0 : i32
    %dma_wait3A_56 = arith.constant 0 : i32
    %dma_wait3A_57 = tpu.memref_slice %arg2[%dma_wait3A_55, %dma_wait3A_56] : memref<10000x16xf32, #tpu.memory_space<hbm>> -> memref<10000x16xf32, #tpu.memory_space<hbm>>
    tpu.wait_indirect_dma semaphore(%arg13 : memref<!tpu.dma_semaphore, #tpu.memory_space<semaphore_mem>>) src(%dma_wait3A_57 : memref<10000x16xf32, #tpu.memory_space<hbm>>) dst(%arg8 : memref<1024x16xf32, #tpu.memory_space<vmem>>)
    %dma_start3A_58 = arith.constant 6144 : i32
    %dma_start3A_59 = tpu.memref_slice %arg7[%dma_start3A_58] : memref<10000xi32, #tpu.memory_space<vmem>> -> memref<1024xi32, #tpu.memory_space<vmem>>
    %dma_start3A_60 = arith.constant 0 : i32
    %dma_start3A_61 = arith.constant 0 : i32
    %dma_start3A_62 = tpu.memref_slice %arg12[%dma_start3A_60, %dma_start3A_61] : memref<10000x16xf32, #tpu.memory_space<vmem_shared>> -> memref<10000x16xf32, #tpu.memory_space<vmem_shared>>
    tpu.enqueue_indirect_dma source(%arg8 : memref<1024x16xf32, #tpu.memory_space<vmem>>) target(%dma_start3A_62 : memref<10000x16xf32, #tpu.memory_space<vmem_shared>>) offsets(%dma_start3A_59 : memref<1024xi32, #tpu.memory_space<vmem>>) semaphore(%arg16 : memref<!tpu.dma_semaphore, #tpu.memory_space<semaphore_mem>>) {add = true}
    %dma_start3A_63 = arith.constant 6144 : i32
    %dma_start3A_64 = tpu.memref_slice %arg7[%dma_start3A_63] : memref<10000xi32, #tpu.memory_space<vmem>> -> memref<1024xi32, #tpu.memory_space<vmem>>
    %dma_start3A_65 = arith.constant 0 : i32
    %dma_start3A_66 = arith.constant 0 : i32
    %dma_start3A_67 = tpu.memref_slice %arg20[%dma_start3A_65, %dma_start3A_66] : memref<10000x16xf32, #tpu.memory_space<vmem_shared>> -> memref<10000x16xf32, #tpu.memory_space<vmem_shared>>
    tpu.enqueue_indirect_dma source(%arg19 : memref<1024x16xf32, #tpu.memory_space<vmem>>) target(%dma_start3A_67 : memref<10000x16xf32, #tpu.memory_space<vmem_shared>>) offsets(%dma_start3A_64 : memref<1024xi32, #tpu.memory_space<vmem>>) semaphore(%arg21 : memref<!tpu.dma_semaphore, #tpu.memory_space<semaphore_mem>>) {add = true}
    %dma_wait3A_68 = arith.constant 3072 : i32
    %dma_wait3A_69 = tpu.memref_slice %arg7[%dma_wait3A_68] : memref<10000xi32, #tpu.memory_space<vmem>> -> memref<1024xi32, #tpu.memory_space<vmem>>
    %dma_wait3A_70 = arith.constant 0 : i32
    %dma_wait3A_71 = arith.constant 0 : i32
    %dma_wait3A_72 = tpu.memref_slice %arg20[%dma_wait3A_70, %dma_wait3A_71] : memref<10000x16xf32, #tpu.memory_space<vmem_shared>> -> memref<10000x16xf32, #tpu.memory_space<vmem_shared>>
    tpu.wait_indirect_dma semaphore(%arg21 : memref<!tpu.dma_semaphore, #tpu.memory_space<semaphore_mem>>) src(%arg19 : memref<1024x16xf32, #tpu.memory_space<vmem>>) dst(%dma_wait3A_72 : memref<10000x16xf32, #tpu.memory_space<vmem_shared>>)
    %dma_wait3A_73 = arith.constant 6144 : i32
    %dma_wait3A_74 = tpu.memref_slice %arg7[%dma_wait3A_73] : memref<10000xi32, #tpu.memory_space<vmem>> -> memref<1024xi32, #tpu.memory_space<vmem>>
    %dma_wait3A_75 = arith.constant 0 : i32
    %dma_wait3A_76 = arith.constant 0 : i32
    %dma_wait3A_77 = tpu.memref_slice %arg12[%dma_wait3A_75, %dma_wait3A_76] : memref<10000x16xf32, #tpu.memory_space<vmem_shared>> -> memref<10000x16xf32, #tpu.memory_space<vmem_shared>>
    tpu.wait_indirect_dma semaphore(%arg16 : memref<!tpu.dma_semaphore, #tpu.memory_space<semaphore_mem>>) src(%arg8 : memref<1024x16xf32, #tpu.memory_space<vmem>>) dst(%dma_wait3A_77 : memref<10000x16xf32, #tpu.memory_space<vmem_shared>>)
    %dma_start3A_78 = arith.constant 0 : i32
    %dma_start3A_79 = arith.constant 0 : i32
    %dma_start3A_80 = tpu.memref_slice %arg8[%dma_start3A_78, %dma_start3A_79] : memref<1024x16xf32, #tpu.memory_space<vmem>> -> memref<784x16xf32, #tpu.memory_space<vmem>>
    %dma_start3A_81 = arith.constant 9216 : i32
    %dma_start3A_82 = tpu.memref_slice %arg6[%dma_start3A_81] : memref<10000xi32, #tpu.memory_space<vmem>> -> memref<784xi32, #tpu.memory_space<vmem>>
    %dma_start3A_83 = arith.constant 0 : i32
    %dma_start3A_84 = arith.constant 0 : i32
    %dma_start3A_85 = tpu.memref_slice %arg2[%dma_start3A_83, %dma_start3A_84] : memref<10000x16xf32, #tpu.memory_space<hbm>> -> memref<10000x16xf32, #tpu.memory_space<hbm>>
    tpu.enqueue_indirect_dma source(%dma_start3A_85 : memref<10000x16xf32, #tpu.memory_space<hbm>>) target(%dma_start3A_80 : memref<784x16xf32, #tpu.memory_space<vmem>>) offsets(%dma_start3A_82 : memref<784xi32, #tpu.memory_space<vmem>>) semaphore(%arg13 : memref<!tpu.dma_semaphore, #tpu.memory_space<semaphore_mem>>)
    %dma_wait3A_86 = arith.constant 7168 : i32
    %dma_wait3A_87 = tpu.memref_slice %arg6[%dma_wait3A_86] : memref<10000xi32, #tpu.memory_space<vmem>> -> memref<1024xi32, #tpu.memory_space<vmem>>
    %dma_wait3A_88 = arith.constant 0 : i32
    %dma_wait3A_89 = arith.constant 0 : i32
    %dma_wait3A_90 = tpu.memref_slice %arg2[%dma_wait3A_88, %dma_wait3A_89] : memref<10000x16xf32, #tpu.memory_space<hbm>> -> memref<10000x16xf32, #tpu.memory_space<hbm>>
    tpu.wait_indirect_dma semaphore(%arg14 : memref<!tpu.dma_semaphore, #tpu.memory_space<semaphore_mem>>) src(%dma_wait3A_90 : memref<10000x16xf32, #tpu.memory_space<hbm>>) dst(%arg9 : memref<1024x16xf32, #tpu.memory_space<vmem>>)
    %dma_start3A_91 = arith.constant 7168 : i32
    %dma_start3A_92 = tpu.memref_slice %arg7[%dma_start3A_91] : memref<10000xi32, #tpu.memory_space<vmem>> -> memref<1024xi32, #tpu.memory_space<vmem>>
    %dma_start3A_93 = arith.constant 0 : i32
    %dma_start3A_94 = arith.constant 0 : i32
    %dma_start3A_95 = tpu.memref_slice %arg12[%dma_start3A_93, %dma_start3A_94] : memref<10000x16xf32, #tpu.memory_space<vmem_shared>> -> memref<10000x16xf32, #tpu.memory_space<vmem_shared>>
    tpu.enqueue_indirect_dma source(%arg9 : memref<1024x16xf32, #tpu.memory_space<vmem>>) target(%dma_start3A_95 : memref<10000x16xf32, #tpu.memory_space<vmem_shared>>) offsets(%dma_start3A_92 : memref<1024xi32, #tpu.memory_space<vmem>>) semaphore(%arg17 : memref<!tpu.dma_semaphore, #tpu.memory_space<semaphore_mem>>) {add = true}
    %dma_start3A_96 = arith.constant 7168 : i32
    %dma_start3A_97 = tpu.memref_slice %arg7[%dma_start3A_96] : memref<10000xi32, #tpu.memory_space<vmem>> -> memref<1024xi32, #tpu.memory_space<vmem>>
    %dma_start3A_98 = arith.constant 0 : i32
    %dma_start3A_99 = arith.constant 0 : i32
    %dma_start3A_100 = tpu.memref_slice %arg20[%dma_start3A_98, %dma_start3A_99] : memref<10000x16xf32, #tpu.memory_space<vmem_shared>> -> memref<10000x16xf32, #tpu.memory_space<vmem_shared>>
    tpu.enqueue_indirect_dma source(%arg19 : memref<1024x16xf32, #tpu.memory_space<vmem>>) target(%dma_start3A_100 : memref<10000x16xf32, #tpu.memory_space<vmem_shared>>) offsets(%dma_start3A_97 : memref<1024xi32, #tpu.memory_space<vmem>>) semaphore(%arg21 : memref<!tpu.dma_semaphore, #tpu.memory_space<semaphore_mem>>) {add = true}
    %dma_wait3A_101 = arith.constant 4096 : i32
    %dma_wait3A_102 = tpu.memref_slice %arg7[%dma_wait3A_101] : memref<10000xi32, #tpu.memory_space<vmem>> -> memref<1024xi32, #tpu.memory_space<vmem>>
    %dma_wait3A_103 = arith.constant 0 : i32
    %dma_wait3A_104 = arith.constant 0 : i32
    %dma_wait3A_105 = tpu.memref_slice %arg20[%dma_wait3A_103, %dma_wait3A_104] : memref<10000x16xf32, #tpu.memory_space<vmem_shared>> -> memref<10000x16xf32, #tpu.memory_space<vmem_shared>>
    tpu.wait_indirect_dma semaphore(%arg21 : memref<!tpu.dma_semaphore, #tpu.memory_space<semaphore_mem>>) src(%arg19 : memref<1024x16xf32, #tpu.memory_space<vmem>>) dst(%dma_wait3A_105 : memref<10000x16xf32, #tpu.memory_space<vmem_shared>>)
    %dma_wait3A_106 = arith.constant 7168 : i32
    %dma_wait3A_107 = tpu.memref_slice %arg7[%dma_wait3A_106] : memref<10000xi32, #tpu.memory_space<vmem>> -> memref<1024xi32, #tpu.memory_space<vmem>>
    %dma_wait3A_108 = arith.constant 0 : i32
    %dma_wait3A_109 = arith.constant 0 : i32
    %dma_wait3A_110 = tpu.memref_slice %arg12[%dma_wait3A_108, %dma_wait3A_109] : memref<10000x16xf32, #tpu.memory_space<vmem_shared>> -> memref<10000x16xf32, #tpu.memory_space<vmem_shared>>
    tpu.wait_indirect_dma semaphore(%arg17 : memref<!tpu.dma_semaphore, #tpu.memory_space<semaphore_mem>>) src(%arg9 : memref<1024x16xf32, #tpu.memory_space<vmem>>) dst(%dma_wait3A_110 : memref<10000x16xf32, #tpu.memory_space<vmem_shared>>)
    %dma_wait3A_111 = arith.constant 8192 : i32
    %dma_wait3A_112 = tpu.memref_slice %arg6[%dma_wait3A_111] : memref<10000xi32, #tpu.memory_space<vmem>> -> memref<1024xi32, #tpu.memory_space<vmem>>
    %dma_wait3A_113 = arith.constant 0 : i32
    %dma_wait3A_114 = arith.constant 0 : i32
    %dma_wait3A_115 = tpu.memref_slice %arg2[%dma_wait3A_113, %dma_wait3A_114] : memref<10000x16xf32, #tpu.memory_space<hbm>> -> memref<10000x16xf32, #tpu.memory_space<hbm>>
    tpu.wait_indirect_dma semaphore(%arg15 : memref<!tpu.dma_semaphore, #tpu.memory_space<semaphore_mem>>) src(%dma_wait3A_115 : memref<10000x16xf32, #tpu.memory_space<hbm>>) dst(%arg10 : memref<1024x16xf32, #tpu.memory_space<vmem>>)
    %dma_start3A_116 = arith.constant 8192 : i32
    %dma_start3A_117 = tpu.memref_slice %arg7[%dma_start3A_116] : memref<10000xi32, #tpu.memory_space<vmem>> -> memref<1024xi32, #tpu.memory_space<vmem>>
    %dma_start3A_118 = arith.constant 0 : i32
    %dma_start3A_119 = arith.constant 0 : i32
    %dma_start3A_120 = tpu.memref_slice %arg12[%dma_start3A_118, %dma_start3A_119] : memref<10000x16xf32, #tpu.memory_space<vmem_shared>> -> memref<10000x16xf32, #tpu.memory_space<vmem_shared>>
    tpu.enqueue_indirect_dma source(%arg10 : memref<1024x16xf32, #tpu.memory_space<vmem>>) target(%dma_start3A_120 : memref<10000x16xf32, #tpu.memory_space<vmem_shared>>) offsets(%dma_start3A_117 : memref<1024xi32, #tpu.memory_space<vmem>>) semaphore(%arg18 : memref<!tpu.dma_semaphore, #tpu.memory_space<semaphore_mem>>) {add = true}
    %dma_start3A_121 = arith.constant 8192 : i32
    %dma_start3A_122 = tpu.memref_slice %arg7[%dma_start3A_121] : memref<10000xi32, #tpu.memory_space<vmem>> -> memref<1024xi32, #tpu.memory_space<vmem>>
    %dma_start3A_123 = arith.constant 0 : i32
    %dma_start3A_124 = arith.constant 0 : i32
    %dma_start3A_125 = tpu.memref_slice %arg20[%dma_start3A_123, %dma_start3A_124] : memref<10000x16xf32, #tpu.memory_space<vmem_shared>> -> memref<10000x16xf32, #tpu.memory_space<vmem_shared>>
    tpu.enqueue_indirect_dma source(%arg19 : memref<1024x16xf32, #tpu.memory_space<vmem>>) target(%dma_start3A_125 : memref<10000x16xf32, #tpu.memory_space<vmem_shared>>) offsets(%dma_start3A_122 : memref<1024xi32, #tpu.memory_space<vmem>>) semaphore(%arg21 : memref<!tpu.dma_semaphore, #tpu.memory_space<semaphore_mem>>) {add = true}
    %dma_wait3A_126 = arith.constant 5120 : i32
    %dma_wait3A_127 = tpu.memref_slice %arg7[%dma_wait3A_126] : memref<10000xi32, #tpu.memory_space<vmem>> -> memref<1024xi32, #tpu.memory_space<vmem>>
    %dma_wait3A_128 = arith.constant 0 : i32
    %dma_wait3A_129 = arith.constant 0 : i32
    %dma_wait3A_130 = tpu.memref_slice %arg20[%dma_wait3A_128, %dma_wait3A_129] : memref<10000x16xf32, #tpu.memory_space<vmem_shared>> -> memref<10000x16xf32, #tpu.memory_space<vmem_shared>>
    tpu.wait_indirect_dma semaphore(%arg21 : memref<!tpu.dma_semaphore, #tpu.memory_space<semaphore_mem>>) src(%arg19 : memref<1024x16xf32, #tpu.memory_space<vmem>>) dst(%dma_wait3A_130 : memref<10000x16xf32, #tpu.memory_space<vmem_shared>>)
    %dma_wait3A_131 = arith.constant 8192 : i32
    %dma_wait3A_132 = tpu.memref_slice %arg7[%dma_wait3A_131] : memref<10000xi32, #tpu.memory_space<vmem>> -> memref<1024xi32, #tpu.memory_space<vmem>>
    %dma_wait3A_133 = arith.constant 0 : i32
    %dma_wait3A_134 = arith.constant 0 : i32
    %dma_wait3A_135 = tpu.memref_slice %arg12[%dma_wait3A_133, %dma_wait3A_134] : memref<10000x16xf32, #tpu.memory_space<vmem_shared>> -> memref<10000x16xf32, #tpu.memory_space<vmem_shared>>
    tpu.wait_indirect_dma semaphore(%arg18 : memref<!tpu.dma_semaphore, #tpu.memory_space<semaphore_mem>>) src(%arg10 : memref<1024x16xf32, #tpu.memory_space<vmem>>) dst(%dma_wait3A_135 : memref<10000x16xf32, #tpu.memory_space<vmem_shared>>)
    %dma_wait3A_136 = arith.constant 0 : i32
    %dma_wait3A_137 = arith.constant 0 : i32
    %dma_wait3A_138 = tpu.memref_slice %arg8[%dma_wait3A_136, %dma_wait3A_137] : memref<1024x16xf32, #tpu.memory_space<vmem>> -> memref<784x16xf32, #tpu.memory_space<vmem>>
    %dma_wait3A_139 = arith.constant 9216 : i32
    %dma_wait3A_140 = tpu.memref_slice %arg6[%dma_wait3A_139] : memref<10000xi32, #tpu.memory_space<vmem>> -> memref<784xi32, #tpu.memory_space<vmem>>
    %dma_wait3A_141 = arith.constant 0 : i32
    %dma_wait3A_142 = arith.constant 0 : i32
    %dma_wait3A_143 = tpu.memref_slice %arg2[%dma_wait3A_141, %dma_wait3A_142] : memref<10000x16xf32, #tpu.memory_space<hbm>> -> memref<10000x16xf32, #tpu.memory_space<hbm>>
    tpu.wait_indirect_dma semaphore(%arg13 : memref<!tpu.dma_semaphore, #tpu.memory_space<semaphore_mem>>) src(%dma_wait3A_143 : memref<10000x16xf32, #tpu.memory_space<hbm>>) dst(%dma_wait3A_138 : memref<784x16xf32, #tpu.memory_space<vmem>>)
    %dma_start3A_144 = arith.constant 0 : i32
    %dma_start3A_145 = arith.constant 0 : i32
    %dma_start3A_146 = tpu.memref_slice %arg8[%dma_start3A_144, %dma_start3A_145] : memref<1024x16xf32, #tpu.memory_space<vmem>> -> memref<784x16xf32, #tpu.memory_space<vmem>>
    %dma_start3A_147 = arith.constant 9216 : i32
    %dma_start3A_148 = tpu.memref_slice %arg7[%dma_start3A_147] : memref<10000xi32, #tpu.memory_space<vmem>> -> memref<784xi32, #tpu.memory_space<vmem>>
    %dma_start3A_149 = arith.constant 0 : i32
    %dma_start3A_150 = arith.constant 0 : i32
    %dma_start3A_151 = tpu.memref_slice %arg12[%dma_start3A_149, %dma_start3A_150] : memref<10000x16xf32, #tpu.memory_space<vmem_shared>> -> memref<10000x16xf32, #tpu.memory_space<vmem_shared>>
    tpu.enqueue_indirect_dma source(%dma_start3A_146 : memref<784x16xf32, #tpu.memory_space<vmem>>) target(%dma_start3A_151 : memref<10000x16xf32, #tpu.memory_space<vmem_shared>>) offsets(%dma_start3A_148 : memref<784xi32, #tpu.memory_space<vmem>>) semaphore(%arg16 : memref<!tpu.dma_semaphore, #tpu.memory_space<semaphore_mem>>) {add = true}
    %dma_start3A_152 = arith.constant 0 : i32
    %dma_start3A_153 = arith.constant 0 : i32
    %dma_start3A_154 = tpu.memref_slice %arg19[%dma_start3A_152, %dma_start3A_153] : memref<1024x16xf32, #tpu.memory_space<vmem>> -> memref<784x16xf32, #tpu.memory_space<vmem>>
    %dma_start3A_155 = arith.constant 9216 : i32
    %dma_start3A_156 = tpu.memref_slice %arg7[%dma_start3A_155] : memref<10000xi32, #tpu.memory_space<vmem>> -> memref<784xi32, #tpu.memory_space<vmem>>
    %dma_start3A_157 = arith.constant 0 : i32
    %dma_start3A_158 = arith.constant 0 : i32
    %dma_start3A_159 = tpu.memref_slice %arg20[%dma_start3A_157, %dma_start3A_158] : memref<10000x16xf32, #tpu.memory_space<vmem_shared>> -> memref<10000x16xf32, #tpu.memory_space<vmem_shared>>
    tpu.enqueue_indirect_dma source(%dma_start3A_154 : memref<784x16xf32, #tpu.memory_space<vmem>>) target(%dma_start3A_159 : memref<10000x16xf32, #tpu.memory_space<vmem_shared>>) offsets(%dma_start3A_156 : memref<784xi32, #tpu.memory_space<vmem>>) semaphore(%arg21 : memref<!tpu.dma_semaphore, #tpu.memory_space<semaphore_mem>>) {add = true}
    %dma_wait3A_160 = arith.constant 6144 : i32
    %dma_wait3A_161 = tpu.memref_slice %arg7[%dma_wait3A_160] : memref<10000xi32, #tpu.memory_space<vmem>> -> memref<1024xi32, #tpu.memory_space<vmem>>
    %dma_wait3A_162 = arith.constant 0 : i32
    %dma_wait3A_163 = arith.constant 0 : i32
    %dma_wait3A_164 = tpu.memref_slice %arg20[%dma_wait3A_162, %dma_wait3A_163] : memref<10000x16xf32, #tpu.memory_space<vmem_shared>> -> memref<10000x16xf32, #tpu.memory_space<vmem_shared>>
    tpu.wait_indirect_dma semaphore(%arg21 : memref<!tpu.dma_semaphore, #tpu.memory_space<semaphore_mem>>) src(%arg19 : memref<1024x16xf32, #tpu.memory_space<vmem>>) dst(%dma_wait3A_164 : memref<10000x16xf32, #tpu.memory_space<vmem_shared>>)
    %dma_wait3A_165 = arith.constant 0 : i32
    %dma_wait3A_166 = arith.constant 0 : i32
    %dma_wait3A_167 = tpu.memref_slice %arg8[%dma_wait3A_165, %dma_wait3A_166] : memref<1024x16xf32, #tpu.memory_space<vmem>> -> memref<784x16xf32, #tpu.memory_space<vmem>>
    %dma_wait3A_168 = arith.constant 9216 : i32
    %dma_wait3A_169 = tpu.memref_slice %arg7[%dma_wait3A_168] : memref<10000xi32, #tpu.memory_space<vmem>> -> memref<784xi32, #tpu.memory_space<vmem>>
    %dma_wait3A_170 = arith.constant 0 : i32
    %dma_wait3A_171 = arith.constant 0 : i32
    %dma_wait3A_172 = tpu.memref_slice %arg12[%dma_wait3A_170, %dma_wait3A_171] : memref<10000x16xf32, #tpu.memory_space<vmem_shared>> -> memref<10000x16xf32, #tpu.memory_space<vmem_shared>>
    tpu.wait_indirect_dma semaphore(%arg16 : memref<!tpu.dma_semaphore, #tpu.memory_space<semaphore_mem>>) src(%dma_wait3A_167 : memref<784x16xf32, #tpu.memory_space<vmem>>) dst(%dma_wait3A_172 : memref<10000x16xf32, #tpu.memory_space<vmem_shared>>)
    %dma_wait3A_173 = arith.constant 7168 : i32
    %dma_wait3A_174 = tpu.memref_slice %arg7[%dma_wait3A_173] : memref<10000xi32, #tpu.memory_space<vmem>> -> memref<1024xi32, #tpu.memory_space<vmem>>
    %dma_wait3A_175 = arith.constant 0 : i32
    %dma_wait3A_176 = arith.constant 0 : i32
    %dma_wait3A_177 = tpu.memref_slice %arg20[%dma_wait3A_175, %dma_wait3A_176] : memref<10000x16xf32, #tpu.memory_space<vmem_shared>> -> memref<10000x16xf32, #tpu.memory_space<vmem_shared>>
    tpu.wait_indirect_dma semaphore(%arg21 : memref<!tpu.dma_semaphore, #tpu.memory_space<semaphore_mem>>) src(%arg19 : memref<1024x16xf32, #tpu.memory_space<vmem>>) dst(%dma_wait3A_177 : memref<10000x16xf32, #tpu.memory_space<vmem_shared>>)
    %dma_wait3A_178 = arith.constant 8192 : i32
    %dma_wait3A_179 = tpu.memref_slice %arg7[%dma_wait3A_178] : memref<10000xi32, #tpu.memory_space<vmem>> -> memref<1024xi32, #tpu.memory_space<vmem>>
    %dma_wait3A_180 = arith.constant 0 : i32
    %dma_wait3A_181 = arith.constant 0 : i32
    %dma_wait3A_182 = tpu.memref_slice %arg20[%dma_wait3A_180, %dma_wait3A_181] : memref<10000x16xf32, #tpu.memory_space<vmem_shared>> -> memref<10000x16xf32, #tpu.memory_space<vmem_shared>>
    tpu.wait_indirect_dma semaphore(%arg21 : memref<!tpu.dma_semaphore, #tpu.memory_space<semaphore_mem>>) src(%arg19 : memref<1024x16xf32, #tpu.memory_space<vmem>>) dst(%dma_wait3A_182 : memref<10000x16xf32, #tpu.memory_space<vmem_shared>>)
    %dma_wait3A_183 = arith.constant 0 : i32
    %dma_wait3A_184 = arith.constant 0 : i32
    %dma_wait3A_185 = tpu.memref_slice %arg19[%dma_wait3A_183, %dma_wait3A_184] : memref<1024x16xf32, #tpu.memory_space<vmem>> -> memref<784x16xf32, #tpu.memory_space<vmem>>
    %dma_wait3A_186 = arith.constant 9216 : i32
    %dma_wait3A_187 = tpu.memref_slice %arg7[%dma_wait3A_186] : memref<10000xi32, #tpu.memory_space<vmem>> -> memref<784xi32, #tpu.memory_space<vmem>>
    %dma_wait3A_188 = arith.constant 0 : i32
    %dma_wait3A_189 = arith.constant 0 : i32
    %dma_wait3A_190 = tpu.memref_slice %arg20[%dma_wait3A_188, %dma_wait3A_189] : memref<10000x16xf32, #tpu.memory_space<vmem_shared>> -> memref<10000x16xf32, #tpu.memory_space<vmem_shared>>
    tpu.wait_indirect_dma semaphore(%arg21 : memref<!tpu.dma_semaphore, #tpu.memory_space<semaphore_mem>>) src(%dma_wait3A_185 : memref<784x16xf32, #tpu.memory_space<vmem>>) dst(%dma_wait3A_190 : memref<10000x16xf32, #tpu.memory_space<vmem_shared>>)
    %barrier3A_191 = arith.constant 0 : index
    tpu.barrier barrier_id(%barrier3A_191)
    %lt3A_192 = arith.constant 15 : i32
    %lt3A_193 = arith.cmpi slt, %arg1, %lt3A_192 : i32
    %convert_element_type3A_194 = arith.extui %lt3A_193 : i1 to i32
    %cond3A_195 = arith.constant 0 : i32
    %cond3A_196 = arith.cmpi ne, %convert_element_type3A_194, %cond3A_195 : i32
    scf.if %cond3A_196 {
      %mul3A_212 = arith.constant 632 : i32
      %mul3A_213 = arith.muli %arg1, %mul3A_212 : i32
      "tpu.region"() ({
        %run_scoped3A = tpu.sem_alloc : memref<!tpu.dma_semaphore, #tpu.memory_space<semaphore_mem>>
        %dma_start3A_214 = arith.constant 0 : i32
        %dma_start3A_215 = tpu.memref_slice %arg4[%arg0, %mul3A_213, %dma_start3A_214] : memref<2x10000x16xf32, #tpu.memory_space<hbm>> -> memref<1x632x16xf32, #tpu.memory_space<hbm>>
        %dma_start3A_216 = tpu.memref_squeeze %dma_start3A_215 : memref<1x632x16xf32, #tpu.memory_space<hbm>> -> memref<632x16xf32, #tpu.memory_space<hbm>>
        %dma_start3A_217 = arith.constant 0 : i32
        %dma_start3A_218 = tpu.memref_slice %arg12[%mul3A_213, %dma_start3A_217] : memref<10000x16xf32, #tpu.memory_space<vmem_shared>> -> memref<632x16xf32, #tpu.memory_space<vmem_shared>>
        tpu.enqueue_dma source(%dma_start3A_218 : memref<632x16xf32, #tpu.memory_space<vmem_shared>>) target(%dma_start3A_216 : memref<632x16xf32, #tpu.memory_space<hbm>>) target_semaphore(%run_scoped3A : memref<!tpu.dma_semaphore, #tpu.memory_space<semaphore_mem>>)
        %dma_wait3A_219 = arith.constant 0 : i32
        %dma_wait3A_220 = tpu.memref_slice %arg4[%arg0, %mul3A_213, %dma_wait3A_219] : memref<2x10000x16xf32, #tpu.memory_space<hbm>> -> memref<1x632x16xf32, #tpu.memory_space<hbm>>
        %dma_wait3A_221 = tpu.memref_squeeze %dma_wait3A_220 : memref<1x632x16xf32, #tpu.memory_space<hbm>> -> memref<632x16xf32, #tpu.memory_space<hbm>>
        %dma_wait3A_222 = arith.constant 0 : i32
        %dma_wait3A_223 = tpu.memref_slice %arg12[%mul3A_213, %dma_wait3A_222] : memref<10000x16xf32, #tpu.memory_space<vmem_shared>> -> memref<632x16xf32, #tpu.memory_space<vmem_shared>>
        tpu.wait_dma2 semaphore(%run_scoped3A : memref<!tpu.dma_semaphore, #tpu.memory_space<semaphore_mem>>) src(%dma_wait3A_223 : memref<632x16xf32, #tpu.memory_space<vmem_shared>>) dst(%dma_wait3A_221 : memref<632x16xf32, #tpu.memory_space<hbm>>)
        tpu.yield
      }) : () -> ()
    } else {
    }
    %eq3A_197 = arith.constant 15 : i32
    %eq3A_198 = arith.cmpi eq, %arg1, %eq3A_197 : i32
    %convert_element_type3A_199 = arith.extui %eq3A_198 : i1 to i32
    %cond3A_200 = arith.constant 0 : i32
    %cond3A_201 = arith.cmpi ne, %convert_element_type3A_199, %cond3A_200 : i32
    scf.if %cond3A_201 {
      "tpu.region"() ({
        %run_scoped3A = tpu.sem_alloc : memref<!tpu.dma_semaphore, #tpu.memory_space<semaphore_mem>>
        %dma_start3A_212 = arith.constant 9480 : i32
        %dma_start3A_213 = arith.constant 0 : i32
        %dma_start3A_214 = tpu.memref_slice %arg4[%arg0, %dma_start3A_212, %dma_start3A_213] : memref<2x10000x16xf32, #tpu.memory_space<hbm>> -> memref<1x520x16xf32, #tpu.memory_space<hbm>>
        %dma_start3A_215 = tpu.memref_squeeze %dma_start3A_214 : memref<1x520x16xf32, #tpu.memory_space<hbm>> -> memref<520x16xf32, #tpu.memory_space<hbm>>
        %dma_start3A_216 = arith.constant 9480 : i32
        %dma_start3A_217 = arith.constant 0 : i32
        %dma_start3A_218 = tpu.memref_slice %arg12[%dma_start3A_216, %dma_start3A_217] : memref<10000x16xf32, #tpu.memory_space<vmem_shared>> -> memref<520x16xf32, #tpu.memory_space<vmem_shared>>
        tpu.enqueue_dma source(%dma_start3A_218 : memref<520x16xf32, #tpu.memory_space<vmem_shared>>) target(%dma_start3A_215 : memref<520x16xf32, #tpu.memory_space<hbm>>) target_semaphore(%run_scoped3A : memref<!tpu.dma_semaphore, #tpu.memory_space<semaphore_mem>>)
        %dma_wait3A_219 = arith.constant 9480 : i32
        %dma_wait3A_220 = arith.constant 0 : i32
        %dma_wait3A_221 = tpu.memref_slice %arg4[%arg0, %dma_wait3A_219, %dma_wait3A_220] : memref<2x10000x16xf32, #tpu.memory_space<hbm>> -> memref<1x520x16xf32, #tpu.memory_space<hbm>>
        %dma_wait3A_222 = tpu.memref_squeeze %dma_wait3A_221 : memref<1x520x16xf32, #tpu.memory_space<hbm>> -> memref<520x16xf32, #tpu.memory_space<hbm>>
        %dma_wait3A_223 = arith.constant 9480 : i32
        %dma_wait3A_224 = arith.constant 0 : i32
        %dma_wait3A_225 = tpu.memref_slice %arg12[%dma_wait3A_223, %dma_wait3A_224] : memref<10000x16xf32, #tpu.memory_space<vmem_shared>> -> memref<520x16xf32, #tpu.memory_space<vmem_shared>>
        tpu.wait_dma2 semaphore(%run_scoped3A : memref<!tpu.dma_semaphore, #tpu.memory_space<semaphore_mem>>) src(%dma_wait3A_225 : memref<520x16xf32, #tpu.memory_space<vmem_shared>>) dst(%dma_wait3A_222 : memref<520x16xf32, #tpu.memory_space<hbm>>)
        tpu.yield
      }) : () -> ()
    } else {
    }
    %lt3A_202 = arith.constant 15 : i32
    %lt3A_203 = arith.cmpi slt, %arg1, %lt3A_202 : i32
    %convert_element_type3A_204 = arith.extui %lt3A_203 : i1 to i32
    %cond3A_205 = arith.constant 0 : i32
    %cond3A_206 = arith.cmpi ne, %convert_element_type3A_204, %cond3A_205 : i32
    scf.if %cond3A_206 {
      %mul3A_212 = arith.constant 632 : i32
      %mul3A_213 = arith.muli %arg1, %mul3A_212 : i32
      "tpu.region"() ({
        %run_scoped3A = tpu.sem_alloc : memref<!tpu.dma_semaphore, #tpu.memory_space<semaphore_mem>>
        %dma_start3A_214 = arith.constant 0 : i32
        %dma_start3A_215 = tpu.memref_slice %arg5[%arg0, %mul3A_213, %dma_start3A_214] : memref<2x10000x16xf32, #tpu.memory_space<hbm>> -> memref<1x632x16xf32, #tpu.memory_space<hbm>>
        %dma_start3A_216 = tpu.memref_squeeze %dma_start3A_215 : memref<1x632x16xf32, #tpu.memory_space<hbm>> -> memref<632x16xf32, #tpu.memory_space<hbm>>
        %dma_start3A_217 = arith.constant 0 : i32
        %dma_start3A_218 = tpu.memref_slice %arg20[%mul3A_213, %dma_start3A_217] : memref<10000x16xf32, #tpu.memory_space<vmem_shared>> -> memref<632x16xf32, #tpu.memory_space<vmem_shared>>
        tpu.enqueue_dma source(%dma_start3A_218 : memref<632x16xf32, #tpu.memory_space<vmem_shared>>) target(%dma_start3A_216 : memref<632x16xf32, #tpu.memory_space<hbm>>) target_semaphore(%run_scoped3A : memref<!tpu.dma_semaphore, #tpu.memory_space<semaphore_mem>>)
        %dma_wait3A_219 = arith.constant 0 : i32
        %dma_wait3A_220 = tpu.memref_slice %arg5[%arg0, %mul3A_213, %dma_wait3A_219] : memref<2x10000x16xf32, #tpu.memory_space<hbm>> -> memref<1x632x16xf32, #tpu.memory_space<hbm>>
        %dma_wait3A_221 = tpu.memref_squeeze %dma_wait3A_220 : memref<1x632x16xf32, #tpu.memory_space<hbm>> -> memref<632x16xf32, #tpu.memory_space<hbm>>
        %dma_wait3A_222 = arith.constant 0 : i32
        %dma_wait3A_223 = tpu.memref_slice %arg20[%mul3A_213, %dma_wait3A_222] : memref<10000x16xf32, #tpu.memory_space<vmem_shared>> -> memref<632x16xf32, #tpu.memory_space<vmem_shared>>
        tpu.wait_dma2 semaphore(%run_scoped3A : memref<!tpu.dma_semaphore, #tpu.memory_space<semaphore_mem>>) src(%dma_wait3A_223 : memref<632x16xf32, #tpu.memory_space<vmem_shared>>) dst(%dma_wait3A_221 : memref<632x16xf32, #tpu.memory_space<hbm>>)
        tpu.yield
      }) : () -> ()
    } else {
    }
    %eq3A_207 = arith.constant 15 : i32
    %eq3A_208 = arith.cmpi eq, %arg1, %eq3A_207 : i32
    %convert_element_type3A_209 = arith.extui %eq3A_208 : i1 to i32
    %cond3A_210 = arith.constant 0 : i32
    %cond3A_211 = arith.cmpi ne, %convert_element_type3A_209, %cond3A_210 : i32
    scf.if %cond3A_211 {
      "tpu.region"() ({
        %run_scoped3A = tpu.sem_alloc : memref<!tpu.dma_semaphore, #tpu.memory_space<semaphore_mem>>
        %dma_start3A_212 = arith.constant 9480 : i32
        %dma_start3A_213 = arith.constant 0 : i32
        %dma_start3A_214 = tpu.memref_slice %arg5[%arg0, %dma_start3A_212, %dma_start3A_213] : memref<2x10000x16xf32, #tpu.memory_space<hbm>> -> memref<1x520x16xf32, #tpu.memory_space<hbm>>
        %dma_start3A_215 = tpu.memref_squeeze %dma_start3A_214 : memref<1x520x16xf32, #tpu.memory_space<hbm>> -> memref<520x16xf32, #tpu.memory_space<hbm>>
        %dma_start3A_216 = arith.constant 9480 : i32
        %dma_start3A_217 = arith.constant 0 : i32
        %dma_start3A_218 = tpu.memref_slice %arg20[%dma_start3A_216, %dma_start3A_217] : memref<10000x16xf32, #tpu.memory_space<vmem_shared>> -> memref<520x16xf32, #tpu.memory_space<vmem_shared>>
        tpu.enqueue_dma source(%dma_start3A_218 : memref<520x16xf32, #tpu.memory_space<vmem_shared>>) target(%dma_start3A_215 : memref<520x16xf32, #tpu.memory_space<hbm>>) target_semaphore(%run_scoped3A : memref<!tpu.dma_semaphore, #tpu.memory_space<semaphore_mem>>)
        %dma_wait3A_219 = arith.constant 9480 : i32
        %dma_wait3A_220 = arith.constant 0 : i32
        %dma_wait3A_221 = tpu.memref_slice %arg5[%arg0, %dma_wait3A_219, %dma_wait3A_220] : memref<2x10000x16xf32, #tpu.memory_space<hbm>> -> memref<1x520x16xf32, #tpu.memory_space<hbm>>
        %dma_wait3A_222 = tpu.memref_squeeze %dma_wait3A_221 : memref<1x520x16xf32, #tpu.memory_space<hbm>> -> memref<520x16xf32, #tpu.memory_space<hbm>>
        %dma_wait3A_223 = arith.constant 9480 : i32
        %dma_wait3A_224 = arith.constant 0 : i32
        %dma_wait3A_225 = tpu.memref_slice %arg20[%dma_wait3A_223, %dma_wait3A_224] : memref<10000x16xf32, #tpu.memory_space<vmem_shared>> -> memref<520x16xf32, #tpu.memory_space<vmem_shared>>
        tpu.wait_dma2 semaphore(%run_scoped3A : memref<!tpu.dma_semaphore, #tpu.memory_space<semaphore_mem>>) src(%dma_wait3A_225 : memref<520x16xf32, #tpu.memory_space<vmem_shared>>) dst(%dma_wait3A_222 : memref<520x16xf32, #tpu.memory_space<hbm>>)
        tpu.yield
      }) : () -> ()
    } else {
    }
    return
  }
}

module attributes {stable_mosaic.version = 14 : i64} {
  func.func @_tc1_body(%arg0: i32, %arg1: memref<1250x8x128xf32, #tpu.memory_space<vmem>>, %arg2: memref<128x16xf32, #tpu.memory_space<vmem>>, %arg3: memref<128x16xf32, #tpu.memory_space<vmem>>, %arg4: memref<1250x128xf32, #tpu.memory_space<vmem>>, %arg5: memref<1250x128xf32, #tpu.memory_space<vmem>>) attributes {dimension_semantics = [#tpu.dimension_semantics<arbitrary>], iteration_bounds = array<i64: 1>, scalar_prefetch = 0 : i64, scratch_operands = 0 : i64, tpu.core_type = #tpu.core_type<tc>, window_params = [{transform_indices = @transform_0, window_bounds = array<i64: 1250, 8, 128>}, {pipeline_mode = #tpu.pipeline_mode<synchronous>, transform_indices = @transform_1, window_bounds = array<i64: 128, 16>}, {pipeline_mode = #tpu.pipeline_mode<synchronous>, transform_indices = @transform_2, window_bounds = array<i64: 128, 16>}, {transform_indices = @transform_3, window_bounds = array<i64: 1250, 128>}, {transform_indices = @transform_4, window_bounds = array<i64: 1250, 128>}]} {
    %get3A = arith.constant 0 : index
    %get3A_0 = arith.constant 0 : index
    %get3A_1 = vector.load %arg2[%get3A, %get3A_0] : memref<128x16xf32, #tpu.memory_space<vmem>>, vector<128x16xf32>
    %get3A_2 = arith.constant 0 : index
    %get3A_3 = arith.constant 0 : index
    %get3A_4 = vector.load %arg3[%get3A_2, %get3A_3] : memref<128x16xf32, #tpu.memory_space<vmem>>, vector<128x16xf32>
    %get3A_5 = arith.constant 0 : index
    %get3A_6 = arith.constant 0 : index
    %get3A_7 = arith.constant 0 : index
    %get3A_8 = vector.load %arg1[%get3A_5, %get3A_6, %get3A_7] : memref<1250x8x128xf32, #tpu.memory_space<vmem>>, vector<1250x1x128xf32>
    %get3A_9 = vector.shape_cast %get3A_8 : vector<1250x1x128xf32> to vector<1250x128xf32>
    %dot_general3A = arith.constant dense<0.000000e+00> : vector<1250x16xf32>
    %dot_general3A_10 = tpu.matmul %get3A_9, %get3A_1, %dot_general3A {dimension_numbers = #tpu.dot_dimension_numbers<[1], [0], [0], [1], [0, 0, 1, 1], [], []>, transpose_lhs_hint = false} : vector<1250x128xf32>, vector<128x16xf32>, vector<1250x16xf32> -> vector<1250x16xf32>
    %swap3A = arith.constant 0 : index
    %swap3A_11 = arith.constant 0 : index
    %swap3A_12 = vector.load %arg4[%swap3A, %swap3A_11] : memref<1250x128xf32, #tpu.memory_space<vmem>>, vector<1250x16xf32>
    tpu.vector_store %arg4[%swap3A, %swap3A_11], %dot_general3A_10 {strides = array<i32>} : memref<1250x128xf32, #tpu.memory_space<vmem>>, vector<1250x16xf32>,
    %dot_general3A_13 = arith.constant dense<0.000000e+00> : vector<1250x16xf32>
    %dot_general3A_14 = tpu.matmul %get3A_9, %get3A_4, %dot_general3A_13 {dimension_numbers = #tpu.dot_dimension_numbers<[1], [0], [0], [1], [0, 0, 1, 1], [], []>, transpose_lhs_hint = false} : vector<1250x128xf32>, vector<128x16xf32>, vector<1250x16xf32> -> vector<1250x16xf32>
    %swap3A_15 = arith.constant 0 : index
    %swap3A_16 = arith.constant 0 : index
    %swap3A_17 = vector.load %arg5[%swap3A_15, %swap3A_16] : memref<1250x128xf32, #tpu.memory_space<vmem>>, vector<1250x16xf32>
    tpu.vector_store %arg5[%swap3A_15, %swap3A_16], %dot_general3A_14 {strides = array<i32>} : memref<1250x128xf32, #tpu.memory_space<vmem>>, vector<1250x16xf32>,
    %get3A_18 = arith.constant 0 : index
    %get3A_19 = arith.constant 1 : index
    %get3A_20 = arith.constant 0 : index
    %get3A_21 = vector.load %arg1[%get3A_18, %get3A_19, %get3A_20] : memref<1250x8x128xf32, #tpu.memory_space<vmem>>, vector<1250x1x128xf32>
    %get3A_22 = vector.shape_cast %get3A_21 : vector<1250x1x128xf32> to vector<1250x128xf32>
    %dot_general3A_23 = arith.constant dense<0.000000e+00> : vector<1250x16xf32>
    %dot_general3A_24 = tpu.matmul %get3A_22, %get3A_1, %dot_general3A_23 {dimension_numbers = #tpu.dot_dimension_numbers<[1], [0], [0], [1], [0, 0, 1, 1], [], []>, transpose_lhs_hint = false} : vector<1250x128xf32>, vector<128x16xf32>, vector<1250x16xf32> -> vector<1250x16xf32>
    %swap3A_25 = arith.constant 0 : index
    %swap3A_26 = arith.constant 16 : index
    %swap3A_27 = vector.load %arg4[%swap3A_25, %swap3A_26] : memref<1250x128xf32, #tpu.memory_space<vmem>>, vector<1250x16xf32>
    tpu.vector_store %arg4[%swap3A_25, %swap3A_26], %dot_general3A_24 {strides = array<i32>} : memref<1250x128xf32, #tpu.memory_space<vmem>>, vector<1250x16xf32>,
    %dot_general3A_28 = arith.constant dense<0.000000e+00> : vector<1250x16xf32>
    %dot_general3A_29 = tpu.matmul %get3A_22, %get3A_4, %dot_general3A_28 {dimension_numbers = #tpu.dot_dimension_numbers<[1], [0], [0], [1], [0, 0, 1, 1], [], []>, transpose_lhs_hint = false} : vector<1250x128xf32>, vector<128x16xf32>, vector<1250x16xf32> -> vector<1250x16xf32>
    %swap3A_30 = arith.constant 0 : index
    %swap3A_31 = arith.constant 16 : index
    %swap3A_32 = vector.load %arg5[%swap3A_30, %swap3A_31] : memref<1250x128xf32, #tpu.memory_space<vmem>>, vector<1250x16xf32>
    tpu.vector_store %arg5[%swap3A_30, %swap3A_31], %dot_general3A_29 {strides = array<i32>} : memref<1250x128xf32, #tpu.memory_space<vmem>>, vector<1250x16xf32>,
    %get3A_33 = arith.constant 0 : index
    %get3A_34 = arith.constant 2 : index
    %get3A_35 = arith.constant 0 : index
    %get3A_36 = vector.load %arg1[%get3A_33, %get3A_34, %get3A_35] : memref<1250x8x128xf32, #tpu.memory_space<vmem>>, vector<1250x1x128xf32>
    %get3A_37 = vector.shape_cast %get3A_36 : vector<1250x1x128xf32> to vector<1250x128xf32>
    %dot_general3A_38 = arith.constant dense<0.000000e+00> : vector<1250x16xf32>
    %dot_general3A_39 = tpu.matmul %get3A_37, %get3A_1, %dot_general3A_38 {dimension_numbers = #tpu.dot_dimension_numbers<[1], [0], [0], [1], [0, 0, 1, 1], [], []>, transpose_lhs_hint = false} : vector<1250x128xf32>, vector<128x16xf32>, vector<1250x16xf32> -> vector<1250x16xf32>
    %swap3A_40 = arith.constant 0 : index
    %swap3A_41 = arith.constant 32 : index
    %swap3A_42 = vector.load %arg4[%swap3A_40, %swap3A_41] : memref<1250x128xf32, #tpu.memory_space<vmem>>, vector<1250x16xf32>
    tpu.vector_store %arg4[%swap3A_40, %swap3A_41], %dot_general3A_39 {strides = array<i32>} : memref<1250x128xf32, #tpu.memory_space<vmem>>, vector<1250x16xf32>,
    %dot_general3A_43 = arith.constant dense<0.000000e+00> : vector<1250x16xf32>
    %dot_general3A_44 = tpu.matmul %get3A_37, %get3A_4, %dot_general3A_43 {dimension_numbers = #tpu.dot_dimension_numbers<[1], [0], [0], [1], [0, 0, 1, 1], [], []>, transpose_lhs_hint = false} : vector<1250x128xf32>, vector<128x16xf32>, vector<1250x16xf32> -> vector<1250x16xf32>
    %swap3A_45 = arith.constant 0 : index
    %swap3A_46 = arith.constant 32 : index
    %swap3A_47 = vector.load %arg5[%swap3A_45, %swap3A_46] : memref<1250x128xf32, #tpu.memory_space<vmem>>, vector<1250x16xf32>
    tpu.vector_store %arg5[%swap3A_45, %swap3A_46], %dot_general3A_44 {strides = array<i32>} : memref<1250x128xf32, #tpu.memory_space<vmem>>, vector<1250x16xf32>,
    %get3A_48 = arith.constant 0 : index
    %get3A_49 = arith.constant 3 : index
    %get3A_50 = arith.constant 0 : index
    %get3A_51 = vector.load %arg1[%get3A_48, %get3A_49, %get3A_50] : memref<1250x8x128xf32, #tpu.memory_space<vmem>>, vector<1250x1x128xf32>
    %get3A_52 = vector.shape_cast %get3A_51 : vector<1250x1x128xf32> to vector<1250x128xf32>
    %dot_general3A_53 = arith.constant dense<0.000000e+00> : vector<1250x16xf32>
    %dot_general3A_54 = tpu.matmul %get3A_52, %get3A_1, %dot_general3A_53 {dimension_numbers = #tpu.dot_dimension_numbers<[1], [0], [0], [1], [0, 0, 1, 1], [], []>, transpose_lhs_hint = false} : vector<1250x128xf32>, vector<128x16xf32>, vector<1250x16xf32> -> vector<1250x16xf32>
    %swap3A_55 = arith.constant 0 : index
    %swap3A_56 = arith.constant 48 : index
    %swap3A_57 = vector.load %arg4[%swap3A_55, %swap3A_56] : memref<1250x128xf32, #tpu.memory_space<vmem>>, vector<1250x16xf32>
    tpu.vector_store %arg4[%swap3A_55, %swap3A_56], %dot_general3A_54 {strides = array<i32>} : memref<1250x128xf32, #tpu.memory_space<vmem>>, vector<1250x16xf32>,
    %dot_general3A_58 = arith.constant dense<0.000000e+00> : vector<1250x16xf32>
    %dot_general3A_59 = tpu.matmul %get3A_52, %get3A_4, %dot_general3A_58 {dimension_numbers = #tpu.dot_dimension_numbers<[1], [0], [0], [1], [0, 0, 1, 1], [], []>, transpose_lhs_hint = false} : vector<1250x128xf32>, vector<128x16xf32>, vector<1250x16xf32> -> vector<1250x16xf32>
    %swap3A_60 = arith.constant 0 : index
    %swap3A_61 = arith.constant 48 : index
    %swap3A_62 = vector.load %arg5[%swap3A_60, %swap3A_61] : memref<1250x128xf32, #tpu.memory_space<vmem>>, vector<1250x16xf32>
    tpu.vector_store %arg5[%swap3A_60, %swap3A_61], %dot_general3A_59 {strides = array<i32>} : memref<1250x128xf32, #tpu.memory_space<vmem>>, vector<1250x16xf32>,
    %get3A_63 = arith.constant 0 : index
    %get3A_64 = arith.constant 4 : index
    %get3A_65 = arith.constant 0 : index
    %get3A_66 = vector.load %arg1[%get3A_63, %get3A_64, %get3A_65] : memref<1250x8x128xf32, #tpu.memory_space<vmem>>, vector<1250x1x128xf32>
    %get3A_67 = vector.shape_cast %get3A_66 : vector<1250x1x128xf32> to vector<1250x128xf32>
    %dot_general3A_68 = arith.constant dense<0.000000e+00> : vector<1250x16xf32>
    %dot_general3A_69 = tpu.matmul %get3A_67, %get3A_1, %dot_general3A_68 {dimension_numbers = #tpu.dot_dimension_numbers<[1], [0], [0], [1], [0, 0, 1, 1], [], []>, transpose_lhs_hint = false} : vector<1250x128xf32>, vector<128x16xf32>, vector<1250x16xf32> -> vector<1250x16xf32>
    %swap3A_70 = arith.constant 0 : index
    %swap3A_71 = arith.constant 64 : index
    %swap3A_72 = vector.load %arg4[%swap3A_70, %swap3A_71] : memref<1250x128xf32, #tpu.memory_space<vmem>>, vector<1250x16xf32>
    tpu.vector_store %arg4[%swap3A_70, %swap3A_71], %dot_general3A_69 {strides = array<i32>} : memref<1250x128xf32, #tpu.memory_space<vmem>>, vector<1250x16xf32>,
    %dot_general3A_73 = arith.constant dense<0.000000e+00> : vector<1250x16xf32>
    %dot_general3A_74 = tpu.matmul %get3A_67, %get3A_4, %dot_general3A_73 {dimension_numbers = #tpu.dot_dimension_numbers<[1], [0], [0], [1], [0, 0, 1, 1], [], []>, transpose_lhs_hint = false} : vector<1250x128xf32>, vector<128x16xf32>, vector<1250x16xf32> -> vector<1250x16xf32>
    %swap3A_75 = arith.constant 0 : index
    %swap3A_76 = arith.constant 64 : index
    %swap3A_77 = vector.load %arg5[%swap3A_75, %swap3A_76] : memref<1250x128xf32, #tpu.memory_space<vmem>>, vector<1250x16xf32>
    tpu.vector_store %arg5[%swap3A_75, %swap3A_76], %dot_general3A_74 {strides = array<i32>} : memref<1250x128xf32, #tpu.memory_space<vmem>>, vector<1250x16xf32>,
    %get3A_78 = arith.constant 0 : index
    %get3A_79 = arith.constant 5 : index
    %get3A_80 = arith.constant 0 : index
    %get3A_81 = vector.load %arg1[%get3A_78, %get3A_79, %get3A_80] : memref<1250x8x128xf32, #tpu.memory_space<vmem>>, vector<1250x1x128xf32>
    %get3A_82 = vector.shape_cast %get3A_81 : vector<1250x1x128xf32> to vector<1250x128xf32>
    %dot_general3A_83 = arith.constant dense<0.000000e+00> : vector<1250x16xf32>
    %dot_general3A_84 = tpu.matmul %get3A_82, %get3A_1, %dot_general3A_83 {dimension_numbers = #tpu.dot_dimension_numbers<[1], [0], [0], [1], [0, 0, 1, 1], [], []>, transpose_lhs_hint = false} : vector<1250x128xf32>, vector<128x16xf32>, vector<1250x16xf32> -> vector<1250x16xf32>
    %swap3A_85 = arith.constant 0 : index
    %swap3A_86 = arith.constant 80 : index
    %swap3A_87 = vector.load %arg4[%swap3A_85, %swap3A_86] : memref<1250x128xf32, #tpu.memory_space<vmem>>, vector<1250x16xf32>
    tpu.vector_store %arg4[%swap3A_85, %swap3A_86], %dot_general3A_84 {strides = array<i32>} : memref<1250x128xf32, #tpu.memory_space<vmem>>, vector<1250x16xf32>,
    %dot_general3A_88 = arith.constant dense<0.000000e+00> : vector<1250x16xf32>
    %dot_general3A_89 = tpu.matmul %get3A_82, %get3A_4, %dot_general3A_88 {dimension_numbers = #tpu.dot_dimension_numbers<[1], [0], [0], [1], [0, 0, 1, 1], [], []>, transpose_lhs_hint = false} : vector<1250x128xf32>, vector<128x16xf32>, vector<1250x16xf32> -> vector<1250x16xf32>
    %swap3A_90 = arith.constant 0 : index
    %swap3A_91 = arith.constant 80 : index
    %swap3A_92 = vector.load %arg5[%swap3A_90, %swap3A_91] : memref<1250x128xf32, #tpu.memory_space<vmem>>, vector<1250x16xf32>
    tpu.vector_store %arg5[%swap3A_90, %swap3A_91], %dot_general3A_89 {strides = array<i32>} : memref<1250x128xf32, #tpu.memory_space<vmem>>, vector<1250x16xf32>,
    %get3A_93 = arith.constant 0 : index
    %get3A_94 = arith.constant 6 : index
    %get3A_95 = arith.constant 0 : index
    %get3A_96 = vector.load %arg1[%get3A_93, %get3A_94, %get3A_95] : memref<1250x8x128xf32, #tpu.memory_space<vmem>>, vector<1250x1x128xf32>
    %get3A_97 = vector.shape_cast %get3A_96 : vector<1250x1x128xf32> to vector<1250x128xf32>
    %dot_general3A_98 = arith.constant dense<0.000000e+00> : vector<1250x16xf32>
    %dot_general3A_99 = tpu.matmul %get3A_97, %get3A_1, %dot_general3A_98 {dimension_numbers = #tpu.dot_dimension_numbers<[1], [0], [0], [1], [0, 0, 1, 1], [], []>, transpose_lhs_hint = false} : vector<1250x128xf32>, vector<128x16xf32>, vector<1250x16xf32> -> vector<1250x16xf32>
    %swap3A_100 = arith.constant 0 : index
    %swap3A_101 = arith.constant 96 : index
    %swap3A_102 = vector.load %arg4[%swap3A_100, %swap3A_101] : memref<1250x128xf32, #tpu.memory_space<vmem>>, vector<1250x16xf32>
    tpu.vector_store %arg4[%swap3A_100, %swap3A_101], %dot_general3A_99 {strides = array<i32>} : memref<1250x128xf32, #tpu.memory_space<vmem>>, vector<1250x16xf32>,
    %dot_general3A_103 = arith.constant dense<0.000000e+00> : vector<1250x16xf32>
    %dot_general3A_104 = tpu.matmul %get3A_97, %get3A_4, %dot_general3A_103 {dimension_numbers = #tpu.dot_dimension_numbers<[1], [0], [0], [1], [0, 0, 1, 1], [], []>, transpose_lhs_hint = false} : vector<1250x128xf32>, vector<128x16xf32>, vector<1250x16xf32> -> vector<1250x16xf32>
    %swap3A_105 = arith.constant 0 : index
    %swap3A_106 = arith.constant 96 : index
    %swap3A_107 = vector.load %arg5[%swap3A_105, %swap3A_106] : memref<1250x128xf32, #tpu.memory_space<vmem>>, vector<1250x16xf32>
    tpu.vector_store %arg5[%swap3A_105, %swap3A_106], %dot_general3A_104 {strides = array<i32>} : memref<1250x128xf32, #tpu.memory_space<vmem>>, vector<1250x16xf32>,
    %get3A_108 = arith.constant 0 : index
    %get3A_109 = arith.constant 7 : index
    %get3A_110 = arith.constant 0 : index
    %get3A_111 = vector.load %arg1[%get3A_108, %get3A_109, %get3A_110] : memref<1250x8x128xf32, #tpu.memory_space<vmem>>, vector<1250x1x128xf32>
    %get3A_112 = vector.shape_cast %get3A_111 : vector<1250x1x128xf32> to vector<1250x128xf32>
    %dot_general3A_113 = arith.constant dense<0.000000e+00> : vector<1250x16xf32>
    %dot_general3A_114 = tpu.matmul %get3A_112, %get3A_1, %dot_general3A_113 {dimension_numbers = #tpu.dot_dimension_numbers<[1], [0], [0], [1], [0, 0, 1, 1], [], []>, transpose_lhs_hint = false} : vector<1250x128xf32>, vector<128x16xf32>, vector<1250x16xf32> -> vector<1250x16xf32>
    %swap3A_115 = arith.constant 0 : index
    %swap3A_116 = arith.constant 112 : index
    %swap3A_117 = vector.load %arg4[%swap3A_115, %swap3A_116] : memref<1250x128xf32, #tpu.memory_space<vmem>>, vector<1250x16xf32>
    tpu.vector_store %arg4[%swap3A_115, %swap3A_116], %dot_general3A_114 {strides = array<i32>} : memref<1250x128xf32, #tpu.memory_space<vmem>>, vector<1250x16xf32>,
    %dot_general3A_118 = arith.constant dense<0.000000e+00> : vector<1250x16xf32>
    %dot_general3A_119 = tpu.matmul %get3A_112, %get3A_4, %dot_general3A_118 {dimension_numbers = #tpu.dot_dimension_numbers<[1], [0], [0], [1], [0, 0, 1, 1], [], []>, transpose_lhs_hint = false} : vector<1250x128xf32>, vector<128x16xf32>, vector<1250x16xf32> -> vector<1250x16xf32>
    %swap3A_120 = arith.constant 0 : index
    %swap3A_121 = arith.constant 112 : index
    %swap3A_122 = vector.load %arg5[%swap3A_120, %swap3A_121] : memref<1250x128xf32, #tpu.memory_space<vmem>>, vector<1250x16xf32>
    tpu.vector_store %arg5[%swap3A_120, %swap3A_121], %dot_general3A_119 {strides = array<i32>} : memref<1250x128xf32, #tpu.memory_space<vmem>>, vector<1250x16xf32>,
    return
  }
  func.func @transform_0(%arg0: i32) -> (i32, i32, i32) {
    %c0_i32 = arith.constant 0 : i32
    %c0_i32_0 = arith.constant 0 : i32
    %c0_i32_1 = arith.constant 0 : i32
    return %arg0, %c0_i32, %c0_i32_0 : i32, i32, i32
  }
  func.func @transform_1(%arg0: i32) -> (i32, i32) {
    %c0_i32 = arith.constant 0 : i32
    %c0_i32_0 = arith.constant 0 : i32
    %c0_i32_1 = arith.constant 0 : i32
    return %c0_i32, %c0_i32_0 : i32, i32
  }
  func.func @transform_2(%arg0: i32) -> (i32, i32) {
    %c0_i32 = arith.constant 0 : i32
    %c0_i32_0 = arith.constant 0 : i32
    %c0_i32_1 = arith.constant 0 : i32
    return %c0_i32, %c0_i32_0 : i32, i32
  }
  func.func @transform_3(%arg0: i32) -> (i32, i32) {
    %c0_i32 = arith.constant 0 : i32
    %c0_i32_0 = arith.constant 0 : i32
    return %arg0, %c0_i32 : i32, i32
  }
  func.func @transform_4(%arg0: i32) -> (i32, i32) {
    %c0_i32 = arith.constant 0 : i32
    %c0_i32_0 = arith.constant 0 : i32
    return %arg0, %c0_i32 : i32, i32
  }
}

module attributes {stable_mosaic.version = 14 : i64} {
  func.func @_tc2_body(%arg0: i32, %arg1: memref<2x1250x128xf32, #tpu.memory_space<vmem>>, %arg2: memref<2x1250x128xf32, #tpu.memory_space<vmem>>, %arg3: memref<1250x128xf32, #tpu.memory_space<vmem>>, %arg4: memref<1x128xf32, #tpu.memory_space<vmem>>, %arg5: memref<128x128xf32, #tpu.memory_space<vmem>>, %arg6: memref<128x128xf32, #tpu.memory_space<vmem>>, %arg7: memref<1250x128xf32, #tpu.memory_space<vmem>>, %arg8: memref<1250x128xf32, #tpu.memory_space<vmem>>) attributes {dimension_semantics = [#tpu.dimension_semantics<arbitrary>], iteration_bounds = array<i64: 1>, scalar_prefetch = 0 : i64, scratch_operands = 0 : i64, tpu.core_type = #tpu.core_type<tc>, window_params = [{transform_indices = @transform_0, window_bounds = array<i64: 2, 1250, 128>}, {transform_indices = @transform_1, window_bounds = array<i64: 2, 1250, 128>}, {transform_indices = @transform_2, window_bounds = array<i64: 1250, 128>}, {pipeline_mode = #tpu.pipeline_mode<synchronous>, transform_indices = @transform_3, window_bounds = array<i64: 1, 128>}, {pipeline_mode = #tpu.pipeline_mode<synchronous>, transform_indices = @transform_4, window_bounds = array<i64: 128, 128>}, {pipeline_mode = #tpu.pipeline_mode<synchronous>, transform_indices = @transform_5, window_bounds = array<i64: 128, 128>}, {transform_indices = @transform_6, window_bounds = array<i64: 1250, 128>}, {transform_indices = @transform_7, window_bounds = array<i64: 1250, 128>}]} {
    %get3A = arith.constant 0 : index
    %get3A_0 = arith.constant 0 : index
    %get3A_1 = arith.constant 0 : index
    %get3A_2 = vector.load %arg1[%get3A, %get3A_0, %get3A_1] : memref<2x1250x128xf32, #tpu.memory_space<vmem>>, vector<1x1250x128xf32>
    %get3A_3 = vector.shape_cast %get3A_2 : vector<1x1250x128xf32> to vector<1250x128xf32>
    %get3A_4 = arith.constant 1 : index
    %get3A_5 = arith.constant 0 : index
    %get3A_6 = arith.constant 0 : index
    %get3A_7 = vector.load %arg1[%get3A_4, %get3A_5, %get3A_6] : memref<2x1250x128xf32, #tpu.memory_space<vmem>>, vector<1x1250x128xf32>
    %get3A_8 = vector.shape_cast %get3A_7 : vector<1x1250x128xf32> to vector<1250x128xf32>
    %add3A = arith.addf %get3A_3, %get3A_8 : vector<1250x128xf32>
    %get3A_9 = arith.constant 0 : index
    %get3A_10 = arith.constant 0 : index
    %get3A_11 = arith.constant 0 : index
    %get3A_12 = vector.load %arg2[%get3A_9, %get3A_10, %get3A_11] : memref<2x1250x128xf32, #tpu.memory_space<vmem>>, vector<1x1250x128xf32>
    %get3A_13 = vector.shape_cast %get3A_12 : vector<1x1250x128xf32> to vector<1250x128xf32>
    %get3A_14 = arith.constant 1 : index
    %get3A_15 = arith.constant 0 : index
    %get3A_16 = arith.constant 0 : index
    %get3A_17 = vector.load %arg2[%get3A_14, %get3A_15, %get3A_16] : memref<2x1250x128xf32, #tpu.memory_space<vmem>>, vector<1x1250x128xf32>
    %get3A_18 = vector.shape_cast %get3A_17 : vector<1x1250x128xf32> to vector<1250x128xf32>
    %add3A_19 = arith.addf %get3A_13, %get3A_18 : vector<1250x128xf32>
    %max3A = arith.constant 1.000000e+00 : f32
    %max3A_20 = vector.broadcast %max3A : f32 to vector<1250x128xf32>
    %max3A_21 = arith.maximumf %add3A_19, %max3A_20 : vector<1250x128xf32>
    %div3A = arith.divf %add3A, %max3A_21 : vector<1250x128xf32>
    %get3A_22 = arith.constant 0 : index
    %get3A_23 = arith.constant 0 : index
    %get3A_24 = vector.load %arg4[%get3A_22, %get3A_23] : memref<1x128xf32, #tpu.memory_space<vmem>>, vector<1x128xf32>
    %add3A_25 = vector.broadcast %get3A_24 : vector<1x128xf32> to vector<1250x128xf32>
    %add3A_26 = arith.addf %div3A, %add3A_25 : vector<1250x128xf32>
    %get3A_27 = arith.constant 0 : index
    %get3A_28 = arith.constant 0 : index
    %get3A_29 = vector.load %arg3[%get3A_27, %get3A_28] : memref<1250x128xf32, #tpu.memory_space<vmem>>, vector<1250x128xf32>
    %add3A_30 = arith.addf %add3A_26, %get3A_29 : vector<1250x128xf32>
    %max3A_31 = arith.constant 0.000000e+00 : f32
    %max3A_32 = vector.broadcast %max3A_31 : f32 to vector<1250x128xf32>
    %max3A_33 = arith.maximumf %add3A_30, %max3A_32 : vector<1250x128xf32>
    %get3A_34 = arith.constant 0 : index
    %get3A_35 = arith.constant 0 : index
    %get3A_36 = vector.load %arg5[%get3A_34, %get3A_35] : memref<128x128xf32, #tpu.memory_space<vmem>>, vector<128x128xf32>
    %dot_general3A = arith.constant dense<0.000000e+00> : vector<1250x128xf32>
    %dot_general3A_37 = tpu.matmul %max3A_33, %get3A_36, %dot_general3A {dimension_numbers = #tpu.dot_dimension_numbers<[1], [0], [0], [1], [0, 0, 1, 1], [], []>, transpose_lhs_hint = false} : vector<1250x128xf32>, vector<128x128xf32>, vector<1250x128xf32> -> vector<1250x128xf32>
    %swap3A = arith.constant 0 : index
    %swap3A_38 = arith.constant 0 : index
    %swap3A_39 = vector.load %arg7[%swap3A, %swap3A_38] : memref<1250x128xf32, #tpu.memory_space<vmem>>, vector<1250x128xf32>
    tpu.vector_store %arg7[%swap3A, %swap3A_38], %dot_general3A_37 {strides = array<i32>} : memref<1250x128xf32, #tpu.memory_space<vmem>>, vector<1250x128xf32>,
    %get3A_40 = arith.constant 0 : index
    %get3A_41 = arith.constant 0 : index
    %get3A_42 = vector.load %arg6[%get3A_40, %get3A_41] : memref<128x128xf32, #tpu.memory_space<vmem>>, vector<128x128xf32>
    %dot_general3A_43 = arith.constant dense<0.000000e+00> : vector<1250x128xf32>
    %dot_general3A_44 = tpu.matmul %max3A_33, %get3A_42, %dot_general3A_43 {dimension_numbers = #tpu.dot_dimension_numbers<[1], [0], [0], [1], [0, 0, 1, 1], [], []>, transpose_lhs_hint = false} : vector<1250x128xf32>, vector<128x128xf32>, vector<1250x128xf32> -> vector<1250x128xf32>
    %swap3A_45 = arith.constant 0 : index
    %swap3A_46 = arith.constant 0 : index
    %swap3A_47 = vector.load %arg8[%swap3A_45, %swap3A_46] : memref<1250x128xf32, #tpu.memory_space<vmem>>, vector<1250x128xf32>
    tpu.vector_store %arg8[%swap3A_45, %swap3A_46], %dot_general3A_44 {strides = array<i32>} : memref<1250x128xf32, #tpu.memory_space<vmem>>, vector<1250x128xf32>,
    return
  }
  func.func @transform_0(%arg0: i32) -> (i32, i32, i32) {
    %c0_i32 = arith.constant 0 : i32
    %c0_i32_0 = arith.constant 0 : i32
    %c0_i32_1 = arith.constant 0 : i32
    return %c0_i32, %arg0, %c0_i32_0 : i32, i32, i32
  }
  func.func @transform_1(%arg0: i32) -> (i32, i32, i32) {
    %c0_i32 = arith.constant 0 : i32
    %c0_i32_0 = arith.constant 0 : i32
    %c0_i32_1 = arith.constant 0 : i32
    return %c0_i32, %arg0, %c0_i32_0 : i32, i32, i32
  }
  func.func @transform_2(%arg0: i32) -> (i32, i32) {
    %c0_i32 = arith.constant 0 : i32
    %c0_i32_0 = arith.constant 0 : i32
    return %arg0, %c0_i32 : i32, i32
  }
  func.func @transform_3(%arg0: i32) -> (i32, i32) {
    %c0_i32 = arith.constant 0 : i32
    %c0_i32_0 = arith.constant 0 : i32
    %c0_i32_1 = arith.constant 0 : i32
    return %c0_i32, %c0_i32_0 : i32, i32
  }
  func.func @transform_4(%arg0: i32) -> (i32, i32) {
    %c0_i32 = arith.constant 0 : i32
    %c0_i32_0 = arith.constant 0 : i32
    %c0_i32_1 = arith.constant 0 : i32
    return %c0_i32, %c0_i32_0 : i32, i32
  }
  func.func @transform_5(%arg0: i32) -> (i32, i32) {
    %c0_i32 = arith.constant 0 : i32
    %c0_i32_0 = arith.constant 0 : i32
    %c0_i32_1 = arith.constant 0 : i32
    return %c0_i32, %c0_i32_0 : i32, i32
  }
  func.func @transform_6(%arg0: i32) -> (i32, i32) {
    %c0_i32 = arith.constant 0 : i32
    %c0_i32_0 = arith.constant 0 : i32
    return %arg0, %c0_i32 : i32, i32
  }
  func.func @transform_7(%arg0: i32) -> (i32, i32) {
    %c0_i32 = arith.constant 0 : i32
    %c0_i32_0 = arith.constant 0 : i32
    return %arg0, %c0_i32 : i32, i32
  }
}

module attributes {stable_mosaic.version = 14 : i64} {
  func.func @_tc3_body(%arg0: i32, %arg1: memref<2x1250x128xf32, #tpu.memory_space<vmem>>, %arg2: memref<2x1250x128xf32, #tpu.memory_space<vmem>>, %arg3: memref<1250x128xf32, #tpu.memory_space<vmem>>, %arg4: memref<1x128xf32, #tpu.memory_space<vmem>>, %arg5: memref<128x128xf32, #tpu.memory_space<vmem>>, %arg6: memref<1250x128xf32, #tpu.memory_space<vmem>>) attributes {dimension_semantics = [#tpu.dimension_semantics<arbitrary>], iteration_bounds = array<i64: 1>, scalar_prefetch = 0 : i64, scratch_operands = 0 : i64, tpu.core_type = #tpu.core_type<tc>, window_params = [{transform_indices = @transform_0, window_bounds = array<i64: 2, 1250, 128>}, {transform_indices = @transform_1, window_bounds = array<i64: 2, 1250, 128>}, {transform_indices = @transform_2, window_bounds = array<i64: 1250, 128>}, {pipeline_mode = #tpu.pipeline_mode<synchronous>, transform_indices = @transform_3, window_bounds = array<i64: 1, 128>}, {pipeline_mode = #tpu.pipeline_mode<synchronous>, transform_indices = @transform_4, window_bounds = array<i64: 128, 128>}, {transform_indices = @transform_5, window_bounds = array<i64: 1250, 128>}]} {
    %get3A = arith.constant 0 : index
    %get3A_0 = arith.constant 0 : index
    %get3A_1 = arith.constant 0 : index
    %get3A_2 = vector.load %arg1[%get3A, %get3A_0, %get3A_1] : memref<2x1250x128xf32, #tpu.memory_space<vmem>>, vector<1x1250x128xf32>
    %get3A_3 = vector.shape_cast %get3A_2 : vector<1x1250x128xf32> to vector<1250x128xf32>
    %get3A_4 = arith.constant 1 : index
    %get3A_5 = arith.constant 0 : index
    %get3A_6 = arith.constant 0 : index
    %get3A_7 = vector.load %arg1[%get3A_4, %get3A_5, %get3A_6] : memref<2x1250x128xf32, #tpu.memory_space<vmem>>, vector<1x1250x128xf32>
    %get3A_8 = vector.shape_cast %get3A_7 : vector<1x1250x128xf32> to vector<1250x128xf32>
    %add3A = arith.addf %get3A_3, %get3A_8 : vector<1250x128xf32>
    %get3A_9 = arith.constant 0 : index
    %get3A_10 = arith.constant 0 : index
    %get3A_11 = arith.constant 0 : index
    %get3A_12 = vector.load %arg2[%get3A_9, %get3A_10, %get3A_11] : memref<2x1250x128xf32, #tpu.memory_space<vmem>>, vector<1x1250x128xf32>
    %get3A_13 = vector.shape_cast %get3A_12 : vector<1x1250x128xf32> to vector<1250x128xf32>
    %get3A_14 = arith.constant 1 : index
    %get3A_15 = arith.constant 0 : index
    %get3A_16 = arith.constant 0 : index
    %get3A_17 = vector.load %arg2[%get3A_14, %get3A_15, %get3A_16] : memref<2x1250x128xf32, #tpu.memory_space<vmem>>, vector<1x1250x128xf32>
    %get3A_18 = vector.shape_cast %get3A_17 : vector<1x1250x128xf32> to vector<1250x128xf32>
    %add3A_19 = arith.addf %get3A_13, %get3A_18 : vector<1250x128xf32>
    %max3A = arith.constant 1.000000e+00 : f32
    %max3A_20 = vector.broadcast %max3A : f32 to vector<1250x128xf32>
    %max3A_21 = arith.maximumf %add3A_19, %max3A_20 : vector<1250x128xf32>
    %div3A = arith.divf %add3A, %max3A_21 : vector<1250x128xf32>
    %get3A_22 = arith.constant 0 : index
    %get3A_23 = arith.constant 0 : index
    %get3A_24 = vector.load %arg4[%get3A_22, %get3A_23] : memref<1x128xf32, #tpu.memory_space<vmem>>, vector<1x128xf32>
    %add3A_25 = vector.broadcast %get3A_24 : vector<1x128xf32> to vector<1250x128xf32>
    %add3A_26 = arith.addf %div3A, %add3A_25 : vector<1250x128xf32>
    %get3A_27 = arith.constant 0 : index
    %get3A_28 = arith.constant 0 : index
    %get3A_29 = vector.load %arg3[%get3A_27, %get3A_28] : memref<1250x128xf32, #tpu.memory_space<vmem>>, vector<1250x128xf32>
    %add3A_30 = arith.addf %add3A_26, %get3A_29 : vector<1250x128xf32>
    %iota3A = tpu.iota {dimensions = array<i32: 1>} : vector<1250x128xi32>
    %jit3A = arith.constant 16 : i32
    %eq3A = arith.constant 0 : i32
    %eq3A_31 = arith.cmpi eq, %jit3A, %eq3A : i32
    %jit3A_32 = arith.constant 1 : i32
    %select_n3A = arith.select %eq3A_31, %jit3A_32, %jit3A : i32
    %rem3A = vector.broadcast %select_n3A : i32 to vector<1250x128xi32>
    %rem3A_33 = arith.remsi %iota3A, %rem3A : vector<1250x128xi32>
    %ne3A = arith.constant 0 : i32
    %ne3A_34 = vector.broadcast %ne3A : i32 to vector<1250x128xi32>
    %ne3A_35 = arith.cmpi ne, %rem3A_33, %ne3A_34 : vector<1250x128xi32>
    %lt3A = arith.constant 0 : i32
    %lt3A_36 = vector.broadcast %lt3A : i32 to vector<1250x128xi32>
    %lt3A_37 = arith.cmpi slt, %rem3A_33, %lt3A_36 : vector<1250x128xi32>
    %lt3A_38 = arith.constant 0 : i32
    %lt3A_39 = arith.cmpi slt, %select_n3A, %lt3A_38 : i32
    %ne3A_40 = vector.broadcast %lt3A_39 : i1 to vector<1250x128xi1>
    %ne3A_41 = vector.broadcast %ne3A_40 : vector<1250x128xi1> to vector<1250x128xi1>
    %ne3A_42 = arith.xori %lt3A_37, %ne3A_41 : vector<1250x128xi1>
    %and3A = arith.andi %ne3A_42, %ne3A_35 : vector<1250x128xi1>
    %add3A_43 = vector.broadcast %select_n3A : i32 to vector<1250x128xi32>
    %add3A_44 = arith.addi %rem3A_33, %add3A_43 : vector<1250x128xi32>
    %select_n3A_45 = arith.select %and3A, %add3A_44, %rem3A_33 : vector<1250x128xi1>, vector<1250x128xi32>
    %roll3A = arith.constant 127 : i32
    %roll3A_46 = tpu.dynamic_rotate %add3A_30 by %roll3A dim 1 : vector<1250x128xf32>, i32 -> vector<1250x128xf32>
    %roll3A_47 = arith.constant 1 : i32
    %roll3A_48 = tpu.dynamic_rotate %add3A_30 by %roll3A_47 dim 1 : vector<1250x128xf32>, i32 -> vector<1250x128xf32>
    %add3A_49 = arith.constant 1 : i32
    %add3A_50 = vector.broadcast %add3A_49 : i32 to vector<1250x128xi32>
    %add3A_51 = arith.addi %select_n3A_45, %add3A_50 : vector<1250x128xi32>
    %lt3A_52 = arith.constant 16 : i32
    %lt3A_53 = vector.broadcast %lt3A_52 : i32 to vector<1250x128xi32>
    %lt3A_54 = arith.cmpi slt, %add3A_51, %lt3A_53 : vector<1250x128xi32>
    %max3A_55 = arith.maximumf %add3A_30, %roll3A_46 : vector<1250x128xf32>
    %select_n3A_56 = arith.select %lt3A_54, %max3A_55, %add3A_30 : vector<1250x128xi1>, vector<1250x128xf32>
    %ge3A = arith.constant 1 : i32
    %ge3A_57 = vector.broadcast %ge3A : i32 to vector<1250x128xi32>
    %ge3A_58 = arith.cmpi sge, %select_n3A_45, %ge3A_57 : vector<1250x128xi32>
    %max3A_59 = arith.maximumf %select_n3A_56, %roll3A_48 : vector<1250x128xf32>
    %select_n3A_60 = arith.select %ge3A_58, %max3A_59, %select_n3A_56 : vector<1250x128xi1>, vector<1250x128xf32>
    %roll3A_61 = arith.constant 126 : i32
    %roll3A_62 = tpu.dynamic_rotate %select_n3A_60 by %roll3A_61 dim 1 : vector<1250x128xf32>, i32 -> vector<1250x128xf32>
    %roll3A_63 = arith.constant 2 : i32
    %roll3A_64 = tpu.dynamic_rotate %select_n3A_60 by %roll3A_63 dim 1 : vector<1250x128xf32>, i32 -> vector<1250x128xf32>
    %add3A_65 = arith.constant 2 : i32
    %add3A_66 = vector.broadcast %add3A_65 : i32 to vector<1250x128xi32>
    %add3A_67 = arith.addi %select_n3A_45, %add3A_66 : vector<1250x128xi32>
    %lt3A_68 = arith.constant 16 : i32
    %lt3A_69 = vector.broadcast %lt3A_68 : i32 to vector<1250x128xi32>
    %lt3A_70 = arith.cmpi slt, %add3A_67, %lt3A_69 : vector<1250x128xi32>
    %max3A_71 = arith.maximumf %select_n3A_60, %roll3A_62 : vector<1250x128xf32>
    %select_n3A_72 = arith.select %lt3A_70, %max3A_71, %select_n3A_60 : vector<1250x128xi1>, vector<1250x128xf32>
    %ge3A_73 = arith.constant 2 : i32
    %ge3A_74 = vector.broadcast %ge3A_73 : i32 to vector<1250x128xi32>
    %ge3A_75 = arith.cmpi sge, %select_n3A_45, %ge3A_74 : vector<1250x128xi32>
    %max3A_76 = arith.maximumf %select_n3A_72, %roll3A_64 : vector<1250x128xf32>
    %select_n3A_77 = arith.select %ge3A_75, %max3A_76, %select_n3A_72 : vector<1250x128xi1>, vector<1250x128xf32>
    %roll3A_78 = arith.constant 124 : i32
    %roll3A_79 = tpu.dynamic_rotate %select_n3A_77 by %roll3A_78 dim 1 : vector<1250x128xf32>, i32 -> vector<1250x128xf32>
    %roll3A_80 = arith.constant 4 : i32
    %roll3A_81 = tpu.dynamic_rotate %select_n3A_77 by %roll3A_80 dim 1 : vector<1250x128xf32>, i32 -> vector<1250x128xf32>
    %add3A_82 = arith.constant 4 : i32
    %add3A_83 = vector.broadcast %add3A_82 : i32 to vector<1250x128xi32>
    %add3A_84 = arith.addi %select_n3A_45, %add3A_83 : vector<1250x128xi32>
    %lt3A_85 = arith.constant 16 : i32
    %lt3A_86 = vector.broadcast %lt3A_85 : i32 to vector<1250x128xi32>
    %lt3A_87 = arith.cmpi slt, %add3A_84, %lt3A_86 : vector<1250x128xi32>
    %max3A_88 = arith.maximumf %select_n3A_77, %roll3A_79 : vector<1250x128xf32>
    %select_n3A_89 = arith.select %lt3A_87, %max3A_88, %select_n3A_77 : vector<1250x128xi1>, vector<1250x128xf32>
    %ge3A_90 = arith.constant 4 : i32
    %ge3A_91 = vector.broadcast %ge3A_90 : i32 to vector<1250x128xi32>
    %ge3A_92 = arith.cmpi sge, %select_n3A_45, %ge3A_91 : vector<1250x128xi32>
    %max3A_93 = arith.maximumf %select_n3A_89, %roll3A_81 : vector<1250x128xf32>
    %select_n3A_94 = arith.select %ge3A_92, %max3A_93, %select_n3A_89 : vector<1250x128xi1>, vector<1250x128xf32>
    %roll3A_95 = arith.constant 120 : i32
    %roll3A_96 = tpu.dynamic_rotate %select_n3A_94 by %roll3A_95 dim 1 : vector<1250x128xf32>, i32 -> vector<1250x128xf32>
    %roll3A_97 = arith.constant 8 : i32
    %roll3A_98 = tpu.dynamic_rotate %select_n3A_94 by %roll3A_97 dim 1 : vector<1250x128xf32>, i32 -> vector<1250x128xf32>
    %add3A_99 = arith.constant 8 : i32
    %add3A_100 = vector.broadcast %add3A_99 : i32 to vector<1250x128xi32>
    %add3A_101 = arith.addi %select_n3A_45, %add3A_100 : vector<1250x128xi32>
    %lt3A_102 = arith.constant 16 : i32
    %lt3A_103 = vector.broadcast %lt3A_102 : i32 to vector<1250x128xi32>
    %lt3A_104 = arith.cmpi slt, %add3A_101, %lt3A_103 : vector<1250x128xi32>
    %max3A_105 = arith.maximumf %select_n3A_94, %roll3A_96 : vector<1250x128xf32>
    %select_n3A_106 = arith.select %lt3A_104, %max3A_105, %select_n3A_94 : vector<1250x128xi1>, vector<1250x128xf32>
    %ge3A_107 = arith.constant 8 : i32
    %ge3A_108 = vector.broadcast %ge3A_107 : i32 to vector<1250x128xi32>
    %ge3A_109 = arith.cmpi sge, %select_n3A_45, %ge3A_108 : vector<1250x128xi32>
    %max3A_110 = arith.maximumf %select_n3A_106, %roll3A_98 : vector<1250x128xf32>
    %select_n3A_111 = arith.select %ge3A_109, %max3A_110, %select_n3A_106 : vector<1250x128xi1>, vector<1250x128xf32>
    %sub3A = arith.subf %add3A_30, %select_n3A_111 : vector<1250x128xf32>
    %exp3A = math.exp %sub3A : vector<1250x128xf32>
    %get3A_112 = arith.constant 0 : index
    %get3A_113 = arith.constant 0 : index
    %get3A_114 = vector.load %arg5[%get3A_112, %get3A_113] : memref<128x128xf32, #tpu.memory_space<vmem>>, vector<128x128xf32>
    %dot_general3A = arith.constant dense<0.000000e+00> : vector<1250x128xf32>
    %dot_general3A_115 = tpu.matmul %exp3A, %get3A_114, %dot_general3A {dimension_numbers = #tpu.dot_dimension_numbers<[1], [0], [0], [1], [0, 0, 1, 1], [], []>, transpose_lhs_hint = false} : vector<1250x128xf32>, vector<128x128xf32>, vector<1250x128xf32> -> vector<1250x128xf32>
    %log3A = math.log %dot_general3A_115 : vector<1250x128xf32>
    %sub3A_116 = arith.subf %sub3A, %log3A : vector<1250x128xf32>
    %swap3A = arith.constant 0 : index
    %swap3A_117 = arith.constant 0 : index
    %swap3A_118 = vector.load %arg6[%swap3A, %swap3A_117] : memref<1250x128xf32, #tpu.memory_space<vmem>>, vector<1250x128xf32>
    tpu.vector_store %arg6[%swap3A, %swap3A_117], %sub3A_116 {strides = array<i32>} : memref<1250x128xf32, #tpu.memory_space<vmem>>, vector<1250x128xf32>,
    return
  }
  func.func @transform_0(%arg0: i32) -> (i32, i32, i32) {
    %c0_i32 = arith.constant 0 : i32
    %c0_i32_0 = arith.constant 0 : i32
    %c0_i32_1 = arith.constant 0 : i32
    return %c0_i32, %arg0, %c0_i32_0 : i32, i32, i32
  }
  func.func @transform_1(%arg0: i32) -> (i32, i32, i32) {
    %c0_i32 = arith.constant 0 : i32
    %c0_i32_0 = arith.constant 0 : i32
    %c0_i32_1 = arith.constant 0 : i32
    return %c0_i32, %arg0, %c0_i32_0 : i32, i32, i32
  }
  func.func @transform_2(%arg0: i32) -> (i32, i32) {
    %c0_i32 = arith.constant 0 : i32
    %c0_i32_0 = arith.constant 0 : i32
    return %arg0, %c0_i32 : i32, i32
  }
  func.func @transform_3(%arg0: i32) -> (i32, i32) {
    %c0_i32 = arith.constant 0 : i32
    %c0_i32_0 = arith.constant 0 : i32
    %c0_i32_1 = arith.constant 0 : i32
    return %c0_i32, %c0_i32_0 : i32, i32
  }
  func.func @transform_4(%arg0: i32) -> (i32, i32) {
    %c0_i32 = arith.constant 0 : i32
    %c0_i32_0 = arith.constant 0 : i32
    %c0_i32_1 = arith.constant 0 : i32
    return %c0_i32, %c0_i32_0 : i32, i32
  }
  func.func @transform_5(%arg0: i32) -> (i32, i32) {
    %c0_i32 = arith.constant 0 : i32
    %c0_i32_0 = arith.constant 0 : i32
    return %arg0, %c0_i32 : i32, i32
  }
}

</mosaic_0001>

<sc_bundles>
// kernel: kernel.10.cloned.1.call-start
scs
__scs_entry_jumppad:
0x0: {  	(pc) =	sbr.rel $0x88, $3  }
0x1: {  	(tag) =	ssettag $0x0;
	lr =	simm.s32 $0x1  }
0x2: {  	[smem:$0x3F99] =	sst lr;
	_ =	strace $0xD0000000  }
0x3: {  	_ = 	snop  }
0x4: {  	_ = 	snop  }
0x5: {  	_ = 	snop  }
0x6: {  	_ = 	snop  }
0x7: {  	_ = 	snop  }
__scs_overlays_trampoline_lowered:
0x8: {  	[smem:$0x3FA8] =	sst s0  }
0x9: {  	[smem:$0x3FA9] =	sst s1  }
0xa: {  	[smem:$0x3FAA] =	sst s2  }
0xb: {  	[smem:$0x3FAB] =	sst s3  }
0xc: {  	[smem:$0x3FAC] =	sst s4  }
0xd: {  	[smem:$0x3FAD] =	sst s5  }
0xe: {  	[smem:$0x3FAE] =	sst s6  }
0xf: {  	[smem:$0x3FAF] =	sst s7  }
0x10: {  	[smem:$0x3FB0] =	sst s8  }
0x11: {  	[smem:$0x3FB1] =	sst s9;
	s0 =	simm.s32 @!p0 $0x0  }
0x12: {  	s1 =	sld [smem:$0x3F97];
	s0 =	simm.s32 @p0 $0x1  }
0x13: {  	[smem:$0x3FB2] =	sst s0;
	s0 =	simm.s32 @!p1 $0x0  }
0x14: {  	s2 =	sld [smem:$0x3F96];
	s0 =	simm.s32 @p1 $0x1  }
0x15: {  	[smem:$0x3FB3] =	sst s0;
	s0 =	simm.s32 @!p2 $0x0  }
0x16: {  	s3 =	sld [smem:$0x3FDB];
	s0 =	simm.s32 @p2 $0x1  }
0x17: {  	s4 =	simm.s32 $0x1BF5;
	[smem:$0x3FB5] =	sst s0  }
0x18: {  	s0 =	sld [smem:$0x3F98];
	_ =	swait.ge [sflag:s4], $0x0  }
0x19: {  	s7 =	sld [smem:$0x3F99]  }
0x1a: {  	s8 =	sadd.s32 $0xFFFFE003, lr  }
0x1b: {  	s9 =	sadd.s32 $0xFFFFFEF7, lr;
	s5 =	simm.s32 $0xFFFFFFFF;
	p2 =	slt.u32 s8, $0xFFFFF086  }
0x1c: {  	p1 =	slt.u32 s9, $0xF7A;
	s5 =	simm.s32 @!p2 $0x0  }
0x1d: {  	s5 =	simm.s32 @p1 $0x1;
	p0 =	seq.s32 s7, s2  }
0x1e: {  	s7 =	smul.u32 @!p0 $0xF7A, s2;
	p2 =	seq.s32 @!p0 s5, $0x0  }
0x1f: {  	s9 =	smul.u32 $0xF7A, s1;
	s8 =	simm.s32 @!p0 $0x1BF5;
	p2 =	por !p2, p0  }
0x20: {  	[sflag:s8] =	ssyncset.s32 @!p0 $0xFFFFF086;
	s6 =	sadd.s32 @!p0 s3, s7;
	s7 =	simm.s32 @!p0 $0x108  }
0x21: {  	s3 =	sadd.s32 s3, s9;
	s6 =	sadd.s32 @!p0 $0x88, s6;
	s7 =	simm.s32 @p2 $0x1082  }
0x22: {  	[simem:s7], [sflag:s8] =	dma.local @!p0 [hbm:s6], $0xF7A  }
0x23: {  	s9 =	sor.u32 $0xD0000000, s2;
	s6 =	simm.s32 $0x108;
	_ =	swait.ge @!p0 [sflag:s8], $0x0  }
0x24: {  	s3 =	sadd.s32 $0x88, s3;
	s6 =	simm.s32 @!p1 $0x1082;
	[sflag:s4] =	ssyncset.s32 $0xFFFFF086  }
0x25: {  	[simem:s6], [sflag:s4] =	dma.local [hbm:s3], $0xF7A  }
0x26: {  	[smem:$0x3F99] =	sst s1;
	(tag) =	ssettag s2;
	_ =	strace s9  }
0x27: {  	s1 =	sld [smem:$0x3FA9]  }
0x28: {  	s2 =	sld [smem:$0x3FAA]  }
0x29: {  	s4 =	sld [smem:$0x3FAC]  }
0x2a: {  	p0 =	seq.s32 s5, $0x0;
	s5 =	sld [smem:$0x3FAD]  }
0x2b: {  	s6 =	sld [smem:$0x3FAE]  }
0x2c: {  	s7 =	sld [smem:$0x3FAF]  }
0x2d: {  	s3 =	simm.s32 $0x108;
	s8 =	sld [smem:$0x3FB0]  }
0x2e: {  	s3 =	simm.s32 @!p0 $0x1082;
	s9 =	sld [smem:$0x3FB1]  }
0x2f: {  	lr =	sadd.s32 s0, s3;
	s0 =	sld [smem:$0x3FA8]  }
0x30: {  	s3 =	sld [smem:$0x3FAB]  }
0x31: {  	[smem:$0x3FB4] =	sst s10  }
0x32: {  	s10 =	sld [smem:$0x3FB2];
	_ =	sdelay $0x3  }
0x33: {  	p0 =	seq.s32 s10, $0x1;
	s10 =	sld [smem:$0x3FB4];
	_ =	sdelay $0x3  }
0x34: {  	[smem:$0x3FB4] =	sst s10  }
0x35: {  	s10 =	sld [smem:$0x3FB3];
	_ =	sdelay $0x3  }
0x36: {  	p1 =	seq.s32 s10, $0x1;
	s10 =	sld [smem:$0x3FB4];
	_ =	sdelay $0x3  }
0x37: {  	[smem:$0x3FB4] =	sst s10  }
0x38: {  	s10 =	sld [smem:$0x3FB5]  }
0x39: {  	_ = 	snop;
	(pc) =	sbr.ind lr, $3  }
0x3a: {  	_ = 	snop  }
0x3b: {  	_ = 	snop  }
0x3c: {  	p2 =	seq.s32 s10, $0x1;
	s10 =	sld [smem:$0x3FB4]  }
0x3d: {  	_ =	shalt  }
0x3e: {  	_ =	shalt  }
0x3f: {  	_ =	shalt  }
0x40: {  	_ =	shalt  }
0x41: {  	_ =	shalt  }
0x42: {  	_ =	shalt  }
0x43: {  	_ =	shalt  }
0x44: {  	_ =	shalt  }
0x45: {  	_ =	shalt  }
0x46: {  	_ =	shalt  }
0x47: {  	_ =	shalt  }
0x48: {  	_ =	shalt  }
0x49: {  	_ =	shalt  }
0x4a: {  	_ =	shalt  }
0x4b: {  	_ =	shalt  }
0x4c: {  	_ =	shalt  }
0x4d: {  	_ =	shalt  }
0x4e: {  	_ =	shalt  }
0x4f: {  	_ =	shalt  }
0x50: {  	_ =	shalt  }
0x51: {  	_ =	shalt  }
0x52: {  	_ =	shalt  }
0x53: {  	_ =	shalt  }
0x54: {  	_ =	shalt  }
0x55: {  	_ =	shalt  }
0x56: {  	_ =	shalt  }
0x57: {  	_ =	shalt  }
0x58: {  	_ =	shalt  }
0x59: {  	_ =	shalt  }
0x5a: {  	_ =	shalt  }
0x5b: {  	_ =	shalt  }
0x5c: {  	_ =	shalt  }
0x5d: {  	_ =	shalt  }
0x5e: {  	_ =	shalt  }
0x5f: {  	_ =	shalt  }
0x60: {  	_ =	shalt  }
0x61: {  	_ =	shalt  }
0x62: {  	_ =	shalt  }
0x63: {  	_ =	shalt  }
0x64: {  	_ =	shalt  }
0x65: {  	_ =	shalt  }
0x66: {  	_ =	shalt  }
0x67: {  	_ =	shalt  }
0x68: {  	_ =	shalt  }
0x69: {  	_ =	shalt  }
0x6a: {  	_ =	shalt  }
0x6b: {  	_ =	shalt  }
0x6c: {  	_ =	shalt  }
0x6d: {  	_ =	shalt  }
0x6e: {  	_ =	shalt  }
0x6f: {  	_ =	shalt  }
0x70: {  	_ =	shalt  }
0x71: {  	_ =	shalt  }
0x72: {  	_ =	shalt  }
0x73: {  	_ =	shalt  }
0x74: {  	_ =	shalt  }
0x75: {  	_ =	shalt  }
0x76: {  	_ =	shalt  }
0x77: {  	_ =	shalt  }
0x78: {  	_ =	shalt  }
0x79: {  	_ =	shalt  }
0x7a: {  	_ =	shalt  }
0x7b: {  	_ =	shalt  }
0x7c: {  	_ =	shalt  }
0x7d: {  	_ =	shalt  }
0x7e: {  	_ =	shalt  }
0x7f: {  	_ =	shalt  }
0x80: {  	_ =	shalt  }
0x81: {  	_ =	shalt  }
0x82: {  	_ =	shalt  }
0x83: {  	_ =	shalt  }
0x84: {  	_ =	shalt  }
0x85: {  	_ =	shalt  }
0x86: {  	_ =	shalt  }
0x87: {  	_ =	shalt  }
.Lfunc_end0:
.L_simem_size_0:
called_computation.1_lowered:
.L_overlay_start_0:
0x88: {  	s2 =	sld [smem:$0x3FD9]  }
0x89: {  	s3 =	sld [smem:$0x3FFE];
	_ =	sdelay $0x1  }
0x8a: {  	s1 =	srdreg.scid  }
0x8b: {  	s0 =	sand.u32 $0x1, s1  }
0x8c: {  	s17 =	sshll.u32 s0, $0xA;
	s2 =	sadd.s32 s3, s2  }
0x8d: {  	s2 =	sadd.s32 s2, s17  }
0x8e: {  	[smem:$0x3FC0] =	sst s2  }
0x8f: {  	_ = 	snop  }
0x90: {  	s2 =	sld [smem:$0x3FD0];
	(tm) =	ssettm $0x1  }
0x91: {  	s18 =	sld [smem:$0x3FFB];
	_ =	sdelay $0x3  }
0x92: {  	_ =	strace s18  }
0x93: {  	s3 =	sld [smem:$0x3FFC];
	_ =	sdelay $0x3  }
0x94: {  	_ =	strace s3  }
0x95: {  	s3 =	sld [smem:$0x3FFD];
	_ =	sdelay $0x3  }
0x96: {  	_ =	strace s3  }
0x97: {  	_ =	strace $0x8FFFFFFF  }
0x98: {  	s19 =	sld [smem:$0x3FDB];
	_ =	sdelay $0x1  }
0x99: {  	s4 =	simm.s32 $_scs_section_size  }
0x9a: {  	s5 =	simm.s32 $_size__tile_overlayer_lowered;
	s6 =	simm.s32 $_tile_overlayer_lowered  }
0x9b: {  	s22 =	simm.s32 $0x1BFF;
	s21 =	sshll.u32 s6, $0x1;
	s3 =	sadd.s32 s4, s19  }
0x9c: {  	s7 =	simm.s32 $0x0;
	s20 =	sshll.u32 s5, $0x1;
	s5 =	sadd.s32 s21, s3  }
0x9d: {  	[timem:s7], [sflag:s22] =	dma.local [hbm:s5], s20  }
0x9e: {  	_ =	swait.ge [sflag:s22], s20  }
0x9f: {  	s4 =	ssub.s32 $0x0, s20;
	[sflag:s22] =	ssyncset.done $0x0  }
0xa0: {  	[sflag:s22] =	ssyncadd.s32 s4;
	_ =	sdelay $0x1  }
0xa1: {  	s23 =	simm.s32 $0x1B8B  }
0xa2: {  	_ =	swait.ge [sflag:s23], $0x1  }
0xa3: {  	[sflag:s23] =	ssyncset.done $0x0  }
0xa4: {  	s25 =	simm.s32 $0x1B8E;
	s24 =	sld [smem:$0x3FFE];
	[sflag:s23] =	ssyncadd.s32 $0xFFFFFFFF  }
0xa5: {  	s26 =	simm.s32 $execute0_lowered;
	[smem:$0x3FD2] =	sst s25  }
0xa6: {  	s5 =	sshll.u32 s26, $0x1;
	_ =	strace $0x80000049;
	[dreg:$0x1] =	wrdreg $0xFFFFFFFF  }
0xa7: {  	s28 =	simm.s32 $_size_execute0_lowered;
	s3 =	sadd.s32 s3, s5;
	[dreg:$0x0] =	wrdreg $0x0  }
0xa8: {  	s5 =	sshll.u32 s28, $0x1;
	[dreg:$0x2] =	wrdreg s3  }
0xa9: {  	[dreg:$0x3] =	wrdreg s5  }
0xaa: {  	[dreg:$0x4] =	wrdreg $0xC0  }
0xab: {  	_ =	task [dreg:s7], $0x5FFFF  }
0xac: {  	[dreg:$0x1] =	wrdreg $0xFFFFFFFF  }
0xad: {  	[dreg:$0x0] =	wrdreg $0x60  }
0xae: {  	[dreg:$0x2] =	wrdreg s2  }
0xaf: {  	[dreg:$0x3] =	wrdreg s24  }
0xb0: {  	[dreg:$0x4] =	wrdreg $0x135A00  }
0xb1: {  	[dreg:$0x5] =	wrdreg $0x9  }
0xb2: {  	_ =	task.clear_ibuf [dreg:s7], $0x6FFFF;
	_ =	strace $0x90000049  }
0xb3: {  	s29 =	simm.s32 $0x9;
	_ =	strace $0x8000004B  }
0xb4: {  	_ =	swait.ge [sflag:s29], $0x1  }
0xb5: {  	[sflag:s29] =	ssyncadd.s32 $0xFFFFFFFF  }
0xb6: {  	_ =	strace $0x9000004B  }
0xb7: {  	_ =	sfence  }
0xb8: {  	s30 =	sld [smem:$0x0];
	_ =	sdelay $0x2  }
0xb9: {  	s31 =	sshll.u32 s1, $0xD;
	s1 =	sshrl.u32 s1, $0x2  }
0xba: {  	s3 =	sand.u32 $0x4000, s31;
	s1 =	sadd.s32 s1, s30  }
0xbb: {  	s0 =	sor.u32 s3, s0;
	s1 =	sshll.u32 s1, $0x11  }
0xbc: {  	s0 =	sor.u32 s1, s0  }
0xbd: {  	s0 =	sadd.s32 $0x8F2B, s0  }
0xbe: {  	[sflag:s0] =	ssyncadd.remote.s32 $0x1  }
0xbf: {  	_ =	sfence.sel $0xFFFF  }
0xc0: {  	[dreg:$0x0] =	wrdreg $0xFFFFFFFF;
	(pc) =	sbr.abs _section_cstart, $3  }
0xc1: {  	[dreg:$0x1] =	wrdreg $0xFFFFFFFF  }
0xc2: {  	_ =	task.clear_ibuf [dreg:s7], $0x2FFFF;
	_ =	strace $0x9FFFFFFF  }
0xc3: {  	(tm) =	ssettm $0x7FFFFFFF  }
tec
execute0_lowered:
.L_overlay_start_1:
0x0: {  	(tag) =	ssettag $0x1  }
0x1: {  	s1 =	rddreg [dreg:$0x0]  }
0x2: {  	s0 =	rddreg [dreg:$0x1]  }
0x3: {  	s2 =	srdreg.scid;
	s12 =	stileid.u32  }
0x4: {  	s3 =	rddreg [dreg:$0x2];
	s4 =	simm.s32 $0x0;
	s13 =	simm.s32 $0x2710  }
0x5: {  	s14 =	simm.s32 $0x400;
	s15 =	simm.s32 $0x4E20;
	s16 =	simm.s32 $0x8E20  }
0x6: {  	s18 =	simm.s32 $0xCE20;
	s19 =	simm.s32 $0x1;
	s20 =	simm.s32 $0x4  }
0x7: {  	s22 =	simm.s32 $0x2;
	s24 =	simm.s32 $0x5;
	s28 =	simm.s32 $0x3  }
0x8: {  	s30 =	simm.s32 $0x6;
	s31 =	simm.s32 $0x310;
	s17 =	simm.s32 $0x4710  }
0x9: {  	s21 =	simm.s32 $0x4B10;
	s23 =	simm.s32 $0x0;
	s2 =	sand.u32 $0x1, s2  }
0xa: {  	s5 =	sshll.u32 s12, $0x1;
	[smem:$0x7FF] =	sst s4;
	s6 =	smul.u32 $0x9E00, s12  }
0xb: {  	s10 =	smul.u32 $0x2780, s12;
	p0 =	seq.s32 s12, $0xF;
	s12 =	simm.s32 $0x7  }
0xc: {  	s5 =	sor.u32 s2, s5;
	s7 =	ssub.s32 $0x2, s2;
	s2 =	smul.u32 $0x27100, s2  }
0xd: {  	_ =	strace $0x8000004A;
	s5 =	smul.u32 $0x2710, s5;
	s26 =	sshrl.u32 s7, $0x1  }
0xe: {  	s29 =	sshrl.u32 s6, $0x2;
	s6 =	sadd.s32 $0x25080, s3;
	s11 =	ssub.s32 s7, s26  }
0xf: {  	s9 =	sadd.s32 s10, s2;
	s2 =	sshrl.u32 s2, $0x3;
	s5 =	sshrl.u32 s5, $0x3  }
0x10: {  	s9 =	sshrl.u32 s9, $0x3;
	s11 =	smax.u32 s11, $0x1;
	s8 =	sadd.s32 s5, s0  }
0x11: {  	s0 =	sadd.s32 $0x15E00, s0;
	s5 =	sadd.s32 s29, s3;
	s7 =	sadd.s32 $0x2400, s8  }
0x12: {  	s9 =	sadd.s32 s0, s9;
	s0 =	sadd.s32 s0, s2;
	s2 =	sadd.s32 s10, s3  }
0x13: {  	v0 =	vimm.f32 $0.0e+00;
	s8 =	sadd.s32 $0xC040, s8;
	s10 =	sadd.s32 $0x4A10, s0;
	s25 =	sshrl.u32 @!p0 s2, $0x3  }
.LBB2_1:
0x14: {  	s26 =	simm.s32 $0x0;
	s29 =	simm.s32 $0x200  }
.LBB2_2:
0x15: {  	p1 =	sne.s32 s29, $0x9C00;
	[tilespmem:s26+$0x10E90] =	vst v0  }
0x16: {  	[tilespmem:s26+$0x10E20] =	vst v0  }
0x17: {  	[tilespmem:s26+$0x10E30] =	vst v0  }
.Ltmp0:
0x18: {  	[tilespmem:s26+$0x10E40] =	vst v0;
	(pc) =	sbr.rel @p1 .LBB2_2-.Ltmp0, $4  }
0x19: {  	[tilespmem:s26+$0x10E50] =	vst v0  }
0x1a: {  	[tilespmem:s26+$0x10E60] =	vst v0  }
0x1b: {  	[tilespmem:s26+$0x10E70] =	vst v0  }
0x1c: {  	[tilespmem:s26+$0x10E80] =	vst v0;
	s26 =	sshra.s32 s29, $0x2;
	s29 =	sadd.s32 $0x200, s29  }
0x1d: {  	[tilespmem:s26+$0x10E90] =	vst v0  }
0x1e: {  	[tilespmem:s26+$0x10E20] =	vst v0  }
0x1f: {  	[tilespmem:s26+$0x10E30] =	vst v0  }
0x20: {  	[tilespmem:s26+$0x10E40] =	vst v0  }
0x21: {  	[tilespmem:s26+$0x10E50] =	vst v0  }
0x22: {  	[tilespmem:s26+$0x10E60] =	vst v0  }
0x23: {  	[tilespmem:s26+$0x10E70] =	vst v0  }
0x24: {  	[tilespmem:s26+$0x10E80] =	vst v0;
	s26 =	simm.s32 @p0 $0x10E20;
	s29 =	simm.s32 @p0 $0x7  }
0x25: {  	[spmem:s6] =	stream.linear.scatter @p0 [tilespmem:s26], [sflag:$0x7], $0x2080, $0x38;
	[tilespmem:$0x15CB0] =	vst v63  }
0x26: {  	_ =	swait.ge @p0 [sflag:s29], $0x2080  }
0x27: {  	[sflag:s29] =	ssyncset.done @p0 $0x0  }
0x28: {  	s26 =	simm.s32 @!p0 $0x10E20;
	[sflag:s29] =	ssyncadd.s32 @p0 $0xFFFFDF80  }
0x29: {  	[spmem:s5] =	stream.linear.scatter @!p0 [tilespmem:s26], [sflag:$0x7], $0x2780, $0x38;
	[tilespmem:$0x15CB0] =	vst v63  }
0x2a: {  	s26 =	simm.s32 @!p0 $0x7  }
0x2b: {  	_ =	swait.ge @!p0 [sflag:s26], $0x2780  }
0x2c: {  	[sflag:s26] =	ssyncset.done @!p0 $0x0  }
0x2d: {  	[sflag:s26] =	ssyncadd.s32 @!p0 $0xFFFFD880  }
0x2e: {  	[tilespmem:s4], [sflag:$0x7] =	stream.linear.gather [hbm4b:s7+s4], $0x2710, $0x38;
	[tilespmem:$0x15CB0] =	vst v63  }
0x2f: {  	_ =	swait.ge [sflag:s12], $0x2710  }
0x30: {  	[sflag:s12] =	ssyncset.done $0x0  }
0x31: {  	[sflag:s12] =	ssyncadd.s32 $0xFFFFD8F0  }
0x32: {  	[tilespmem:s13], [sflag:$0x7] =	stream.linear.gather [hbm4b:s8+s4], $0x2710, $0x38;
	[tilespmem:$0x15CB0] =	vst v63  }
0x33: {  	_ =	swait.ge [sflag:s12], $0x2710  }
0x34: {  	[sflag:s12] =	ssyncset.done $0x0  }
0x35: {  	[sflag:s12] =	ssyncadd.s32 $0xFFFFD8F0  }
0x36: {  	[bflag:$0x0] =	sbarrier.arrive $0xFFFF  }
0x37: {  	[tilespmem:s15], [sflag:$0x1] =	stream.indirect.gather [hbm4b:s1+s14], $0x10, s4, s14, $0xb8;
	[tilespmem:$0x15CB0] =	vst v63  }
0x38: {  	_ = 	snop  }
0x39: {  	[tilespmem:s16], [sflag:$0x2] =	stream.indirect.gather [hbm4b:s1+s14], $0x10, s14, s14, $0xb8;
	[tilespmem:$0x15CB0] =	vst v63  }
0x3a: {  	s0 =	simm.s32 $0x800  }
0x3b: {  	[tilespmem:s18], [sflag:$0x3] =	stream.indirect.gather [hbm4b:s1+s14], $0x10, s0, s14, $0xb8;
	[tilespmem:$0x15CB0] =	vst v63  }
0x3c: {  	_ =	swait.ge [sflag:s19], $0x4000  }
0x3d: {  	[sflag:s19] =	ssyncset.done $0x0  }
0x3e: {  	[sflag:s19] =	ssyncadd.s32 $0xFFFFC000  }
0x3f: {  	[spmem:s3] =	stream.indirect.scatter.add.f32 [tilespmem:s15], [sflag:$0x4], $0x10, s13, s14, $0xb8;
	[tilespmem:$0x15CB0] =	vst v63  }
0x40: {  	_ =	swait.ge [sflag:s20], $0x4000  }
0x41: {  	[sflag:s20] =	ssyncset.done $0x0  }
0x42: {  	s2 =	simm.s32 $0xC00;
	[sflag:s20] =	ssyncadd.s32 $0xFFFFC000  }
0x43: {  	[tilespmem:s15], [sflag:$0x1] =	stream.indirect.gather [hbm4b:s1+s14], $0x10, s2, s14, $0xb8;
	[tilespmem:$0x15CB0] =	vst v63  }
0x44: {  	_ =	swait.ge [sflag:s22], $0x4000  }
0x45: {  	[sflag:s22] =	ssyncset.done $0x0  }
0x46: {  	s2 =	simm.s32 $0x2B10;
	[sflag:s22] =	ssyncadd.s32 $0xFFFFC000  }
0x47: {  	[spmem:s3] =	stream.indirect.scatter.add.f32 [tilespmem:s16], [sflag:$0x5], $0x10, s2, s14, $0xb8;
	[tilespmem:$0x15CB0] =	vst v63  }
0x48: {  	_ =	swait.ge [sflag:s24], $0x4000  }
0x49: {  	[sflag:s24] =	ssyncset.done $0x0  }
0x4a: {  	s2 =	simm.s32 $0x1000;
	[sflag:s24] =	ssyncadd.s32 $0xFFFFC000  }
0x4b: {  	[tilespmem:s16], [sflag:$0x2] =	stream.indirect.gather [hbm4b:s1+s14], $0x10, s2, s14, $0xb8;
	[tilespmem:$0x15CB0] =	vst v63  }
0x4c: {  	_ =	swait.ge [sflag:s28], $0x4000  }
0x4d: {  	[sflag:s28] =	ssyncset.done $0x0  }
0x4e: {  	s2 =	simm.s32 $0x2F10;
	[sflag:s28] =	ssyncadd.s32 $0xFFFFC000  }
0x4f: {  	[spmem:s3] =	stream.indirect.scatter.add.f32 [tilespmem:s18], [sflag:$0x6], $0x10, s2, s14, $0xb8;
	[tilespmem:$0x15CB0] =	vst v63  }
0x50: {  	_ =	swait.ge [sflag:s30], $0x4000  }
0x51: {  	[sflag:s30] =	ssyncset.done $0x0  }
0x52: {  	s2 =	simm.s32 $0x1400;
	[sflag:s30] =	ssyncadd.s32 $0xFFFFC000  }
0x53: {  	[tilespmem:s18], [sflag:$0x3] =	stream.indirect.gather [hbm4b:s1+s14], $0x10, s2, s14, $0xb8;
	[tilespmem:$0x15CB0] =	vst v63  }
0x54: {  	_ =	swait.ge [sflag:s19], $0x4000  }
0x55: {  	[sflag:s19] =	ssyncset.done $0x0  }
0x56: {  	s2 =	simm.s32 $0x3310;
	[sflag:s19] =	ssyncadd.s32 $0xFFFFC000  }
0x57: {  	[spmem:s3] =	stream.indirect.scatter.add.f32 [tilespmem:s15], [sflag:$0x4], $0x10, s2, s14, $0xb8;
	[tilespmem:$0x15CB0] =	vst v63  }
0x58: {  	_ =	swait.ge [sflag:s20], $0x4000  }
0x59: {  	[sflag:s20] =	ssyncset.done $0x0  }
0x5a: {  	s2 =	simm.s32 $0x1800;
	[sflag:s20] =	ssyncadd.s32 $0xFFFFC000  }
0x5b: {  	[tilespmem:s15], [sflag:$0x1] =	stream.indirect.gather [hbm4b:s1+s14], $0x10, s2, s14, $0xb8;
	[tilespmem:$0x15CB0] =	vst v63  }
0x5c: {  	_ =	swait.ge [sflag:s22], $0x4000  }
0x5d: {  	[sflag:s22] =	ssyncset.done $0x0  }
0x5e: {  	s2 =	simm.s32 $0x3710;
	[sflag:s22] =	ssyncadd.s32 $0xFFFFC000  }
0x5f: {  	[spmem:s3] =	stream.indirect.scatter.add.f32 [tilespmem:s16], [sflag:$0x5], $0x10, s2, s14, $0xb8;
	[tilespmem:$0x15CB0] =	vst v63  }
0x60: {  	_ =	swait.ge [sflag:s24], $0x4000  }
0x61: {  	[sflag:s24] =	ssyncset.done $0x0  }
0x62: {  	s2 =	simm.s32 $0x1C00;
	[sflag:s24] =	ssyncadd.s32 $0xFFFFC000  }
0x63: {  	[tilespmem:s16], [sflag:$0x2] =	stream.indirect.gather [hbm4b:s1+s14], $0x10, s2, s14, $0xb8;
	[tilespmem:$0x15CB0] =	vst v63  }
0x64: {  	_ =	swait.ge [sflag:s28], $0x4000  }
0x65: {  	[sflag:s28] =	ssyncset.done $0x0  }
0x66: {  	s2 =	simm.s32 $0x3B10;
	[sflag:s28] =	ssyncadd.s32 $0xFFFFC000  }
0x67: {  	[spmem:s3] =	stream.indirect.scatter.add.f32 [tilespmem:s18], [sflag:$0x6], $0x10, s2, s14, $0xb8;
	[tilespmem:$0x15CB0] =	vst v63  }
0x68: {  	_ =	swait.ge [sflag:s30], $0x4000  }
0x69: {  	[sflag:s30] =	ssyncset.done $0x0  }
0x6a: {  	s2 =	simm.s32 $0x2000;
	[sflag:s30] =	ssyncadd.s32 $0xFFFFC000  }
0x6b: {  	[tilespmem:s18], [sflag:$0x3] =	stream.indirect.gather [hbm4b:s1+s14], $0x10, s2, s14, $0xb8;
	[tilespmem:$0x15CB0] =	vst v63  }
0x6c: {  	_ =	swait.ge [sflag:s19], $0x4000  }
0x6d: {  	[sflag:s19] =	ssyncset.done $0x0  }
0x6e: {  	s2 =	simm.s32 $0x3F10;
	[sflag:s19] =	ssyncadd.s32 $0xFFFFC000  }
0x6f: {  	[spmem:s3] =	stream.indirect.scatter.add.f32 [tilespmem:s15], [sflag:$0x4], $0x10, s2, s14, $0xb8;
	[tilespmem:$0x15CB0] =	vst v63  }
0x70: {  	_ =	swait.ge [sflag:s20], $0x4000  }
0x71: {  	[sflag:s20] =	ssyncset.done $0x0  }
0x72: {  	s2 =	simm.s32 $0x2400;
	[sflag:s20] =	ssyncadd.s32 $0xFFFFC000  }
0x73: {  	[tilespmem:s15], [sflag:$0x1] =	stream.indirect.gather [hbm4b:s1+s31], $0x10, s2, s31, $0xb8;
	[tilespmem:$0x15CB0] =	vst v63  }
0x74: {  	_ =	swait.ge [sflag:s22], $0x4000  }
0x75: {  	[sflag:s22] =	ssyncset.done $0x0  }
0x76: {  	s2 =	simm.s32 $0x4310;
	[sflag:s22] =	ssyncadd.s32 $0xFFFFC000  }
0x77: {  	[spmem:s3] =	stream.indirect.scatter.add.f32 [tilespmem:s16], [sflag:$0x5], $0x10, s2, s14, $0xb8;
	[tilespmem:$0x15CB0] =	vst v63  }
0x78: {  	_ =	swait.ge [sflag:s24], $0x4000  }
0x79: {  	[sflag:s24] =	ssyncset.done $0x0  }
0x7a: {  	[sflag:s24] =	ssyncadd.s32 $0xFFFFC000  }
0x7b: {  	_ =	swait.ge [sflag:s28], $0x4000  }
0x7c: {  	[sflag:s28] =	ssyncset.done $0x0  }
0x7d: {  	[sflag:s28] =	ssyncadd.s32 $0xFFFFC000  }
0x7e: {  	[spmem:s3] =	stream.indirect.scatter.add.f32 [tilespmem:s18], [sflag:$0x6], $0x10, s17, s14, $0xb8;
	[tilespmem:$0x15CB0] =	vst v63  }
0x7f: {  	_ =	swait.ge [sflag:s30], $0x4000  }
0x80: {  	[sflag:s30] =	ssyncset.done $0x0  }
0x81: {  	[sflag:s30] =	ssyncadd.s32 $0xFFFFC000  }
0x82: {  	_ =	swait.ge [sflag:s19], $0x3100  }
0x83: {  	[sflag:s19] =	ssyncset.done $0x0  }
0x84: {  	[sflag:s19] =	ssyncadd.s32 $0xFFFFCF00  }
0x85: {  	[spmem:s3] =	stream.indirect.scatter.add.f32 [tilespmem:s15], [sflag:$0x4], $0x10, s21, s31, $0xb8;
	[tilespmem:$0x15CB0] =	vst v63  }
0x86: {  	_ =	swait.ge [sflag:s20], $0x3100  }
0x87: {  	[sflag:s20] =	ssyncset.done $0x0  }
0x88: {  	[sflag:s20] =	ssyncadd.s32 $0xFFFFCF00  }
0x89: {  	s0 =	simm.s32 @p0 $0x1FC7;
	s2 =	sshrl.u32 @p0 s6, $0x3;
	[bflag:$0x0] =	sbarrier.arrive $0xFFFF  }
0x8a: {  	[hbm:s10], [sflag:s0] =	dma.local @p0 [spmem:s2], $0x410  }
0x8b: {  	s23 =	sadd.s32 $0x1, s23;
	s0 =	stileid.u32;
	_ =	swait.ge @p0 [sflag:s29], $0x410  }
0x8c: {  	p1 =	sne.s32 s23, s11;
	s0 =	sshll.u32 @!p0 s0, $0x6;
	[sflag:s29] =	ssyncset.done @p0 $0x0  }
.Ltmp1:
0x8d: {  	s0 =	sor.u32 @!p0 $0x1C07, s0;
	[sflag:s29] =	ssyncadd.s32 @p0 $0xFFFFFBF0;
	(pc) =	sbr.rel @p1 .LBB2_1-.Ltmp1, $4  }
0x8e: {  	[hbm:s9], [sflag:s0] =	dma.local @!p0 [spmem:s25], $0x4F0  }
0x8f: {  	_ =	swait.ge @!p0 [sflag:s26], $0x4F0  }
0x90: {  	[sflag:s26] =	ssyncset.done @!p0 $0x0  }
0x91: {  	[sflag:s26] =	ssyncadd.s32 @!p0 $0xFFFFFB10  }
0x92: {  	_ =	sfence.sel $0x180000  }
0x93: {  	[bflag:$0x0] =	sbarrier.arrive $0xFFFF  }
0x94: {  	_ =	strace $0x9000004A  }
0x95: {  	s0 =	stileid.u32;
	[bflag:$0x2] =	sbarrier.arrive $0xFFFF  }
0x96: {  	p0 =	sne.s32 s0, $0x0;
	s0 =	rddreg [dreg:$0x3]  }
0x97: {  	s0 =	sadd.s32 @!p0 $0x100000, s0  }
0x98: {  	[sflag:s0] =	ssyncadd.tile.s32 @!p0 $0x1;
	_ =	shalt  }
.Lfunc_end2:
_tile_overlayer_lowered:
.L_overlay_start_2:
0x99: {  	(tag) =	ssettag $0x2  }
0x9a: {  	s0 =	rddreg [dreg:$0x0];
	s2 =	stileid.u32  }
0x9b: {  	s1 =	rddreg [dreg:$0x1];
	p0 =	sne.s32 s2, $0x0  }
0x9c: {  	s3 =	rddreg [dreg:$0x2];
	[bflag:$0x3] =	sbarrier.arrive $0xFFFF;
	s2 =	simm.s32 @!p0 $0x1C07  }
0x9d: {  	[timem:s3], [sflag:s2] =	dma.local @!p0 [hbm:s0], s1  }
0x9e: {  	s0 =	simm.s32 @!p0 $0x7  }
0x9f: {  	_ =	swait.ge @!p0 [sflag:s0], s1  }
0xa0: {  	s1 =	ssub.s32 @!p0 $0x0, s1;
	[sflag:s0] =	ssyncset.done @!p0 $0x0  }
0xa1: {  	[sflag:s0] =	ssyncadd.s32 @!p0 s1  }
0xa2: {  	[bflag:$0x3] =	sbarrier.arrive $0xFFFF  }
0xa3: {  	_ =	shalt  }

// kernel: kernel.7.cloned.1.call-start
scs
__scs_entry_jumppad:
0x0: {  	(pc) =	sbr.rel $0x88, $3  }
0x1: {  	(tag) =	ssettag $0x0;
	lr =	simm.s32 $0x1  }
0x2: {  	[smem:$0x3F99] =	sst lr;
	_ =	strace $0xD0000000  }
0x3: {  	_ = 	snop  }
0x4: {  	_ = 	snop  }
0x5: {  	_ = 	snop  }
0x6: {  	_ = 	snop  }
0x7: {  	_ = 	snop  }
__scs_overlays_trampoline_lowered:
0x8: {  	[smem:$0x3FA8] =	sst s0  }
0x9: {  	[smem:$0x3FA9] =	sst s1  }
0xa: {  	[smem:$0x3FAA] =	sst s2  }
0xb: {  	[smem:$0x3FAB] =	sst s3  }
0xc: {  	[smem:$0x3FAC] =	sst s4  }
0xd: {  	[smem:$0x3FAD] =	sst s5  }
0xe: {  	[smem:$0x3FAE] =	sst s6  }
0xf: {  	[smem:$0x3FAF] =	sst s7  }
0x10: {  	[smem:$0x3FB0] =	sst s8  }
0x11: {  	[smem:$0x3FB1] =	sst s9;
	s0 =	simm.s32 @!p0 $0x0  }
0x12: {  	s1 =	sld [smem:$0x3F97];
	s0 =	simm.s32 @p0 $0x1  }
0x13: {  	[smem:$0x3FB2] =	sst s0;
	s0 =	simm.s32 @!p1 $0x0  }
0x14: {  	s2 =	sld [smem:$0x3F96];
	s0 =	simm.s32 @p1 $0x1  }
0x15: {  	[smem:$0x3FB3] =	sst s0;
	s0 =	simm.s32 @!p2 $0x0  }
0x16: {  	s3 =	sld [smem:$0x3FDB];
	s0 =	simm.s32 @p2 $0x1  }
0x17: {  	s4 =	simm.s32 $0x1BF5;
	[smem:$0x3FB5] =	sst s0  }
0x18: {  	s0 =	sld [smem:$0x3F98];
	_ =	swait.ge [sflag:s4], $0x0  }
0x19: {  	s7 =	sld [smem:$0x3F99]  }
0x1a: {  	s8 =	sadd.s32 $0xFFFFE003, lr  }
0x1b: {  	s9 =	sadd.s32 $0xFFFFFEF7, lr;
	s5 =	simm.s32 $0xFFFFFFFF;
	p2 =	slt.u32 s8, $0xFFFFF086  }
0x1c: {  	p1 =	slt.u32 s9, $0xF7A;
	s5 =	simm.s32 @!p2 $0x0  }
0x1d: {  	s5 =	simm.s32 @p1 $0x1;
	p0 =	seq.s32 s7, s2  }
0x1e: {  	s7 =	smul.u32 @!p0 $0xF7A, s2;
	p2 =	seq.s32 @!p0 s5, $0x0  }
0x1f: {  	s9 =	smul.u32 $0xF7A, s1;
	s8 =	simm.s32 @!p0 $0x1BF5;
	p2 =	por !p2, p0  }
0x20: {  	[sflag:s8] =	ssyncset.s32 @!p0 $0xFFFFF086;
	s6 =	sadd.s32 @!p0 s3, s7;
	s7 =	simm.s32 @!p0 $0x108  }
0x21: {  	s3 =	sadd.s32 s3, s9;
	s6 =	sadd.s32 @!p0 $0x88, s6;
	s7 =	simm.s32 @p2 $0x1082  }
0x22: {  	[simem:s7], [sflag:s8] =	dma.local @!p0 [hbm:s6], $0xF7A  }
0x23: {  	s9 =	sor.u32 $0xD0000000, s2;
	s6 =	simm.s32 $0x108;
	_ =	swait.ge @!p0 [sflag:s8], $0x0  }
0x24: {  	s3 =	sadd.s32 $0x88, s3;
	s6 =	simm.s32 @!p1 $0x1082;
	[sflag:s4] =	ssyncset.s32 $0xFFFFF086  }
0x25: {  	[simem:s6], [sflag:s4] =	dma.local [hbm:s3], $0xF7A  }
0x26: {  	[smem:$0x3F99] =	sst s1;
	(tag) =	ssettag s2;
	_ =	strace s9  }
0x27: {  	s1 =	sld [smem:$0x3FA9]  }
0x28: {  	s2 =	sld [smem:$0x3FAA]  }
0x29: {  	s4 =	sld [smem:$0x3FAC]  }
0x2a: {  	p0 =	seq.s32 s5, $0x0;
	s5 =	sld [smem:$0x3FAD]  }
0x2b: {  	s6 =	sld [smem:$0x3FAE]  }
0x2c: {  	s7 =	sld [smem:$0x3FAF]  }
0x2d: {  	s3 =	simm.s32 $0x108;
	s8 =	sld [smem:$0x3FB0]  }
0x2e: {  	s3 =	simm.s32 @!p0 $0x1082;
	s9 =	sld [smem:$0x3FB1]  }
0x2f: {  	lr =	sadd.s32 s0, s3;
	s0 =	sld [smem:$0x3FA8]  }
0x30: {  	s3 =	sld [smem:$0x3FAB]  }
0x31: {  	[smem:$0x3FB4] =	sst s10  }
0x32: {  	s10 =	sld [smem:$0x3FB2];
	_ =	sdelay $0x3  }
0x33: {  	p0 =	seq.s32 s10, $0x1;
	s10 =	sld [smem:$0x3FB4];
	_ =	sdelay $0x3  }
0x34: {  	[smem:$0x3FB4] =	sst s10  }
0x35: {  	s10 =	sld [smem:$0x3FB3];
	_ =	sdelay $0x3  }
0x36: {  	p1 =	seq.s32 s10, $0x1;
	s10 =	sld [smem:$0x3FB4];
	_ =	sdelay $0x3  }
0x37: {  	[smem:$0x3FB4] =	sst s10  }
0x38: {  	s10 =	sld [smem:$0x3FB5]  }
0x39: {  	_ = 	snop;
	(pc) =	sbr.ind lr, $3  }
0x3a: {  	_ = 	snop  }
0x3b: {  	_ = 	snop  }
0x3c: {  	p2 =	seq.s32 s10, $0x1;
	s10 =	sld [smem:$0x3FB4]  }
0x3d: {  	_ =	shalt  }
0x3e: {  	_ =	shalt  }
0x3f: {  	_ =	shalt  }
0x40: {  	_ =	shalt  }
0x41: {  	_ =	shalt  }
0x42: {  	_ =	shalt  }
0x43: {  	_ =	shalt  }
0x44: {  	_ =	shalt  }
0x45: {  	_ =	shalt  }
0x46: {  	_ =	shalt  }
0x47: {  	_ =	shalt  }
0x48: {  	_ =	shalt  }
0x49: {  	_ =	shalt  }
0x4a: {  	_ =	shalt  }
0x4b: {  	_ =	shalt  }
0x4c: {  	_ =	shalt  }
0x4d: {  	_ =	shalt  }
0x4e: {  	_ =	shalt  }
0x4f: {  	_ =	shalt  }
0x50: {  	_ =	shalt  }
0x51: {  	_ =	shalt  }
0x52: {  	_ =	shalt  }
0x53: {  	_ =	shalt  }
0x54: {  	_ =	shalt  }
0x55: {  	_ =	shalt  }
0x56: {  	_ =	shalt  }
0x57: {  	_ =	shalt  }
0x58: {  	_ =	shalt  }
0x59: {  	_ =	shalt  }
0x5a: {  	_ =	shalt  }
0x5b: {  	_ =	shalt  }
0x5c: {  	_ =	shalt  }
0x5d: {  	_ =	shalt  }
0x5e: {  	_ =	shalt  }
0x5f: {  	_ =	shalt  }
0x60: {  	_ =	shalt  }
0x61: {  	_ =	shalt  }
0x62: {  	_ =	shalt  }
0x63: {  	_ =	shalt  }
0x64: {  	_ =	shalt  }
0x65: {  	_ =	shalt  }
0x66: {  	_ =	shalt  }
0x67: {  	_ =	shalt  }
0x68: {  	_ =	shalt  }
0x69: {  	_ =	shalt  }
0x6a: {  	_ =	shalt  }
0x6b: {  	_ =	shalt  }
0x6c: {  	_ =	shalt  }
0x6d: {  	_ =	shalt  }
0x6e: {  	_ =	shalt  }
0x6f: {  	_ =	shalt  }
0x70: {  	_ =	shalt  }
0x71: {  	_ =	shalt  }
0x72: {  	_ =	shalt  }
0x73: {  	_ =	shalt  }
0x74: {  	_ =	shalt  }
0x75: {  	_ =	shalt  }
0x76: {  	_ =	shalt  }
0x77: {  	_ =	shalt  }
0x78: {  	_ =	shalt  }
0x79: {  	_ =	shalt  }
0x7a: {  	_ =	shalt  }
0x7b: {  	_ =	shalt  }
0x7c: {  	_ =	shalt  }
0x7d: {  	_ =	shalt  }
0x7e: {  	_ =	shalt  }
0x7f: {  	_ =	shalt  }
0x80: {  	_ =	shalt  }
0x81: {  	_ =	shalt  }
0x82: {  	_ =	shalt  }
0x83: {  	_ =	shalt  }
0x84: {  	_ =	shalt  }
0x85: {  	_ =	shalt  }
0x86: {  	_ =	shalt  }
0x87: {  	_ =	shalt  }
.Lfunc_end0:
.L_simem_size_0:
called_computation_lowered:
.L_overlay_start_0:
0x88: {  	s2 =	sld [smem:$0x3FD9]  }
0x89: {  	s3 =	sld [smem:$0x3FFE];
	_ =	sdelay $0x1  }
0x8a: {  	s1 =	srdreg.scid  }
0x8b: {  	s0 =	sand.u32 $0x1, s1  }
0x8c: {  	s17 =	sshll.u32 s0, $0xA;
	s2 =	sadd.s32 s3, s2  }
0x8d: {  	s2 =	sadd.s32 s2, s17  }
0x8e: {  	[smem:$0x3FC0] =	sst s2  }
0x8f: {  	_ = 	snop  }
0x90: {  	s2 =	sld [smem:$0x3FD0];
	(tm) =	ssettm $0x1  }
0x91: {  	s18 =	sld [smem:$0x3FFB];
	_ =	sdelay $0x3  }
0x92: {  	_ =	strace s18  }
0x93: {  	s3 =	sld [smem:$0x3FFC];
	_ =	sdelay $0x3  }
0x94: {  	_ =	strace s3  }
0x95: {  	s3 =	sld [smem:$0x3FFD];
	_ =	sdelay $0x3  }
0x96: {  	_ =	strace s3  }
0x97: {  	_ =	strace $0x8FFFFFFF  }
0x98: {  	s19 =	sld [smem:$0x3FDB];
	_ =	sdelay $0x1  }
0x99: {  	s4 =	simm.s32 $_scs_section_size  }
0x9a: {  	s5 =	simm.s32 $_size__tile_overlayer_lowered;
	s6 =	simm.s32 $_tile_overlayer_lowered  }
0x9b: {  	s22 =	simm.s32 $0x1BFF;
	s21 =	sshll.u32 s6, $0x1;
	s3 =	sadd.s32 s4, s19  }
0x9c: {  	s7 =	simm.s32 $0x0;
	s20 =	sshll.u32 s5, $0x1;
	s5 =	sadd.s32 s21, s3  }
0x9d: {  	[timem:s7], [sflag:s22] =	dma.local [hbm:s5], s20  }
0x9e: {  	_ =	swait.ge [sflag:s22], s20  }
0x9f: {  	s4 =	ssub.s32 $0x0, s20;
	[sflag:s22] =	ssyncset.done $0x0  }
0xa0: {  	[sflag:s22] =	ssyncadd.s32 s4;
	_ =	sdelay $0x1  }
0xa1: {  	s23 =	simm.s32 $0x1B8B  }
0xa2: {  	_ =	swait.ge [sflag:s23], $0x1  }
0xa3: {  	[sflag:s23] =	ssyncset.done $0x0  }
0xa4: {  	s25 =	simm.s32 $0x1B8E;
	s24 =	sld [smem:$0x3FFE];
	[sflag:s23] =	ssyncadd.s32 $0xFFFFFFFF  }
0xa5: {  	s26 =	simm.s32 $execute0_lowered;
	[smem:$0x3FD2] =	sst s25  }
0xa6: {  	s5 =	sshll.u32 s26, $0x1;
	_ =	strace $0x80000046;
	[dreg:$0x1] =	wrdreg $0xFFFFFFFF  }
0xa7: {  	s28 =	simm.s32 $_size_execute0_lowered;
	s3 =	sadd.s32 s3, s5;
	[dreg:$0x0] =	wrdreg $0x0  }
0xa8: {  	s5 =	sshll.u32 s28, $0x1;
	[dreg:$0x2] =	wrdreg s3  }
0xa9: {  	[dreg:$0x3] =	wrdreg s5  }
0xaa: {  	[dreg:$0x4] =	wrdreg $0xC0  }
0xab: {  	_ =	task [dreg:s7], $0x5FFFF  }
0xac: {  	[dreg:$0x1] =	wrdreg $0xFFFFFFFF  }
0xad: {  	[dreg:$0x0] =	wrdreg $0x60  }
0xae: {  	[dreg:$0x2] =	wrdreg s2  }
0xaf: {  	[dreg:$0x3] =	wrdreg s24  }
0xb0: {  	[dreg:$0x4] =	wrdreg $0x135A00  }
0xb1: {  	[dreg:$0x5] =	wrdreg $0x19CB00  }
0xb2: {  	[dreg:$0x6] =	wrdreg $0x9  }
0xb3: {  	_ =	task.clear_ibuf [dreg:s7], $0x7FFFF;
	_ =	strace $0x90000046  }
0xb4: {  	s29 =	simm.s32 $0x9;
	_ =	strace $0x80000048  }
0xb5: {  	_ =	swait.ge [sflag:s29], $0x1  }
0xb6: {  	[sflag:s29] =	ssyncadd.s32 $0xFFFFFFFF  }
0xb7: {  	_ =	strace $0x90000048  }
0xb8: {  	_ =	sfence  }
0xb9: {  	s30 =	sld [smem:$0x0];
	_ =	sdelay $0x2  }
0xba: {  	s31 =	sshll.u32 s1, $0xD;
	s1 =	sshrl.u32 s1, $0x2  }
0xbb: {  	s3 =	sand.u32 $0x4000, s31;
	s1 =	sadd.s32 s1, s30  }
0xbc: {  	s0 =	sor.u32 s3, s0;
	s1 =	sshll.u32 s1, $0x11  }
0xbd: {  	s0 =	sor.u32 s1, s0  }
0xbe: {  	s0 =	sadd.s32 $0x8F2B, s0  }
0xbf: {  	[sflag:s0] =	ssyncadd.remote.s32 $0x1  }
0xc0: {  	_ =	sfence.sel $0xFFFF  }
0xc1: {  	[dreg:$0x0] =	wrdreg $0xFFFFFFFF;
	(pc) =	sbr.abs _section_cstart, $3  }
0xc2: {  	[dreg:$0x1] =	wrdreg $0xFFFFFFFF  }
0xc3: {  	_ =	task.clear_ibuf [dreg:s7], $0x2FFFF;
	_ =	strace $0x9FFFFFFF  }
0xc4: {  	(tm) =	ssettm $0x7FFFFFFF  }
0xc5: {  	_ =	shalt  }
tec
execute0_lowered:
.L_overlay_start_1:
0x0: {  	(tag) =	ssettag $0x1  }
0x1: {  	s1 =	rddreg [dreg:$0x0]  }
0x2: {  	s0 =	rddreg [dreg:$0x1]  }
0x3: {  	s2 =	srdreg.scid;
	s3 =	rddreg [dreg:$0x2]  }
0x4: {  	s13 =	stileid.u32;
	s4 =	rddreg [dreg:$0x3];
	s17 =	simm.s32 $0x8  }
0x5: {  	s18 =	simm.s32 $0x2710;
	s19 =	simm.s32 $0x400;
	s20 =	simm.s32 $0x4E20  }
0x6: {  	s21 =	simm.s32 $0x8E20;
	s23 =	simm.s32 $0xCE20;
	s28 =	simm.s32 $0x15CB0  }
0x7: {  	s29 =	simm.s32 $0x4;
	s31 =	simm.s32 $0x2;
	s30 =	simm.s32 $0x3  }
0x8: {  	s15 =	simm.s32 $0x4310;
	s16 =	simm.s32 $0x4710;
	s2 =	sand.u32 $0x1, s2  }
0x9: {  	s5 =	sshll.u32 s13, $0x1;
	s7 =	sadd.s32 $0x1FC00, s0;
	s8 =	smul.u32 $0x9E00, s13  }
0xa: {  	s11 =	smul.u32 $0x2780, s13;
	p0 =	seq.s32 s13, $0xF;
	s6 =	sor.u32 s2, s5  }
0xb: {  	s5 =	simm.s32 $0x0;
	s9 =	ssub.s32 $0x2, s2;
	s2 =	smul.u32 $0x27100, s2  }
0xc: {  	s13 =	simm.s32 $0x3F10;
	s6 =	smul.u32 $0x2710, s6;
	[smem:$0x7FF] =	sst s5  }
0xd: {  	s10 =	sshrl.u32 s9, $0x1;
	s8 =	sshrl.u32 s8, $0x2;
	_ =	strace $0x80000047  }
0xe: {  	s10 =	ssub.s32 s9, s10;
	s24 =	sadd.s32 s8, s3;
	s8 =	sadd.s32 s8, s4  }
0xf: {  	s9 =	sadd.s32 $0x25080, s4;
	s12 =	sadd.s32 s11, s2;
	[dreg:$0x5] =	wrdreg s24  }
0x10: {  	s2 =	sshrl.u32 s2, $0x3;
	s6 =	sshrl.u32 s6, $0x3;
	[dreg:$0x6] =	wrdreg s8  }
0x11: {  	s8 =	sadd.s32 $0x25080, s3;
	s25 =	sshrl.u32 s12, $0x3;
	s2 =	sadd.s32 $0x4A10, s2  }
0x12: {  	s26 =	smax.u32 s10, $0x1;
	s10 =	simm.s32 $0x7;
	s24 =	simm.s32 $0x4B10  }
0x13: {  	s6 =	sadd.s32 s6, s0;
	s12 =	sadd.s32 s7, s25;
	[dreg:$0xd] =	wrdreg s26  }
0x14: {  	s0 =	sadd.s32 $0x15E00, s0;
	s7 =	sadd.s32 s7, s2;
	[dreg:$0x9] =	wrdreg s12  }
0x15: {  	s26 =	simm.s32 $0x1;
	s14 =	sadd.s32 $0x2400, s6;
	[dreg:$0xb] =	wrdreg s7  }
0x16: {  	s6 =	sadd.s32 $0xC040, s6;
	s12 =	sadd.s32 s11, s3;
	[dreg:$0x7] =	wrdreg s14  }
0x17: {  	[dreg:$0x8] =	wrdreg s6;
	s6 =	sadd.s32 s0, s25;
	s0 =	sadd.s32 s0, s2  }
0x18: {  	s14 =	simm.s32 $0x310;
	s25 =	simm.s32 $0x0;
	[dreg:$0xa] =	wrdreg s6  }
0x19: {  	s6 =	sadd.s32 s11, s4;
	[dreg:$0xc] =	wrdreg s0;
	s0 =	sshrl.u32 @!p0 s12, $0x3  }
0x1a: {  	s12 =	simm.s32 $0x3B10;
	[dreg:$0xe] =	wrdreg s0;
	s0 =	sshrl.u32 @!p0 s6, $0x3  }
0x1b: {  	v0 =	vimm.f32 $0.0e+00;
	v1 =	vimm.f32 $1.000000000e+00;
	s6 =	simm.s32 $0x6;
	[dreg:$0xf] =	wrdreg s0;
	s0 =	simm.s32 $0x5  }
.LBB2_1:
0x1c: {  	s2 =	simm.s32 $0x0;
	s22 =	simm.s32 $0x200  }
.LBB2_2:
0x1d: {  	p1 =	sne.s32 s22, $0x9C00;
	[tilespmem:s2+$0x10E90] =	vst v0  }
0x1e: {  	[tilespmem:s2+$0x10E20] =	vst v0  }
0x1f: {  	[tilespmem:s2+$0x10E30] =	vst v0  }
.Ltmp0:
0x20: {  	[tilespmem:s2+$0x10E40] =	vst v0;
	(pc) =	sbr.rel @p1 .LBB2_2-.Ltmp0, $4  }
0x21: {  	[tilespmem:s2+$0x10E50] =	vst v0  }
0x22: {  	[tilespmem:s2+$0x10E60] =	vst v0  }
0x23: {  	[tilespmem:s2+$0x10E70] =	vst v0  }
0x24: {  	[tilespmem:s2+$0x10E80] =	vst v0;
	s2 =	sshra.s32 s22, $0x2;
	s22 =	sadd.s32 $0x200, s22  }
0x25: {  	[tilespmem:s2+$0x10E90] =	vst v0  }
0x26: {  	[tilespmem:s2+$0x10E20] =	vst v0  }
0x27: {  	[tilespmem:s2+$0x10E30] =	vst v0  }
0x28: {  	[tilespmem:s2+$0x10E40] =	vst v0  }
0x29: {  	[tilespmem:s2+$0x10E50] =	vst v0  }
0x2a: {  	[tilespmem:s2+$0x10E60] =	vst v0  }
0x2b: {  	[tilespmem:s2+$0x10E70] =	vst v0  }
0x2c: {  	[tilespmem:s2+$0x10E80] =	vst v0;
	s2 =	simm.s32 @p0 $0x10E20;
	s22 =	simm.s32 @p0 $0x8  }
0x2d: {  	[spmem:s8] =	stream.linear.scatter @p0 [tilespmem:s2], [sflag:$0x8], $0x2080, $0x38;
	[tilespmem:$0x1C3C0] =	vst v63  }
0x2e: {  	_ =	swait.ge @p0 [sflag:s22], $0x2080  }
0x2f: {  	[sflag:s22] =	ssyncset.done @p0 $0x0  }
0x30: {  	[sflag:s22] =	ssyncadd.s32 @p0 $0xFFFFDF80  }
0x31: {  	[spmem:s9] =	stream.linear.scatter @p0 [tilespmem:s2], [sflag:$0x8], $0x2080, $0x38;
	[tilespmem:$0x1C3C0] =	vst v63  }
0x32: {  	_ =	swait.ge @p0 [sflag:s22], $0x2080  }
0x33: {  	s2 =	simm.s32 @!p0 $0x10E20;
	[sflag:s22] =	ssyncset.done @p0 $0x0  }
0x34: {  	s7 =	rddreg [dreg:$0x5];
	[sflag:s22] =	ssyncadd.s32 @p0 $0xFFFFDF80;
	s22 =	simm.s32 @!p0 $0x8  }
0x35: {  	[spmem:s7] =	stream.linear.scatter @!p0 [tilespmem:s2], [sflag:$0x8], $0x2780, $0x38;
	[tilespmem:$0x1C3C0] =	vst v63  }
0x36: {  	_ =	swait.ge @!p0 [sflag:s22], $0x2780  }
0x37: {  	[sflag:s22] =	ssyncset.done @!p0 $0x0  }
0x38: {  	s7 =	rddreg [dreg:$0x6];
	[sflag:s22] =	ssyncadd.s32 @!p0 $0xFFFFD880  }
0x39: {  	[spmem:s7] =	stream.linear.scatter @!p0 [tilespmem:s2], [sflag:$0x8], $0x2780, $0x38;
	[tilespmem:$0x1C3C0] =	vst v63  }
0x3a: {  	_ =	swait.ge @!p0 [sflag:s22], $0x2780  }
0x3b: {  	[sflag:s22] =	ssyncset.done @!p0 $0x0  }
0x3c: {  	s2 =	simm.s32 $0x0;
	[sflag:s22] =	ssyncadd.s32 @!p0 $0xFFFFD880;
	s22 =	simm.s32 $0x200  }
.LBB2_4:
0x3d: {  	p1 =	sne.s32 s22, $0xFE00;
	[tilespmem:s2+$0x15D20] =	vst v1  }
0x3e: {  	[tilespmem:s2+$0x15CB0] =	vst v1  }
0x3f: {  	[tilespmem:s2+$0x15CC0] =	vst v1  }
.Ltmp1:
0x40: {  	[tilespmem:s2+$0x15CD0] =	vst v1;
	(pc) =	sbr.rel @p1 .LBB2_4-.Ltmp1, $4  }
0x41: {  	[tilespmem:s2+$0x15CE0] =	vst v1  }
0x42: {  	[tilespmem:s2+$0x15CF0] =	vst v1  }
0x43: {  	[tilespmem:s2+$0x15D00] =	vst v1  }
0x44: {  	[tilespmem:s2+$0x15D10] =	vst v1;
	s2 =	sshra.s32 s22, $0x2;
	s22 =	sadd.s32 $0x200, s22  }
0x45: {  	[tilespmem:s2+$0x15D20] =	vst v1  }
0x46: {  	[tilespmem:s2+$0x15CB0] =	vst v1  }
0x47: {  	[tilespmem:s2+$0x15CC0] =	vst v1  }
0x48: {  	[tilespmem:s2+$0x15CD0] =	vst v1  }
0x49: {  	[tilespmem:s2+$0x15CE0] =	vst v1  }
0x4a: {  	[tilespmem:s2+$0x15CF0] =	vst v1  }
0x4b: {  	[tilespmem:s2+$0x15D00] =	vst v1  }
0x4c: {  	[tilespmem:s2+$0x15D10] =	vst v1;
	s7 =	rddreg [dreg:$0x7]  }
0x4d: {  	[tilespmem:s5], [sflag:$0x8] =	stream.linear.gather [hbm4b:s7+s5], $0x2710, $0x38;
	[tilespmem:$0x1C3C0] =	vst v63  }
0x4e: {  	_ =	swait.ge [sflag:s17], $0x2710  }
0x4f: {  	[sflag:s17] =	ssyncset.done $0x0  }
0x50: {  	s11 =	rddreg [dreg:$0x8];
	[sflag:s17] =	ssyncadd.s32 $0xFFFFD8F0  }
0x51: {  	[tilespmem:s18], [sflag:$0x8] =	stream.linear.gather [hbm4b:s11+s5], $0x2710, $0x38;
	[tilespmem:$0x1C3C0] =	vst v63  }
0x52: {  	_ =	swait.ge [sflag:s17], $0x2710  }
0x53: {  	[sflag:s17] =	ssyncset.done $0x0  }
0x54: {  	[sflag:s17] =	ssyncadd.s32 $0xFFFFD8F0  }
0x55: {  	[bflag:$0x0] =	sbarrier.arrive $0xFFFF  }
0x56: {  	[tilespmem:s20], [sflag:$0x1] =	stream.indirect.gather [hbm4b:s1+s19], $0x10, s5, s19, $0xb8;
	[tilespmem:$0x1C3C0] =	vst v63  }
0x57: {  	_ = 	snop  }
0x58: {  	[tilespmem:s21], [sflag:$0x2] =	stream.indirect.gather [hbm4b:s1+s19], $0x10, s19, s19, $0xb8;
	[tilespmem:$0x1C3C0] =	vst v63  }
0x59: {  	s22 =	simm.s32 $0x800  }
0x5a: {  	[tilespmem:s23], [sflag:$0x3] =	stream.indirect.gather [hbm4b:s1+s19], $0x10, s22, s19, $0xb8;
	[tilespmem:$0x1C3C0] =	vst v63  }
0x5b: {  	_ =	swait.ge [sflag:s26], $0x4000  }
0x5c: {  	[sflag:s26] =	ssyncset.done $0x0  }
0x5d: {  	[sflag:s26] =	ssyncadd.s32 $0xFFFFC000  }
0x5e: {  	[spmem:s3] =	stream.indirect.scatter.add.f32 [tilespmem:s20], [sflag:$0x4], $0x10, s18, s19, $0xb8;
	[tilespmem:$0x1C3C0] =	vst v63  }
0x5f: {  	_ = 	snop  }
0x60: {  	[spmem:s4] =	stream.indirect.scatter.add.f32 [tilespmem:s28], [sflag:$0x7], $0x10, s18, s19, $0xb8;
	[tilespmem:$0x1C3C0] =	vst v63  }
0x61: {  	_ =	swait.ge [sflag:s29], $0x4000  }
0x62: {  	[sflag:s29] =	ssyncset.done $0x0  }
0x63: {  	s7 =	simm.s32 $0xC00;
	[sflag:s29] =	ssyncadd.s32 $0xFFFFC000  }
0x64: {  	[tilespmem:s20], [sflag:$0x1] =	stream.indirect.gather [hbm4b:s1+s19], $0x10, s7, s19, $0xb8;
	[tilespmem:$0x1C3C0] =	vst v63  }
0x65: {  	_ =	swait.ge [sflag:s31], $0x4000  }
0x66: {  	[sflag:s31] =	ssyncset.done $0x0  }
0x67: {  	s11 =	simm.s32 $0x2B10;
	[sflag:s31] =	ssyncadd.s32 $0xFFFFC000  }
0x68: {  	[spmem:s3] =	stream.indirect.scatter.add.f32 [tilespmem:s21], [sflag:$0x5], $0x10, s11, s19, $0xb8;
	[tilespmem:$0x1C3C0] =	vst v63  }
0x69: {  	_ = 	snop  }
0x6a: {  	[spmem:s4] =	stream.indirect.scatter.add.f32 [tilespmem:s28], [sflag:$0x7], $0x10, s11, s19, $0xb8;
	[tilespmem:$0x1C3C0] =	vst v63  }
0x6b: {  	_ =	swait.ge [sflag:s0], $0x4000  }
0x6c: {  	[sflag:s0] =	ssyncset.done $0x0  }
0x6d: {  	s22 =	simm.s32 $0x1000;
	[sflag:s0] =	ssyncadd.s32 $0xFFFFC000  }
0x6e: {  	[tilespmem:s21], [sflag:$0x2] =	stream.indirect.gather [hbm4b:s1+s19], $0x10, s22, s19, $0xb8;
	[tilespmem:$0x1C3C0] =	vst v63  }
0x6f: {  	_ =	swait.ge [sflag:s30], $0x4000  }
0x70: {  	[sflag:s30] =	ssyncset.done $0x0  }
0x71: {  	s7 =	simm.s32 $0x2F10;
	[sflag:s30] =	ssyncadd.s32 $0xFFFFC000  }
0x72: {  	[spmem:s3] =	stream.indirect.scatter.add.f32 [tilespmem:s23], [sflag:$0x6], $0x10, s7, s19, $0xb8;
	[tilespmem:$0x1C3C0] =	vst v63  }
0x73: {  	_ = 	snop  }
0x74: {  	[spmem:s4] =	stream.indirect.scatter.add.f32 [tilespmem:s28], [sflag:$0x7], $0x10, s7, s19, $0xb8;
	[tilespmem:$0x1C3C0] =	vst v63  }
0x75: {  	_ =	swait.ge [sflag:s6], $0x4000  }
0x76: {  	[sflag:s6] =	ssyncset.done $0x0  }
0x77: {  	s11 =	simm.s32 $0x1400;
	[sflag:s6] =	ssyncadd.s32 $0xFFFFC000  }
0x78: {  	[tilespmem:s23], [sflag:$0x3] =	stream.indirect.gather [hbm4b:s1+s19], $0x10, s11, s19, $0xb8;
	[tilespmem:$0x1C3C0] =	vst v63  }
0x79: {  	_ =	swait.ge [sflag:s26], $0x4000  }
0x7a: {  	[sflag:s26] =	ssyncset.done $0x0  }
0x7b: {  	s22 =	simm.s32 $0x3310;
	[sflag:s26] =	ssyncadd.s32 $0xFFFFC000  }
0x7c: {  	[spmem:s3] =	stream.indirect.scatter.add.f32 [tilespmem:s20], [sflag:$0x4], $0x10, s22, s19, $0xb8;
	[tilespmem:$0x1C3C0] =	vst v63  }
0x7d: {  	_ = 	snop  }
0x7e: {  	[spmem:s4] =	stream.indirect.scatter.add.f32 [tilespmem:s28], [sflag:$0x7], $0x10, s22, s19, $0xb8;
	[tilespmem:$0x1C3C0] =	vst v63  }
0x7f: {  	_ =	swait.ge [sflag:s10], $0x4000  }
0x80: {  	[sflag:s10] =	ssyncset.done $0x0  }
0x81: {  	[sflag:s10] =	ssyncadd.s32 $0xFFFFC000  }
0x82: {  	_ =	swait.ge [sflag:s29], $0x4000  }
0x83: {  	[sflag:s29] =	ssyncset.done $0x0  }
0x84: {  	s7 =	simm.s32 $0x1800;
	[sflag:s29] =	ssyncadd.s32 $0xFFFFC000  }
0x85: {  	[tilespmem:s20], [sflag:$0x1] =	stream.indirect.gather [hbm4b:s1+s19], $0x10, s7, s19, $0xb8;
	[tilespmem:$0x1C3C0] =	vst v63  }
0x86: {  	_ =	swait.ge [sflag:s31], $0x4000  }
0x87: {  	[sflag:s31] =	ssyncset.done $0x0  }
0x88: {  	s11 =	simm.s32 $0x3710;
	[sflag:s31] =	ssyncadd.s32 $0xFFFFC000  }
0x89: {  	[spmem:s3] =	stream.indirect.scatter.add.f32 [tilespmem:s21], [sflag:$0x5], $0x10, s11, s19, $0xb8;
	[tilespmem:$0x1C3C0] =	vst v63  }
0x8a: {  	_ = 	snop  }
0x8b: {  	[spmem:s4] =	stream.indirect.scatter.add.f32 [tilespmem:s28], [sflag:$0x7], $0x10, s11, s19, $0xb8;
	[tilespmem:$0x1C3C0] =	vst v63  }
0x8c: {  	_ =	swait.ge [sflag:s10], $0x4000  }
0x8d: {  	[sflag:s10] =	ssyncset.done $0x0  }
0x8e: {  	[sflag:s10] =	ssyncadd.s32 $0xFFFFC000  }
0x8f: {  	_ =	swait.ge [sflag:s0], $0x4000  }
0x90: {  	[sflag:s0] =	ssyncset.done $0x0  }
0x91: {  	s22 =	simm.s32 $0x1C00;
	[sflag:s0] =	ssyncadd.s32 $0xFFFFC000  }
0x92: {  	[tilespmem:s21], [sflag:$0x2] =	stream.indirect.gather [hbm4b:s1+s19], $0x10, s22, s19, $0xb8;
	[tilespmem:$0x1C3C0] =	vst v63  }
0x93: {  	_ =	swait.ge [sflag:s30], $0x4000  }
0x94: {  	[sflag:s30] =	ssyncset.done $0x0  }
0x95: {  	[sflag:s30] =	ssyncadd.s32 $0xFFFFC000  }
0x96: {  	[spmem:s3] =	stream.indirect.scatter.add.f32 [tilespmem:s23], [sflag:$0x6], $0x10, s12, s19, $0xb8;
	[tilespmem:$0x1C3C0] =	vst v63  }
0x97: {  	_ = 	snop  }
0x98: {  	[spmem:s4] =	stream.indirect.scatter.add.f32 [tilespmem:s28], [sflag:$0x7], $0x10, s12, s19, $0xb8;
	[tilespmem:$0x1C3C0] =	vst v63  }
0x99: {  	_ =	swait.ge [sflag:s10], $0x4000  }
0x9a: {  	[sflag:s10] =	ssyncset.done $0x0  }
0x9b: {  	[sflag:s10] =	ssyncadd.s32 $0xFFFFC000  }
0x9c: {  	_ =	swait.ge [sflag:s6], $0x4000  }
0x9d: {  	[sflag:s6] =	ssyncset.done $0x0  }
0x9e: {  	s7 =	simm.s32 $0x2000;
	[sflag:s6] =	ssyncadd.s32 $0xFFFFC000  }
0x9f: {  	[tilespmem:s23], [sflag:$0x3] =	stream.indirect.gather [hbm4b:s1+s19], $0x10, s7, s19, $0xb8;
	[tilespmem:$0x1C3C0] =	vst v63  }
0xa0: {  	_ =	swait.ge [sflag:s26], $0x4000  }
0xa1: {  	[sflag:s26] =	ssyncset.done $0x0  }
0xa2: {  	[sflag:s26] =	ssyncadd.s32 $0xFFFFC000  }
0xa3: {  	[spmem:s3] =	stream.indirect.scatter.add.f32 [tilespmem:s20], [sflag:$0x4], $0x10, s13, s19, $0xb8;
	[tilespmem:$0x1C3C0] =	vst v63  }
0xa4: {  	_ = 	snop  }
0xa5: {  	[spmem:s4] =	stream.indirect.scatter.add.f32 [tilespmem:s28], [sflag:$0x7], $0x10, s13, s19, $0xb8;
	[tilespmem:$0x1C3C0] =	vst v63  }
0xa6: {  	_ =	swait.ge [sflag:s10], $0x4000  }
0xa7: {  	[sflag:s10] =	ssyncset.done $0x0  }
0xa8: {  	[sflag:s10] =	ssyncadd.s32 $0xFFFFC000  }
0xa9: {  	_ =	swait.ge [sflag:s29], $0x4000  }
0xaa: {  	[sflag:s29] =	ssyncset.done $0x0  }
0xab: {  	s11 =	simm.s32 $0x2400;
	[sflag:s29] =	ssyncadd.s32 $0xFFFFC000  }
0xac: {  	[tilespmem:s20], [sflag:$0x1] =	stream.indirect.gather [hbm4b:s1+s14], $0x10, s11, s14, $0xb8;
	[tilespmem:$0x1C3C0] =	vst v63  }
0xad: {  	_ =	swait.ge [sflag:s31], $0x4000  }
0xae: {  	[sflag:s31] =	ssyncset.done $0x0  }
0xaf: {  	[sflag:s31] =	ssyncadd.s32 $0xFFFFC000  }
0xb0: {  	[spmem:s3] =	stream.indirect.scatter.add.f32 [tilespmem:s21], [sflag:$0x5], $0x10, s15, s19, $0xb8;
	[tilespmem:$0x1C3C0] =	vst v63  }
0xb1: {  	_ = 	snop  }
0xb2: {  	[spmem:s4] =	stream.indirect.scatter.add.f32 [tilespmem:s28], [sflag:$0x7], $0x10, s15, s19, $0xb8;
	[tilespmem:$0x1C3C0] =	vst v63  }
0xb3: {  	_ =	swait.ge [sflag:s10], $0x4000  }
0xb4: {  	[sflag:s10] =	ssyncset.done $0x0  }
0xb5: {  	[sflag:s10] =	ssyncadd.s32 $0xFFFFC000  }
0xb6: {  	_ =	swait.ge [sflag:s0], $0x4000  }
0xb7: {  	[sflag:s0] =	ssyncset.done $0x0  }
0xb8: {  	[sflag:s0] =	ssyncadd.s32 $0xFFFFC000  }
0xb9: {  	_ =	swait.ge [sflag:s30], $0x4000  }
0xba: {  	[sflag:s30] =	ssyncset.done $0x0  }
0xbb: {  	[sflag:s30] =	ssyncadd.s32 $0xFFFFC000  }
0xbc: {  	[spmem:s3] =	stream.indirect.scatter.add.f32 [tilespmem:s23], [sflag:$0x6], $0x10, s16, s19, $0xb8;
	[tilespmem:$0x1C3C0] =	vst v63  }
0xbd: {  	_ = 	snop  }
0xbe: {  	[spmem:s4] =	stream.indirect.scatter.add.f32 [tilespmem:s28], [sflag:$0x7], $0x10, s16, s19, $0xb8;
	[tilespmem:$0x1C3C0] =	vst v63  }
0xbf: {  	_ =	swait.ge [sflag:s10], $0x4000  }
0xc0: {  	[sflag:s10] =	ssyncset.done $0x0  }
0xc1: {  	[sflag:s10] =	ssyncadd.s32 $0xFFFFC000  }
0xc2: {  	_ =	swait.ge [sflag:s6], $0x4000  }
0xc3: {  	[sflag:s6] =	ssyncset.done $0x0  }
0xc4: {  	[sflag:s6] =	ssyncadd.s32 $0xFFFFC000  }
0xc5: {  	_ =	swait.ge [sflag:s26], $0x3100  }
0xc6: {  	[sflag:s26] =	ssyncset.done $0x0  }
0xc7: {  	[sflag:s26] =	ssyncadd.s32 $0xFFFFCF00  }
0xc8: {  	[spmem:s3] =	stream.indirect.scatter.add.f32 [tilespmem:s20], [sflag:$0x4], $0x10, s24, s14, $0xb8;
	[tilespmem:$0x1C3C0] =	vst v63  }
0xc9: {  	_ = 	snop  }
0xca: {  	[spmem:s4] =	stream.indirect.scatter.add.f32 [tilespmem:s28], [sflag:$0x7], $0x10, s24, s14, $0xb8;
	[tilespmem:$0x1C3C0] =	vst v63  }
0xcb: {  	_ =	swait.ge [sflag:s10], $0x4000  }
0xcc: {  	[sflag:s10] =	ssyncset.done $0x0  }
0xcd: {  	[sflag:s10] =	ssyncadd.s32 $0xFFFFC000  }
0xce: {  	_ =	swait.ge [sflag:s29], $0x3100  }
0xcf: {  	[sflag:s29] =	ssyncset.done $0x0  }
0xd0: {  	[sflag:s29] =	ssyncadd.s32 $0xFFFFCF00  }
0xd1: {  	_ =	swait.ge [sflag:s10], $0x4000  }
0xd2: {  	[sflag:s10] =	ssyncset.done $0x0  }
0xd3: {  	[sflag:s10] =	ssyncadd.s32 $0xFFFFC000  }
0xd4: {  	_ =	swait.ge [sflag:s10], $0x4000  }
0xd5: {  	[sflag:s10] =	ssyncset.done $0x0  }
0xd6: {  	[sflag:s10] =	ssyncadd.s32 $0xFFFFC000  }
0xd7: {  	_ =	swait.ge [sflag:s10], $0x3100  }
0xd8: {  	[sflag:s10] =	ssyncset.done $0x0  }
0xd9: {  	[sflag:s10] =	ssyncadd.s32 $0xFFFFCF00  }
0xda: {  	[bflag:$0x0] =	sbarrier.arrive $0xFFFF  }
0xdb: {  	s2 =	sshrl.u32 @p0 s8, $0x3;
	s22 =	simm.s32 @p0 $0x1FC8;
	s7 =	rddreg [dreg:$0xb]  }
0xdc: {  	[hbm:s7], [sflag:s22] =	dma.local @p0 [spmem:s2], $0x410  }
0xdd: {  	s2 =	simm.s32 @p0 $0x8  }
0xde: {  	_ =	swait.ge @p0 [sflag:s2], $0x410  }
0xdf: {  	[sflag:s2] =	ssyncset.done @p0 $0x0  }
0xe0: {  	s7 =	sshrl.u32 @p0 s9, $0x3;
	s11 =	rddreg [dreg:$0xc];
	[sflag:s2] =	ssyncadd.s32 @p0 $0xFFFFFBF0  }
0xe1: {  	[hbm:s11], [sflag:s22] =	dma.local @p0 [spmem:s7], $0x410  }
0xe2: {  	s7 =	stileid.u32;
	_ =	swait.ge @p0 [sflag:s2], $0x410  }
0xe3: {  	s7 =	sshll.u32 @!p0 s7, $0x6;
	[sflag:s2] =	ssyncset.done @p0 $0x0;
	s11 =	rddreg [dreg:$0xe]  }
0xe4: {  	[sflag:s2] =	ssyncadd.s32 @p0 $0xFFFFFBF0;
	s2 =	sor.u32 @!p0 $0x1C08, s7;
	s7 =	rddreg [dreg:$0x9]  }
0xe5: {  	[hbm:s7], [sflag:s2] =	dma.local @!p0 [spmem:s11], $0x4F0  }
0xe6: {  	s7 =	simm.s32 @!p0 $0x8  }
0xe7: {  	_ =	swait.ge @!p0 [sflag:s7], $0x4F0  }
0xe8: {  	[sflag:s7] =	ssyncset.done @!p0 $0x0;
	s22 =	rddreg [dreg:$0xa]  }
0xe9: {  	s11 =	rddreg [dreg:$0xf];
	[sflag:s7] =	ssyncadd.s32 @!p0 $0xFFFFFB10  }
0xea: {  	[hbm:s22], [sflag:s2] =	dma.local @!p0 [spmem:s11], $0x4F0  }
0xeb: {  	_ =	swait.ge @!p0 [sflag:s7], $0x4F0  }
0xec: {  	s25 =	sadd.s32 $0x1, s25;
	s22 =	rddreg [dreg:$0xd]  }
0xed: {  	p1 =	sne.s32 s25, s22  }
.Ltmp2:
0xee: {  	_ = 	snop;
	(pc) =	sbr.rel @p1 .LBB2_1-.Ltmp2, $3  }
0xef: {  	_ =	sdelay $0x1  }
0xf0: {  	[sflag:s7] =	ssyncset.done @!p0 $0x0  }
0xf1: {  	[sflag:s7] =	ssyncadd.s32 @!p0 $0xFFFFFB10  }
0xf2: {  	_ =	sfence.sel $0x180000  }
0xf3: {  	[bflag:$0x0] =	sbarrier.arrive $0xFFFF  }
0xf4: {  	_ =	strace $0x90000047  }
0xf5: {  	s0 =	stileid.u32;
	[bflag:$0x2] =	sbarrier.arrive $0xFFFF  }
0xf6: {  	p0 =	sne.s32 s0, $0x0;
	s0 =	rddreg [dreg:$0x4]  }
0xf7: {  	s0 =	sadd.s32 @!p0 $0x100000, s0  }
0xf8: {  	[sflag:s0] =	ssyncadd.tile.s32 @!p0 $0x1;
	_ =	shalt  }
.Lfunc_end2:
_tile_overlayer_lowered:
.L_overlay_start_2:
0xf9: {  	(tag) =	ssettag $0x2  }
0xfa: {  	s0 =	rddreg [dreg:$0x0];
	s2 =	stileid.u32  }
0xfb: {  	s1 =	rddreg [dreg:$0x1];
	p0 =	sne.s32 s2, $0x0  }
0xfc: {  	s3 =	rddreg [dreg:$0x2];
	[bflag:$0x3] =	sbarrier.arrive $0xFFFF;
	s2 =	simm.s32 @!p0 $0x1C08  }
0xfd: {  	[timem:s3], [sflag:s2] =	dma.local @!p0 [hbm:s0], s1  }
0xfe: {  	s0 =	simm.s32 @!p0 $0x8  }
0xff: {  	_ =	swait.ge @!p0 [sflag:s0], s1  }
0x100: {  	s1 =	ssub.s32 @!p0 $0x0, s1;
	[sflag:s0] =	ssyncset.done @!p0 $0x0  }
0x101: {  	[sflag:s0] =	ssyncadd.s32 @!p0 s1  }
0x102: {  	[bflag:$0x3] =	sbarrier.arrive $0xFFFF  }
0x103: {  	_ =	shalt  }

</sc_bundles>
